<compile_context>
chip_gen: v7x
topology: tpu7x:2x2x1
jax: 0.10.2.dev20260603
libtpu: 0.0.44.dev20260713+nightly
codegen_flags: <defaults>
</compile_context>

<pallas_src>
import functools

import jax
import jax.numpy as jnp
from jax import lax
from jax.experimental import pallas as pl
from jax.experimental.pallas import tpu as pltpu
from jax.experimental.pallas import tpu_sc as plsc

NUM_CORES = 2
NUM_SUBCORES = 16
NW = NUM_CORES * NUM_SUBCORES

VOCAB = 1_000_000
EMB = 32
SEQ = 50
BATCH = 16384
B_PER_W = BATCH // NW

SROWS = VOCAB // 4

STCH = 128
N_STCH = VOCAB // STCH
STAIL = VOCAB - N_STCH * STCH
SRING = 2

CHUNK = 128
N_CH2 = SEQ * (B_PER_W // CHUNK)
GBUF = 2


def _stage_body(table_hbm, tail_hbm, staged_hbm, tcs, sts, tl_v, lsems, ssems):
    cid = lax.axis_index("c")
    sid = lax.axis_index("s")
    wid = sid * NUM_CORES + cid
    lanes = lax.iota(jnp.int32, 16)
    diags = [lax.bitwise_and(lanes + t, 15) for t in range(16)]

    n_mine = (N_STCH - wid + NW - 1) // NW

    def start_load(c, j):
        pltpu.async_copy(table_hbm.at[:, pl.ds(c * STCH, STCH)], tcs[j],
                         lsems[j])

    def wait_load(j):
        pltpu.make_async_copy(table_hbm.at[:, pl.ds(0, STCH)], tcs[j],
                              lsems[j]).wait()

    def start_store(c, j):
        pltpu.async_copy(sts[j], staged_hbm.at[pl.ds(c * (STCH // 4),
                                                     STCH // 4)], ssems[j])

    def wait_store(j):
        pltpu.make_async_copy(sts[j], staged_hbm.at[pl.ds(0, STCH // 4)],
                              ssems[j]).wait()

    def transpose(src, dst, width):
        @pl.loop(0, width // 16)
        def _(ii):
            iv = ii * 16 + lanes
            qloc = lax.shift_right_logical(iv, 2)
            colbase = lax.shift_left(lax.bitwise_and(iv, 3), 5)
            for d0 in (0, 16):
                for t in range(16):
                    dvec = d0 + diags[t]
                    vec = plsc.load_gather(src, [dvec, iv])
                    plsc.store_scatter(dst, [qloc, colbase + dvec], vec)

    for j in range(SRING):
        start_load(wid + NW * j, j)

    @pl.loop(0, n_mine, step=SRING)
    def _run(t):
        for j in range(SRING):
            tj = t + j

            @pl.when(tj < n_mine)
            def _():
                wait_load(j)

                @pl.when(tj >= SRING)
                def _():
                    wait_store(j)

                transpose(tcs[j], sts[j], STCH)
                start_store(wid + NW * tj, j)

                @pl.when(tj + SRING < n_mine)
                def _():
                    start_load(wid + NW * (tj + SRING), j)

    for j in range(SRING):
        @pl.when(n_mine > j)
        def _():
            wait_store(j)

    @pl.when(wid == NW - 1)
    def _tail():
        pltpu.async_copy(tail_hbm, tl_v, lsems[0]).wait()
        transpose(tl_v, sts[0], STAIL)
        pltpu.async_copy(
            sts[0].at[pl.ds(0, STAIL // 4)],
            staged_hbm.at[pl.ds(N_STCH * (STCH // 4), STAIL // 4)],
            ssems[0]).wait()


@jax.jit
def _stage(table_t, tail_t):
    mesh = plsc.VectorSubcoreMesh(core_axis_name="c", subcore_axis_name="s")
    return pl.kernel(
        _stage_body,
        out_type=jax.ShapeDtypeStruct((SROWS, 128), jnp.float32),
        mesh=mesh,
        compiler_params=pltpu.CompilerParams(
            use_tc_tiling_on_sc=True, needs_layout_passes=False),
        scratch_types=(
            [[pltpu.VMEM((EMB, STCH), jnp.float32) for _ in range(SRING)]]
            + [[pltpu.VMEM((STCH // 4, 128), jnp.float32)
                for _ in range(SRING)]]
            + [pltpu.VMEM((EMB, STAIL), jnp.float32)]
            + [[pltpu.SemaphoreType.DMA for _ in range(SRING)]]
            + [[pltpu.SemaphoreType.DMA for _ in range(SRING)]]
        ),
    )(table_t, tail_t)


def _gather_body(idx_hbm, staged, out_hbm, idx_v, qv_list, gb_list,
                 tt_a, tt_b, sem_q, gsem_list, osem_a, osem_b):
    cid = lax.axis_index("c")
    sid = lax.axis_index("s")
    wid = sid * NUM_CORES + cid
    lanes = lax.iota(jnp.int32, 16)

    pltpu.async_copy(
        idx_hbm.at[:, pl.ds(wid * B_PER_W, B_PER_W)], idx_v, sem_q).wait()

    def build_q(m, slot):
        s = lax.shift_right_logical(m, 2)
        cc = lax.bitwise_and(m, 3)

        @pl.loop(0, CHUNK // 16)
        def _(kk):
            k0 = kk * 16
            r = idx_v[s, pl.ds(cc * CHUNK + k0, 16)]
            qv_list[slot][pl.ds(k0, 16)] = lax.shift_right_logical(r, 2)

    def start_gather(slot):
        pltpu.async_copy(staged.at[qv_list[slot]], gb_list[slot],
                         gsem_list[slot])

    def wait_gather(slot):
        pltpu.make_async_copy(staged.at[qv_list[slot]], gb_list[slot],
                              gsem_list[slot]).wait()

    diags = [lax.bitwise_and(lanes + t, 15) for t in range(16)]

    def extract(m, slot, tt_v):
        s = lax.shift_right_logical(m, 2)
        cc = lax.bitwise_and(m, 3)
        gb = gb_list[slot]

        @pl.loop(0, CHUNK // 16)
        def _(kk):
            k0 = kk * 16
            r = idx_v[s, pl.ds(cc * CHUNK + k0, 16)]
            col0 = lax.shift_left(lax.bitwise_and(r, 3), 5)
            kv = k0 + lanes
            for d0 in (0, 16):
                for t in range(16):
                    dvec = d0 + diags[t]
                    vec = plsc.load_gather(gb, [kv, col0 + dvec])
                    plsc.store_scatter(tt_v, [dvec, kv], vec)

    def out_ref(m):
        s = lax.shift_right_logical(m, 2)
        cc = lax.bitwise_and(m, 3)
        return out_hbm.at[s, :, pl.ds(wid * B_PER_W + cc * CHUNK, CHUNK)]

    def wait_store(tt_v, osem):
        pltpu.make_async_copy(
            tt_v, out_hbm.at[0, :, pl.ds(0, CHUNK)], osem).wait()

    for b in range(GBUF):
        build_q(jnp.int32(b), b)
        start_gather(b)

    tts = (tt_a, tt_b)
    osems = (osem_a, osem_b)

    @pl.loop(0, N_CH2, step=GBUF)
    def _p2(m):
        for j in range(GBUF):
            mj = m + j
            tb = j % 2

            if j >= 2:
                wait_store(tts[tb], osems[tb])
            else:
                @pl.when(m > 0)
                def _():
                    wait_store(tts[tb], osems[tb])

            wait_gather(j)
            extract(mj, j, tts[tb])
            nxt = mj + GBUF

            @pl.when(nxt < N_CH2)
            def _():
                build_q(nxt, j)
                start_gather(j)

            pltpu.async_copy(tts[tb], out_ref(mj), osems[tb])

    wait_store(tt_a, osem_a)
    wait_store(tt_b, osem_b)


@jax.jit
def _lookup(idx_t, staged):
    mesh = plsc.VectorSubcoreMesh(core_axis_name="c", subcore_axis_name="s")
    return pl.kernel(
        _gather_body,
        out_type=jax.ShapeDtypeStruct((SEQ, EMB, BATCH), jnp.float32),
        mesh=mesh,
        compiler_params=pltpu.CompilerParams(
            use_tc_tiling_on_sc=True, needs_layout_passes=False),
        scratch_types=(
            [pltpu.VMEM((SEQ, B_PER_W), jnp.int32)]
            + [[pltpu.VMEM((CHUNK,), jnp.int32) for _ in range(GBUF)]]
            + [[pltpu.VMEM((CHUNK, 128), jnp.float32) for _ in range(GBUF)]]
            + [pltpu.VMEM((EMB, CHUNK), jnp.float32) for _ in range(2)]
            + [pltpu.SemaphoreType.DMA]
            + [[pltpu.SemaphoreType.DMA for _ in range(GBUF)]]
            + [pltpu.SemaphoreType.DMA for _ in range(2)]
        ),
    )(idx_t, staged)


def kernel(idx, targets, embedding_table):
    del targets
    idx_t = idx.astype(jnp.int32).T
    table_t = embedding_table.T
    tail_t = embedding_table[N_STCH * STCH:].T
    staged = _stage(table_t, tail_t)
    out_t = _lookup(idx_t, staged)
    return jnp.transpose(out_t, (2, 0, 1))

# --- scband reference (transcript-rebuilt; emitter-appended) ---
"""Pipeline reference for scband-transformer-decoder-81518479278248 (READ-ONLY COPY).

The authoritative reference and input builder live on the scoring server;
editing this copy changes nothing except your own understanding.
"""

import jax, jax.numpy as jnp
import numpy as np

NUM_EMBEDDINGS = 1000000
EMBEDDING_DIM = 32

def setup_inputs(seed: int = 0) -> dict:
    key = jax.random.key(seed)
    k1, k2, k3 = jax.random.split(key, 3)
    idx = jax.random.randint(k1, (16384, 50), 0, NUM_EMBEDDINGS, dtype=jnp.int64 if jax.config.jax_enable_x64 else jnp.int32)
    targets = jax.random.randint(k2, (16384, 50), 0, NUM_EMBEDDINGS, dtype=jnp.int64 if jax.config.jax_enable_x64 else jnp.int32)
    embedding_table = jax.random.normal(k3, (NUM_EMBEDDINGS, EMBEDDING_DIM), dtype=jnp.float32)
    return {"idx": idx, "targets": targets, "embedding_table": embedding_table}

def reference(idx, targets, embedding_table):
    # nn.Embedding lookup: gather rows of the table by idx.
    # targets is accepted but unused, matching the torch forward.
    logits = jnp.take(embedding_table, idx, axis=0)
    return logits

if __name__ == "__main__":
    import jax
    _d = setup_inputs()
    print(jax.jit(kernel)(*tuple(_d.values())))

</pallas_src>

<mosaic_0001>
#map = affine_map<(d0, d1) -> (0, 0)>
module attributes {stable_mosaic.version = 14 : i64} {
  func.func @_stage_body(%arg0: i32, %arg1: i32, %arg2: memref<32x1000000xf32, #tpu.memory_space<hbm>>, %arg3: memref<32x64xf32, #tpu.memory_space<hbm>>, %arg4: memref<250000x128xf32, #tpu.memory_space<hbm>>, %arg5: memref<32x128xf32, #tpu.memory_space<vmem>>, %arg6: memref<32x128xf32, #tpu.memory_space<vmem>>, %arg7: memref<32x128xf32, #tpu.memory_space<vmem>>, %arg8: memref<32x128xf32, #tpu.memory_space<vmem>>, %arg9: memref<32x64xf32, #tpu.memory_space<vmem>>, %arg10: memref<!tpu.dma_semaphore, #tpu.memory_space<semaphore_mem>>, %arg11: memref<!tpu.dma_semaphore, #tpu.memory_space<semaphore_mem>>, %arg12: memref<!tpu.dma_semaphore, #tpu.memory_space<semaphore_mem>>, %arg13: memref<!tpu.dma_semaphore, #tpu.memory_space<semaphore_mem>>) attributes {dimension_semantics = [#tpu.dimension_semantics<core_parallel>, #tpu.dimension_semantics<subcore_parallel>], iteration_bounds = array<i64: 2, 16>, scalar_prefetch = 0 : i64, scratch_operands = 9 : i64, tpu.core_type = #tpu.core_type<sc_vector_subcore>, window_params = [{transform_indices = #map}, {transform_indices = #map}, {transform_indices = #map}]} {
    %mul3A = arith.constant 2 : i32
    %mul3A_0 = arith.muli %arg1, %mul3A : i32
    %add3A = arith.addi %mul3A_0, %arg0 : i32
    %iota3A = tpu.iota {dimensions = array<i32: 0>} : vector<16xi32>
    %add3A_1 = arith.constant 0 : i32
    %add3A_2 = vector.broadcast %add3A_1 : i32 to vector<16xi32>
    %add3A_3 = arith.addi %iota3A, %add3A_2 : vector<16xi32>
    %and3A = arith.constant 15 : i32
    %and3A_4 = vector.broadcast %and3A : i32 to vector<16xi32>
    %and3A_5 = arith.andi %add3A_3, %and3A_4 : vector<16xi32>
    %add3A_6 = arith.constant 1 : i32
    %add3A_7 = vector.broadcast %add3A_6 : i32 to vector<16xi32>
    %add3A_8 = arith.addi %iota3A, %add3A_7 : vector<16xi32>
    %and3A_9 = arith.constant 15 : i32
    %and3A_10 = vector.broadcast %and3A_9 : i32 to vector<16xi32>
    %and3A_11 = arith.andi %add3A_8, %and3A_10 : vector<16xi32>
    %add3A_12 = arith.constant 2 : i32
    %add3A_13 = vector.broadcast %add3A_12 : i32 to vector<16xi32>
    %add3A_14 = arith.addi %iota3A, %add3A_13 : vector<16xi32>
    %and3A_15 = arith.constant 15 : i32
    %and3A_16 = vector.broadcast %and3A_15 : i32 to vector<16xi32>
    %and3A_17 = arith.andi %add3A_14, %and3A_16 : vector<16xi32>
    %add3A_18 = arith.constant 3 : i32
    %add3A_19 = vector.broadcast %add3A_18 : i32 to vector<16xi32>
    %add3A_20 = arith.addi %iota3A, %add3A_19 : vector<16xi32>
    %and3A_21 = arith.constant 15 : i32
    %and3A_22 = vector.broadcast %and3A_21 : i32 to vector<16xi32>
    %and3A_23 = arith.andi %add3A_20, %and3A_22 : vector<16xi32>
    %add3A_24 = arith.constant 4 : i32
    %add3A_25 = vector.broadcast %add3A_24 : i32 to vector<16xi32>
    %add3A_26 = arith.addi %iota3A, %add3A_25 : vector<16xi32>
    %and3A_27 = arith.constant 15 : i32
    %and3A_28 = vector.broadcast %and3A_27 : i32 to vector<16xi32>
    %and3A_29 = arith.andi %add3A_26, %and3A_28 : vector<16xi32>
    %add3A_30 = arith.constant 5 : i32
    %add3A_31 = vector.broadcast %add3A_30 : i32 to vector<16xi32>
    %add3A_32 = arith.addi %iota3A, %add3A_31 : vector<16xi32>
    %and3A_33 = arith.constant 15 : i32
    %and3A_34 = vector.broadcast %and3A_33 : i32 to vector<16xi32>
    %and3A_35 = arith.andi %add3A_32, %and3A_34 : vector<16xi32>
    %add3A_36 = arith.constant 6 : i32
    %add3A_37 = vector.broadcast %add3A_36 : i32 to vector<16xi32>
    %add3A_38 = arith.addi %iota3A, %add3A_37 : vector<16xi32>
    %and3A_39 = arith.constant 15 : i32
    %and3A_40 = vector.broadcast %and3A_39 : i32 to vector<16xi32>
    %and3A_41 = arith.andi %add3A_38, %and3A_40 : vector<16xi32>
    %add3A_42 = arith.constant 7 : i32
    %add3A_43 = vector.broadcast %add3A_42 : i32 to vector<16xi32>
    %add3A_44 = arith.addi %iota3A, %add3A_43 : vector<16xi32>
    %and3A_45 = arith.constant 15 : i32
    %and3A_46 = vector.broadcast %and3A_45 : i32 to vector<16xi32>
    %and3A_47 = arith.andi %add3A_44, %and3A_46 : vector<16xi32>
    %add3A_48 = arith.constant 8 : i32
    %add3A_49 = vector.broadcast %add3A_48 : i32 to vector<16xi32>
    %add3A_50 = arith.addi %iota3A, %add3A_49 : vector<16xi32>
    %and3A_51 = arith.constant 15 : i32
    %and3A_52 = vector.broadcast %and3A_51 : i32 to vector<16xi32>
    %and3A_53 = arith.andi %add3A_50, %and3A_52 : vector<16xi32>
    %add3A_54 = arith.constant 9 : i32
    %add3A_55 = vector.broadcast %add3A_54 : i32 to vector<16xi32>
    %add3A_56 = arith.addi %iota3A, %add3A_55 : vector<16xi32>
    %and3A_57 = arith.constant 15 : i32
    %and3A_58 = vector.broadcast %and3A_57 : i32 to vector<16xi32>
    %and3A_59 = arith.andi %add3A_56, %and3A_58 : vector<16xi32>
    %add3A_60 = arith.constant 10 : i32
    %add3A_61 = vector.broadcast %add3A_60 : i32 to vector<16xi32>
    %add3A_62 = arith.addi %iota3A, %add3A_61 : vector<16xi32>
    %and3A_63 = arith.constant 15 : i32
    %and3A_64 = vector.broadcast %and3A_63 : i32 to vector<16xi32>
    %and3A_65 = arith.andi %add3A_62, %and3A_64 : vector<16xi32>
    %add3A_66 = arith.constant 11 : i32
    %add3A_67 = vector.broadcast %add3A_66 : i32 to vector<16xi32>
    %add3A_68 = arith.addi %iota3A, %add3A_67 : vector<16xi32>
    %and3A_69 = arith.constant 15 : i32
    %and3A_70 = vector.broadcast %and3A_69 : i32 to vector<16xi32>
    %and3A_71 = arith.andi %add3A_68, %and3A_70 : vector<16xi32>
    %add3A_72 = arith.constant 12 : i32
    %add3A_73 = vector.broadcast %add3A_72 : i32 to vector<16xi32>
    %add3A_74 = arith.addi %iota3A, %add3A_73 : vector<16xi32>
    %and3A_75 = arith.constant 15 : i32
    %and3A_76 = vector.broadcast %and3A_75 : i32 to vector<16xi32>
    %and3A_77 = arith.andi %add3A_74, %and3A_76 : vector<16xi32>
    %add3A_78 = arith.constant 13 : i32
    %add3A_79 = vector.broadcast %add3A_78 : i32 to vector<16xi32>
    %add3A_80 = arith.addi %iota3A, %add3A_79 : vector<16xi32>
    %and3A_81 = arith.constant 15 : i32
    %and3A_82 = vector.broadcast %and3A_81 : i32 to vector<16xi32>
    %and3A_83 = arith.andi %add3A_80, %and3A_82 : vector<16xi32>
    %add3A_84 = arith.constant 14 : i32
    %add3A_85 = vector.broadcast %add3A_84 : i32 to vector<16xi32>
    %add3A_86 = arith.addi %iota3A, %add3A_85 : vector<16xi32>
    %and3A_87 = arith.constant 15 : i32
    %and3A_88 = vector.broadcast %and3A_87 : i32 to vector<16xi32>
    %and3A_89 = arith.andi %add3A_86, %and3A_88 : vector<16xi32>
    %add3A_90 = arith.constant 15 : i32
    %add3A_91 = vector.broadcast %add3A_90 : i32 to vector<16xi32>
    %add3A_92 = arith.addi %iota3A, %add3A_91 : vector<16xi32>
    %and3A_93 = arith.constant 15 : i32
    %and3A_94 = vector.broadcast %and3A_93 : i32 to vector<16xi32>
    %and3A_95 = arith.andi %add3A_92, %and3A_94 : vector<16xi32>
    %sub3A = arith.constant 7812 : i32
    %sub3A_96 = arith.subi %sub3A, %add3A : i32
    %add3A_97 = arith.constant 32 : i32
    %add3A_98 = arith.addi %sub3A_96, %add3A_97 : i32
    %sub3A_99 = arith.constant 1 : i32
    %sub3A_100 = arith.subi %add3A_98, %sub3A_99 : i32
    %jit3A = arith.constant 32 : i32
    %div3A = arith.divsi %sub3A_100, %jit3A : i32
    %sign3A = arith.constant 0 : i32
    %sign3A_101 = arith.cmpi sgt, %sub3A_100, %sign3A : i32
    %sign3A_102 = arith.extui %sign3A_101 : i1 to i32
    %sign3A_103 = arith.constant 0 : i32
    %sign3A_104 = arith.cmpi slt, %sub3A_100, %sign3A_103 : i32
    %sign3A_105 = arith.extui %sign3A_104 : i1 to i32
    %sign3A_106 = arith.subi %sign3A_102, %sign3A_105 : i32
    %sign3A_107 = arith.constant 0 : i32
    %sign3A_108 = arith.cmpi sgt, %jit3A, %sign3A_107 : i32
    %sign3A_109 = arith.extui %sign3A_108 : i1 to i32
    %sign3A_110 = arith.constant 0 : i32
    %sign3A_111 = arith.cmpi slt, %jit3A, %sign3A_110 : i32
    %sign3A_112 = arith.extui %sign3A_111 : i1 to i32
    %sign3A_113 = arith.subi %sign3A_109, %sign3A_112 : i32
    %ne3A = arith.cmpi ne, %sign3A_106, %sign3A_113 : i32
    %rem3A = arith.remsi %sub3A_100, %jit3A : i32
    %ne3A_114 = arith.constant 0 : i32
    %ne3A_115 = arith.cmpi ne, %rem3A, %ne3A_114 : i32
    %and3A_116 = arith.andi %ne3A, %ne3A_115 : i1
    %sub3A_117 = arith.constant 1 : i32
    %sub3A_118 = arith.subi %div3A, %sub3A_117 : i32
    %select_n3A = arith.select %and3A_116, %sub3A_118, %div3A : i32
    %add3A_119 = arith.constant 0 : i32
    %add3A_120 = arith.addi %add3A, %add3A_119 : i32
    %mul3A_121 = arith.constant 128 : i32
    %mul3A_122 = arith.muli %add3A_120, %mul3A_121 : i32
    %dma_start3A = arith.constant 0 : i32
    %dma_start3A_123 = tpu.memref_slice %arg2[%dma_start3A, %mul3A_122] : memref<32x1000000xf32, #tpu.memory_space<hbm>> -> memref<32x128xf32, #tpu.memory_space<hbm>>
    %dma_start3A_124 = arith.constant 0 : i32
    %dma_start3A_125 = tpu.memref_slice %arg2[%dma_start3A_124, %mul3A_122] : memref<32x1000000xf32, #tpu.memory_space<hbm>> -> memref<32x128xf32, #tpu.memory_space<hbm>>
    tpu.enqueue_dma source(%dma_start3A_125 : memref<32x128xf32, #tpu.memory_space<hbm>>) target(%arg5 : memref<32x128xf32, #tpu.memory_space<vmem>>) target_semaphore(%arg10 : memref<!tpu.dma_semaphore, #tpu.memory_space<semaphore_mem>>)
    %add3A_126 = arith.constant 32 : i32
    %add3A_127 = arith.addi %add3A, %add3A_126 : i32
    %mul3A_128 = arith.constant 128 : i32
    %mul3A_129 = arith.muli %add3A_127, %mul3A_128 : i32
    %dma_start3A_130 = arith.constant 0 : i32
    %dma_start3A_131 = tpu.memref_slice %arg2[%dma_start3A_130, %mul3A_129] : memref<32x1000000xf32, #tpu.memory_space<hbm>> -> memref<32x128xf32, #tpu.memory_space<hbm>>
    %dma_start3A_132 = arith.constant 0 : i32
    %dma_start3A_133 = tpu.memref_slice %arg2[%dma_start3A_132, %mul3A_129] : memref<32x1000000xf32, #tpu.memory_space<hbm>> -> memref<32x128xf32, #tpu.memory_space<hbm>>
    tpu.enqueue_dma source(%dma_start3A_133 : memref<32x128xf32, #tpu.memory_space<hbm>>) target(%arg6 : memref<32x128xf32, #tpu.memory_space<vmem>>) target_semaphore(%arg11 : memref<!tpu.dma_semaphore, #tpu.memory_space<semaphore_mem>>)
    %sub3A_134 = arith.constant 0 : i32
    %sub3A_135 = arith.subi %select_n3A, %sub3A_134 : i32
    %sub3A_136 = arith.constant 2 : i32
    %sub3A_137 = arith.constant 1 : i32
    %sub3A_138 = arith.subi %sub3A_136, %sub3A_137 : i32
    %add3A_139 = arith.addi %sub3A_135, %sub3A_138 : i32
    %div3A_140 = arith.constant 2 : i32
    %div3A_141 = arith.divsi %add3A_139, %div3A_140 : i32
    %while3A = arith.constant 2 : i32
    %while3A_142 = arith.constant 0 : i32
    %while3A_143 = arith.constant 0 : i32
    %while3A_144 = arith.subi %div3A_141, %while3A_143 : i32
    %while3A_145 = arith.addi %while3A_143, %while3A_144 : i32
    %while3A_146 = arith.constant 1 : i32
    %while3A_147 = arith.divsi %while3A_144, %while3A_146 : i32
    %while3A_148 = arith.muli %while3A_147, %while3A_146 : i32
    %while3A_149 = arith.addi %while3A_143, %while3A_148 : i32
    %while3A_150 = arith.constant 1 : i32
    scf.for %while3A_163 = %while3A_143 to %while3A_149 step %while3A_150  : i32 {
      %mul3A_164 = arith.muli %while3A_163, %while3A : i32
      %add3A_165 = arith.addi %while3A_142, %mul3A_164 : i32
      %add3A_166 = arith.constant 0 : i32
      %add3A_167 = arith.addi %add3A_165, %add3A_166 : i32
      %lt3A = arith.cmpi slt, %add3A_167, %select_n3A : i32
      %convert_element_type3A_168 = arith.extui %lt3A : i1 to i32
      %cond3A_169 = arith.constant 0 : i32
      %cond3A_170 = arith.cmpi ne, %convert_element_type3A_168, %cond3A_169 : i32
      scf.if %cond3A_170 {
        %dma_wait3A = arith.constant 0 : i32
        %dma_wait3A_177 = arith.constant 0 : i32
        %dma_wait3A_178 = tpu.memref_slice %arg2[%dma_wait3A, %dma_wait3A_177] : memref<32x1000000xf32, #tpu.memory_space<hbm>> -> memref<32x128xf32, #tpu.memory_space<hbm>>
        %dma_wait3A_179 = arith.constant 0 : i32
        %dma_wait3A_180 = arith.constant 0 : i32
        %dma_wait3A_181 = tpu.memref_slice %arg2[%dma_wait3A_179, %dma_wait3A_180] : memref<32x1000000xf32, #tpu.memory_space<hbm>> -> memref<32x128xf32, #tpu.memory_space<hbm>>
        tpu.wait_dma2 semaphore(%arg10 : memref<!tpu.dma_semaphore, #tpu.memory_space<semaphore_mem>>) src(%dma_wait3A_181 : memref<32x128xf32, #tpu.memory_space<hbm>>) dst(%arg5 : memref<32x128xf32, #tpu.memory_space<vmem>>)
        %ge3A = arith.constant 2 : i32
        %ge3A_182 = arith.cmpi sge, %add3A_167, %ge3A : i32
        %convert_element_type3A_183 = arith.extui %ge3A_182 : i1 to i32
        %cond3A_184 = arith.constant 0 : i32
        %cond3A_185 = arith.cmpi ne, %convert_element_type3A_183, %cond3A_184 : i32
        scf.if %cond3A_185 {
          %dma_wait3A_205 = arith.constant 0 : i32
          %dma_wait3A_206 = arith.constant 0 : i32
          %dma_wait3A_207 = tpu.memref_slice %arg4[%dma_wait3A_205, %dma_wait3A_206] : memref<250000x128xf32, #tpu.memory_space<hbm>> -> memref<32x128xf32, #tpu.memory_space<hbm>>
          %dma_wait3A_208 = arith.constant 0 : i32
          %dma_wait3A_209 = arith.constant 0 : i32
          %dma_wait3A_210 = tpu.memref_slice %arg4[%dma_wait3A_208, %dma_wait3A_209] : memref<250000x128xf32, #tpu.memory_space<hbm>> -> memref<32x128xf32, #tpu.memory_space<hbm>>
          tpu.wait_dma2 semaphore(%arg12 : memref<!tpu.dma_semaphore, #tpu.memory_space<semaphore_mem>>) src(%arg7 : memref<32x128xf32, #tpu.memory_space<vmem>>) dst(%dma_wait3A_210 : memref<32x128xf32, #tpu.memory_space<hbm>>)
        } else {
        }
        %scan3A = arith.constant 0 : i32
        %scan3A_186 = arith.constant 8 : i32
        %scan3A_187 = arith.addi %scan3A, %scan3A_186 : i32
        %scan3A_188 = arith.constant 1 : i32
        scf.for %scan3A_205 = %scan3A to %scan3A_187 step %scan3A_188  : i32 {
          %mul3A_206 = arith.constant 1 : i32
          %mul3A_207 = arith.muli %scan3A_205, %mul3A_206 : i32
          %add3A_208 = arith.constant 0 : i32
          %add3A_209 = arith.addi %add3A_208, %mul3A_207 : i32
          %mul3A_210 = arith.constant 16 : i32
          %mul3A_211 = arith.muli %add3A_209, %mul3A_210 : i32
          %add3A_212 = vector.broadcast %mul3A_211 : i32 to vector<16xi32>
          %add3A_213 = arith.addi %add3A_212, %iota3A : vector<16xi32>
          %shift_right_logical3A = arith.constant 2 : i32
          %shift_right_logical3A_214 = vector.broadcast %shift_right_logical3A : i32 to vector<16xi32>
          %shift_right_logical3A_215 = arith.shrui %add3A_213, %shift_right_logical3A_214 : vector<16xi32>
          %and3A_216 = arith.constant 3 : i32
          %and3A_217 = vector.broadcast %and3A_216 : i32 to vector<16xi32>
          %and3A_218 = arith.andi %add3A_213, %and3A_217 : vector<16xi32>
          %shift_left3A = arith.constant 5 : i32
          %shift_left3A_219 = vector.broadcast %shift_left3A : i32 to vector<16xi32>
          %shift_left3A_220 = arith.shli %and3A_218, %shift_left3A_219 : vector<16xi32>
          %add3A_221 = arith.constant 0 : i32
          %add3A_222 = vector.broadcast %add3A_221 : i32 to vector<16xi32>
          %add3A_223 = arith.addi %add3A_222, %and3A_5 : vector<16xi32>
          %gather3A = tpu.vector_load_idx %arg5[%add3A_223, %add3A_213] : memref<32x128xf32, #tpu.memory_space<vmem>>[vector<16xi32>, vector<16xi32>], vector<16xf32>,
          %add3A_224 = arith.addi %shift_left3A_220, %add3A_223 : vector<16xi32>
          tpu.vector_store_idx %arg7[%shift_right_logical3A_215, %add3A_224], %gather3A : memref<32x128xf32, #tpu.memory_space<vmem>>[vector<16xi32>, vector<16xi32>], vector<16xf32>,
          %add3A_225 = arith.constant 0 : i32
          %add3A_226 = vector.broadcast %add3A_225 : i32 to vector<16xi32>
          %add3A_227 = arith.addi %add3A_226, %and3A_11 : vector<16xi32>
          %gather3A_228 = tpu.vector_load_idx %arg5[%add3A_227, %add3A_213] : memref<32x128xf32, #tpu.memory_space<vmem>>[vector<16xi32>, vector<16xi32>], vector<16xf32>,
          %add3A_229 = arith.addi %shift_left3A_220, %add3A_227 : vector<16xi32>
          tpu.vector_store_idx %arg7[%shift_right_logical3A_215, %add3A_229], %gather3A_228 : memref<32x128xf32, #tpu.memory_space<vmem>>[vector<16xi32>, vector<16xi32>], vector<16xf32>,
          %add3A_230 = arith.constant 0 : i32
          %add3A_231 = vector.broadcast %add3A_230 : i32 to vector<16xi32>
          %add3A_232 = arith.addi %add3A_231, %and3A_17 : vector<16xi32>
          %gather3A_233 = tpu.vector_load_idx %arg5[%add3A_232, %add3A_213] : memref<32x128xf32, #tpu.memory_space<vmem>>[vector<16xi32>, vector<16xi32>], vector<16xf32>,
          %add3A_234 = arith.addi %shift_left3A_220, %add3A_232 : vector<16xi32>
          tpu.vector_store_idx %arg7[%shift_right_logical3A_215, %add3A_234], %gather3A_233 : memref<32x128xf32, #tpu.memory_space<vmem>>[vector<16xi32>, vector<16xi32>], vector<16xf32>,
          %add3A_235 = arith.constant 0 : i32
          %add3A_236 = vector.broadcast %add3A_235 : i32 to vector<16xi32>
          %add3A_237 = arith.addi %add3A_236, %and3A_23 : vector<16xi32>
          %gather3A_238 = tpu.vector_load_idx %arg5[%add3A_237, %add3A_213] : memref<32x128xf32, #tpu.memory_space<vmem>>[vector<16xi32>, vector<16xi32>], vector<16xf32>,
          %add3A_239 = arith.addi %shift_left3A_220, %add3A_237 : vector<16xi32>
          tpu.vector_store_idx %arg7[%shift_right_logical3A_215, %add3A_239], %gather3A_238 : memref<32x128xf32, #tpu.memory_space<vmem>>[vector<16xi32>, vector<16xi32>], vector<16xf32>,
          %add3A_240 = arith.constant 0 : i32
          %add3A_241 = vector.broadcast %add3A_240 : i32 to vector<16xi32>
          %add3A_242 = arith.addi %add3A_241, %and3A_29 : vector<16xi32>
          %gather3A_243 = tpu.vector_load_idx %arg5[%add3A_242, %add3A_213] : memref<32x128xf32, #tpu.memory_space<vmem>>[vector<16xi32>, vector<16xi32>], vector<16xf32>,
          %add3A_244 = arith.addi %shift_left3A_220, %add3A_242 : vector<16xi32>
          tpu.vector_store_idx %arg7[%shift_right_logical3A_215, %add3A_244], %gather3A_243 : memref<32x128xf32, #tpu.memory_space<vmem>>[vector<16xi32>, vector<16xi32>], vector<16xf32>,
          %add3A_245 = arith.constant 0 : i32
          %add3A_246 = vector.broadcast %add3A_245 : i32 to vector<16xi32>
          %add3A_247 = arith.addi %add3A_246, %and3A_35 : vector<16xi32>
          %gather3A_248 = tpu.vector_load_idx %arg5[%add3A_247, %add3A_213] : memref<32x128xf32, #tpu.memory_space<vmem>>[vector<16xi32>, vector<16xi32>], vector<16xf32>,
          %add3A_249 = arith.addi %shift_left3A_220, %add3A_247 : vector<16xi32>
          tpu.vector_store_idx %arg7[%shift_right_logical3A_215, %add3A_249], %gather3A_248 : memref<32x128xf32, #tpu.memory_space<vmem>>[vector<16xi32>, vector<16xi32>], vector<16xf32>,
          %add3A_250 = arith.constant 0 : i32
          %add3A_251 = vector.broadcast %add3A_250 : i32 to vector<16xi32>
          %add3A_252 = arith.addi %add3A_251, %and3A_41 : vector<16xi32>
          %gather3A_253 = tpu.vector_load_idx %arg5[%add3A_252, %add3A_213] : memref<32x128xf32, #tpu.memory_space<vmem>>[vector<16xi32>, vector<16xi32>], vector<16xf32>,
          %add3A_254 = arith.addi %shift_left3A_220, %add3A_252 : vector<16xi32>
          tpu.vector_store_idx %arg7[%shift_right_logical3A_215, %add3A_254], %gather3A_253 : memref<32x128xf32, #tpu.memory_space<vmem>>[vector<16xi32>, vector<16xi32>], vector<16xf32>,
          %add3A_255 = arith.constant 0 : i32
          %add3A_256 = vector.broadcast %add3A_255 : i32 to vector<16xi32>
          %add3A_257 = arith.addi %add3A_256, %and3A_47 : vector<16xi32>
          %gather3A_258 = tpu.vector_load_idx %arg5[%add3A_257, %add3A_213] : memref<32x128xf32, #tpu.memory_space<vmem>>[vector<16xi32>, vector<16xi32>], vector<16xf32>,
          %add3A_259 = arith.addi %shift_left3A_220, %add3A_257 : vector<16xi32>
          tpu.vector_store_idx %arg7[%shift_right_logical3A_215, %add3A_259], %gather3A_258 : memref<32x128xf32, #tpu.memory_space<vmem>>[vector<16xi32>, vector<16xi32>], vector<16xf32>,
          %add3A_260 = arith.constant 0 : i32
          %add3A_261 = vector.broadcast %add3A_260 : i32 to vector<16xi32>
          %add3A_262 = arith.addi %add3A_261, %and3A_53 : vector<16xi32>
          %gather3A_263 = tpu.vector_load_idx %arg5[%add3A_262, %add3A_213] : memref<32x128xf32, #tpu.memory_space<vmem>>[vector<16xi32>, vector<16xi32>], vector<16xf32>,
          %add3A_264 = arith.addi %shift_left3A_220, %add3A_262 : vector<16xi32>
          tpu.vector_store_idx %arg7[%shift_right_logical3A_215, %add3A_264], %gather3A_263 : memref<32x128xf32, #tpu.memory_space<vmem>>[vector<16xi32>, vector<16xi32>], vector<16xf32>,
          %add3A_265 = arith.constant 0 : i32
          %add3A_266 = vector.broadcast %add3A_265 : i32 to vector<16xi32>
          %add3A_267 = arith.addi %add3A_266, %and3A_59 : vector<16xi32>
          %gather3A_268 = tpu.vector_load_idx %arg5[%add3A_267, %add3A_213] : memref<32x128xf32, #tpu.memory_space<vmem>>[vector<16xi32>, vector<16xi32>], vector<16xf32>,
          %add3A_269 = arith.addi %shift_left3A_220, %add3A_267 : vector<16xi32>
          tpu.vector_store_idx %arg7[%shift_right_logical3A_215, %add3A_269], %gather3A_268 : memref<32x128xf32, #tpu.memory_space<vmem>>[vector<16xi32>, vector<16xi32>], vector<16xf32>,
          %add3A_270 = arith.constant 0 : i32
          %add3A_271 = vector.broadcast %add3A_270 : i32 to vector<16xi32>
          %add3A_272 = arith.addi %add3A_271, %and3A_65 : vector<16xi32>
          %gather3A_273 = tpu.vector_load_idx %arg5[%add3A_272, %add3A_213] : memref<32x128xf32, #tpu.memory_space<vmem>>[vector<16xi32>, vector<16xi32>], vector<16xf32>,
          %add3A_274 = arith.addi %shift_left3A_220, %add3A_272 : vector<16xi32>
          tpu.vector_store_idx %arg7[%shift_right_logical3A_215, %add3A_274], %gather3A_273 : memref<32x128xf32, #tpu.memory_space<vmem>>[vector<16xi32>, vector<16xi32>], vector<16xf32>,
          %add3A_275 = arith.constant 0 : i32
          %add3A_276 = vector.broadcast %add3A_275 : i32 to vector<16xi32>
          %add3A_277 = arith.addi %add3A_276, %and3A_71 : vector<16xi32>
          %gather3A_278 = tpu.vector_load_idx %arg5[%add3A_277, %add3A_213] : memref<32x128xf32, #tpu.memory_space<vmem>>[vector<16xi32>, vector<16xi32>], vector<16xf32>,
          %add3A_279 = arith.addi %shift_left3A_220, %add3A_277 : vector<16xi32>
          tpu.vector_store_idx %arg7[%shift_right_logical3A_215, %add3A_279], %gather3A_278 : memref<32x128xf32, #tpu.memory_space<vmem>>[vector<16xi32>, vector<16xi32>], vector<16xf32>,
          %add3A_280 = arith.constant 0 : i32
          %add3A_281 = vector.broadcast %add3A_280 : i32 to vector<16xi32>
          %add3A_282 = arith.addi %add3A_281, %and3A_77 : vector<16xi32>
          %gather3A_283 = tpu.vector_load_idx %arg5[%add3A_282, %add3A_213] : memref<32x128xf32, #tpu.memory_space<vmem>>[vector<16xi32>, vector<16xi32>], vector<16xf32>,
          %add3A_284 = arith.addi %shift_left3A_220, %add3A_282 : vector<16xi32>
          tpu.vector_store_idx %arg7[%shift_right_logical3A_215, %add3A_284], %gather3A_283 : memref<32x128xf32, #tpu.memory_space<vmem>>[vector<16xi32>, vector<16xi32>], vector<16xf32>,
          %add3A_285 = arith.constant 0 : i32
          %add3A_286 = vector.broadcast %add3A_285 : i32 to vector<16xi32>
          %add3A_287 = arith.addi %add3A_286, %and3A_83 : vector<16xi32>
          %gather3A_288 = tpu.vector_load_idx %arg5[%add3A_287, %add3A_213] : memref<32x128xf32, #tpu.memory_space<vmem>>[vector<16xi32>, vector<16xi32>], vector<16xf32>,
          %add3A_289 = arith.addi %shift_left3A_220, %add3A_287 : vector<16xi32>
          tpu.vector_store_idx %arg7[%shift_right_logical3A_215, %add3A_289], %gather3A_288 : memref<32x128xf32, #tpu.memory_space<vmem>>[vector<16xi32>, vector<16xi32>], vector<16xf32>,
          %add3A_290 = arith.constant 0 : i32
          %add3A_291 = vector.broadcast %add3A_290 : i32 to vector<16xi32>
          %add3A_292 = arith.addi %add3A_291, %and3A_89 : vector<16xi32>
          %gather3A_293 = tpu.vector_load_idx %arg5[%add3A_292, %add3A_213] : memref<32x128xf32, #tpu.memory_space<vmem>>[vector<16xi32>, vector<16xi32>], vector<16xf32>,
          %add3A_294 = arith.addi %shift_left3A_220, %add3A_292 : vector<16xi32>
          tpu.vector_store_idx %arg7[%shift_right_logical3A_215, %add3A_294], %gather3A_293 : memref<32x128xf32, #tpu.memory_space<vmem>>[vector<16xi32>, vector<16xi32>], vector<16xf32>,
          %add3A_295 = arith.constant 0 : i32
          %add3A_296 = vector.broadcast %add3A_295 : i32 to vector<16xi32>
          %add3A_297 = arith.addi %add3A_296, %and3A_95 : vector<16xi32>
          %gather3A_298 = tpu.vector_load_idx %arg5[%add3A_297, %add3A_213] : memref<32x128xf32, #tpu.memory_space<vmem>>[vector<16xi32>, vector<16xi32>], vector<16xf32>,
          %add3A_299 = arith.addi %shift_left3A_220, %add3A_297 : vector<16xi32>
          tpu.vector_store_idx %arg7[%shift_right_logical3A_215, %add3A_299], %gather3A_298 : memref<32x128xf32, #tpu.memory_space<vmem>>[vector<16xi32>, vector<16xi32>], vector<16xf32>,
          %add3A_300 = arith.constant 16 : i32
          %add3A_301 = vector.broadcast %add3A_300 : i32 to vector<16xi32>
          %add3A_302 = arith.addi %add3A_301, %and3A_5 : vector<16xi32>
          %gather3A_303 = tpu.vector_load_idx %arg5[%add3A_302, %add3A_213] : memref<32x128xf32, #tpu.memory_space<vmem>>[vector<16xi32>, vector<16xi32>], vector<16xf32>,
          %add3A_304 = arith.addi %shift_left3A_220, %add3A_302 : vector<16xi32>
          tpu.vector_store_idx %arg7[%shift_right_logical3A_215, %add3A_304], %gather3A_303 : memref<32x128xf32, #tpu.memory_space<vmem>>[vector<16xi32>, vector<16xi32>], vector<16xf32>,
          %add3A_305 = arith.constant 16 : i32
          %add3A_306 = vector.broadcast %add3A_305 : i32 to vector<16xi32>
          %add3A_307 = arith.addi %add3A_306, %and3A_11 : vector<16xi32>
          %gather3A_308 = tpu.vector_load_idx %arg5[%add3A_307, %add3A_213] : memref<32x128xf32, #tpu.memory_space<vmem>>[vector<16xi32>, vector<16xi32>], vector<16xf32>,
          %add3A_309 = arith.addi %shift_left3A_220, %add3A_307 : vector<16xi32>
          tpu.vector_store_idx %arg7[%shift_right_logical3A_215, %add3A_309], %gather3A_308 : memref<32x128xf32, #tpu.memory_space<vmem>>[vector<16xi32>, vector<16xi32>], vector<16xf32>,
          %add3A_310 = arith.constant 16 : i32
          %add3A_311 = vector.broadcast %add3A_310 : i32 to vector<16xi32>
          %add3A_312 = arith.addi %add3A_311, %and3A_17 : vector<16xi32>
          %gather3A_313 = tpu.vector_load_idx %arg5[%add3A_312, %add3A_213] : memref<32x128xf32, #tpu.memory_space<vmem>>[vector<16xi32>, vector<16xi32>], vector<16xf32>,
          %add3A_314 = arith.addi %shift_left3A_220, %add3A_312 : vector<16xi32>
          tpu.vector_store_idx %arg7[%shift_right_logical3A_215, %add3A_314], %gather3A_313 : memref<32x128xf32, #tpu.memory_space<vmem>>[vector<16xi32>, vector<16xi32>], vector<16xf32>,
          %add3A_315 = arith.constant 16 : i32
          %add3A_316 = vector.broadcast %add3A_315 : i32 to vector<16xi32>
          %add3A_317 = arith.addi %add3A_316, %and3A_23 : vector<16xi32>
          %gather3A_318 = tpu.vector_load_idx %arg5[%add3A_317, %add3A_213] : memref<32x128xf32, #tpu.memory_space<vmem>>[vector<16xi32>, vector<16xi32>], vector<16xf32>,
          %add3A_319 = arith.addi %shift_left3A_220, %add3A_317 : vector<16xi32>
          tpu.vector_store_idx %arg7[%shift_right_logical3A_215, %add3A_319], %gather3A_318 : memref<32x128xf32, #tpu.memory_space<vmem>>[vector<16xi32>, vector<16xi32>], vector<16xf32>,
          %add3A_320 = arith.constant 16 : i32
          %add3A_321 = vector.broadcast %add3A_320 : i32 to vector<16xi32>
          %add3A_322 = arith.addi %add3A_321, %and3A_29 : vector<16xi32>
          %gather3A_323 = tpu.vector_load_idx %arg5[%add3A_322, %add3A_213] : memref<32x128xf32, #tpu.memory_space<vmem>>[vector<16xi32>, vector<16xi32>], vector<16xf32>,
          %add3A_324 = arith.addi %shift_left3A_220, %add3A_322 : vector<16xi32>
          tpu.vector_store_idx %arg7[%shift_right_logical3A_215, %add3A_324], %gather3A_323 : memref<32x128xf32, #tpu.memory_space<vmem>>[vector<16xi32>, vector<16xi32>], vector<16xf32>,
          %add3A_325 = arith.constant 16 : i32
          %add3A_326 = vector.broadcast %add3A_325 : i32 to vector<16xi32>
          %add3A_327 = arith.addi %add3A_326, %and3A_35 : vector<16xi32>
          %gather3A_328 = tpu.vector_load_idx %arg5[%add3A_327, %add3A_213] : memref<32x128xf32, #tpu.memory_space<vmem>>[vector<16xi32>, vector<16xi32>], vector<16xf32>,
          %add3A_329 = arith.addi %shift_left3A_220, %add3A_327 : vector<16xi32>
          tpu.vector_store_idx %arg7[%shift_right_logical3A_215, %add3A_329], %gather3A_328 : memref<32x128xf32, #tpu.memory_space<vmem>>[vector<16xi32>, vector<16xi32>], vector<16xf32>,
          %add3A_330 = arith.constant 16 : i32
          %add3A_331 = vector.broadcast %add3A_330 : i32 to vector<16xi32>
          %add3A_332 = arith.addi %add3A_331, %and3A_41 : vector<16xi32>
          %gather3A_333 = tpu.vector_load_idx %arg5[%add3A_332, %add3A_213] : memref<32x128xf32, #tpu.memory_space<vmem>>[vector<16xi32>, vector<16xi32>], vector<16xf32>,
          %add3A_334 = arith.addi %shift_left3A_220, %add3A_332 : vector<16xi32>
          tpu.vector_store_idx %arg7[%shift_right_logical3A_215, %add3A_334], %gather3A_333 : memref<32x128xf32, #tpu.memory_space<vmem>>[vector<16xi32>, vector<16xi32>], vector<16xf32>,
          %add3A_335 = arith.constant 16 : i32
          %add3A_336 = vector.broadcast %add3A_335 : i32 to vector<16xi32>
          %add3A_337 = arith.addi %add3A_336, %and3A_47 : vector<16xi32>
          %gather3A_338 = tpu.vector_load_idx %arg5[%add3A_337, %add3A_213] : memref<32x128xf32, #tpu.memory_space<vmem>>[vector<16xi32>, vector<16xi32>], vector<16xf32>,
          %add3A_339 = arith.addi %shift_left3A_220, %add3A_337 : vector<16xi32>
          tpu.vector_store_idx %arg7[%shift_right_logical3A_215, %add3A_339], %gather3A_338 : memref<32x128xf32, #tpu.memory_space<vmem>>[vector<16xi32>, vector<16xi32>], vector<16xf32>,
          %add3A_340 = arith.constant 16 : i32
          %add3A_341 = vector.broadcast %add3A_340 : i32 to vector<16xi32>
          %add3A_342 = arith.addi %add3A_341, %and3A_53 : vector<16xi32>
          %gather3A_343 = tpu.vector_load_idx %arg5[%add3A_342, %add3A_213] : memref<32x128xf32, #tpu.memory_space<vmem>>[vector<16xi32>, vector<16xi32>], vector<16xf32>,
          %add3A_344 = arith.addi %shift_left3A_220, %add3A_342 : vector<16xi32>
          tpu.vector_store_idx %arg7[%shift_right_logical3A_215, %add3A_344], %gather3A_343 : memref<32x128xf32, #tpu.memory_space<vmem>>[vector<16xi32>, vector<16xi32>], vector<16xf32>,
          %add3A_345 = arith.constant 16 : i32
          %add3A_346 = vector.broadcast %add3A_345 : i32 to vector<16xi32>
          %add3A_347 = arith.addi %add3A_346, %and3A_59 : vector<16xi32>
          %gather3A_348 = tpu.vector_load_idx %arg5[%add3A_347, %add3A_213] : memref<32x128xf32, #tpu.memory_space<vmem>>[vector<16xi32>, vector<16xi32>], vector<16xf32>,
          %add3A_349 = arith.addi %shift_left3A_220, %add3A_347 : vector<16xi32>
          tpu.vector_store_idx %arg7[%shift_right_logical3A_215, %add3A_349], %gather3A_348 : memref<32x128xf32, #tpu.memory_space<vmem>>[vector<16xi32>, vector<16xi32>], vector<16xf32>,
          %add3A_350 = arith.constant 16 : i32
          %add3A_351 = vector.broadcast %add3A_350 : i32 to vector<16xi32>
          %add3A_352 = arith.addi %add3A_351, %and3A_65 : vector<16xi32>
          %gather3A_353 = tpu.vector_load_idx %arg5[%add3A_352, %add3A_213] : memref<32x128xf32, #tpu.memory_space<vmem>>[vector<16xi32>, vector<16xi32>], vector<16xf32>,
          %add3A_354 = arith.addi %shift_left3A_220, %add3A_352 : vector<16xi32>
          tpu.vector_store_idx %arg7[%shift_right_logical3A_215, %add3A_354], %gather3A_353 : memref<32x128xf32, #tpu.memory_space<vmem>>[vector<16xi32>, vector<16xi32>], vector<16xf32>,
          %add3A_355 = arith.constant 16 : i32
          %add3A_356 = vector.broadcast %add3A_355 : i32 to vector<16xi32>
          %add3A_357 = arith.addi %add3A_356, %and3A_71 : vector<16xi32>
          %gather3A_358 = tpu.vector_load_idx %arg5[%add3A_357, %add3A_213] : memref<32x128xf32, #tpu.memory_space<vmem>>[vector<16xi32>, vector<16xi32>], vector<16xf32>,
          %add3A_359 = arith.addi %shift_left3A_220, %add3A_357 : vector<16xi32>
          tpu.vector_store_idx %arg7[%shift_right_logical3A_215, %add3A_359], %gather3A_358 : memref<32x128xf32, #tpu.memory_space<vmem>>[vector<16xi32>, vector<16xi32>], vector<16xf32>,
          %add3A_360 = arith.constant 16 : i32
          %add3A_361 = vector.broadcast %add3A_360 : i32 to vector<16xi32>
          %add3A_362 = arith.addi %add3A_361, %and3A_77 : vector<16xi32>
          %gather3A_363 = tpu.vector_load_idx %arg5[%add3A_362, %add3A_213] : memref<32x128xf32, #tpu.memory_space<vmem>>[vector<16xi32>, vector<16xi32>], vector<16xf32>,
          %add3A_364 = arith.addi %shift_left3A_220, %add3A_362 : vector<16xi32>
          tpu.vector_store_idx %arg7[%shift_right_logical3A_215, %add3A_364], %gather3A_363 : memref<32x128xf32, #tpu.memory_space<vmem>>[vector<16xi32>, vector<16xi32>], vector<16xf32>,
          %add3A_365 = arith.constant 16 : i32
          %add3A_366 = vector.broadcast %add3A_365 : i32 to vector<16xi32>
          %add3A_367 = arith.addi %add3A_366, %and3A_83 : vector<16xi32>
          %gather3A_368 = tpu.vector_load_idx %arg5[%add3A_367, %add3A_213] : memref<32x128xf32, #tpu.memory_space<vmem>>[vector<16xi32>, vector<16xi32>], vector<16xf32>,
          %add3A_369 = arith.addi %shift_left3A_220, %add3A_367 : vector<16xi32>
          tpu.vector_store_idx %arg7[%shift_right_logical3A_215, %add3A_369], %gather3A_368 : memref<32x128xf32, #tpu.memory_space<vmem>>[vector<16xi32>, vector<16xi32>], vector<16xf32>,
          %add3A_370 = arith.constant 16 : i32
          %add3A_371 = vector.broadcast %add3A_370 : i32 to vector<16xi32>
          %add3A_372 = arith.addi %add3A_371, %and3A_89 : vector<16xi32>
          %gather3A_373 = tpu.vector_load_idx %arg5[%add3A_372, %add3A_213] : memref<32x128xf32, #tpu.memory_space<vmem>>[vector<16xi32>, vector<16xi32>], vector<16xf32>,
          %add3A_374 = arith.addi %shift_left3A_220, %add3A_372 : vector<16xi32>
          tpu.vector_store_idx %arg7[%shift_right_logical3A_215, %add3A_374], %gather3A_373 : memref<32x128xf32, #tpu.memory_space<vmem>>[vector<16xi32>, vector<16xi32>], vector<16xf32>,
          %add3A_375 = arith.constant 16 : i32
          %add3A_376 = vector.broadcast %add3A_375 : i32 to vector<16xi32>
          %add3A_377 = arith.addi %add3A_376, %and3A_95 : vector<16xi32>
          %gather3A_378 = tpu.vector_load_idx %arg5[%add3A_377, %add3A_213] : memref<32x128xf32, #tpu.memory_space<vmem>>[vector<16xi32>, vector<16xi32>], vector<16xf32>,
          %add3A_379 = arith.addi %shift_left3A_220, %add3A_377 : vector<16xi32>
          tpu.vector_store_idx %arg7[%shift_right_logical3A_215, %add3A_379], %gather3A_378 : memref<32x128xf32, #tpu.memory_space<vmem>>[vector<16xi32>, vector<16xi32>], vector<16xf32>,
        }
        %scan3A_189 = arith.constant 8 : i32
        %mul3A_190 = arith.constant 32 : i32
        %mul3A_191 = arith.muli %mul3A_190, %add3A_167 : i32
        %add3A_192 = arith.addi %add3A, %mul3A_191 : i32
        %mul3A_193 = arith.constant 32 : i32
        %mul3A_194 = arith.muli %add3A_192, %mul3A_193 : i32
        %dma_start3A_195 = arith.constant 0 : i32
        %dma_start3A_196 = tpu.memref_slice %arg4[%mul3A_194, %dma_start3A_195] : memref<250000x128xf32, #tpu.memory_space<hbm>> -> memref<32x128xf32, #tpu.memory_space<hbm>>
        %dma_start3A_197 = arith.constant 0 : i32
        %dma_start3A_198 = tpu.memref_slice %arg4[%mul3A_194, %dma_start3A_197] : memref<250000x128xf32, #tpu.memory_space<hbm>> -> memref<32x128xf32, #tpu.memory_space<hbm>>
        tpu.enqueue_dma source(%arg7 : memref<32x128xf32, #tpu.memory_space<vmem>>) target(%dma_start3A_198 : memref<32x128xf32, #tpu.memory_space<hbm>>) target_semaphore(%arg12 : memref<!tpu.dma_semaphore, #tpu.memory_space<semaphore_mem>>)
        %add3A_199 = arith.constant 2 : i32
        %add3A_200 = arith.addi %add3A_167, %add3A_199 : i32
        %lt3A_201 = arith.cmpi slt, %add3A_200, %select_n3A : i32
        %convert_element_type3A_202 = arith.extui %lt3A_201 : i1 to i32
        %cond3A_203 = arith.constant 0 : i32
        %cond3A_204 = arith.cmpi ne, %convert_element_type3A_202, %cond3A_203 : i32
        scf.if %cond3A_204 {
          %add3A_205 = arith.constant 2 : i32
          %add3A_206 = arith.addi %add3A_167, %add3A_205 : i32
          %mul3A_207 = arith.constant 32 : i32
          %mul3A_208 = arith.muli %mul3A_207, %add3A_206 : i32
          %add3A_209 = arith.addi %add3A, %mul3A_208 : i32
          %mul3A_210 = arith.constant 128 : i32
          %mul3A_211 = arith.muli %add3A_209, %mul3A_210 : i32
          %dma_start3A_212 = arith.constant 0 : i32
          %dma_start3A_213 = tpu.memref_slice %arg2[%dma_start3A_212, %mul3A_211] : memref<32x1000000xf32, #tpu.memory_space<hbm>> -> memref<32x128xf32, #tpu.memory_space<hbm>>
          %dma_start3A_214 = arith.constant 0 : i32
          %dma_start3A_215 = tpu.memref_slice %arg2[%dma_start3A_214, %mul3A_211] : memref<32x1000000xf32, #tpu.memory_space<hbm>> -> memref<32x128xf32, #tpu.memory_space<hbm>>
          tpu.enqueue_dma source(%dma_start3A_215 : memref<32x128xf32, #tpu.memory_space<hbm>>) target(%arg5 : memref<32x128xf32, #tpu.memory_space<vmem>>) target_semaphore(%arg10 : memref<!tpu.dma_semaphore, #tpu.memory_space<semaphore_mem>>)
        } else {
        }
      } else {
      }
      %add3A_171 = arith.constant 1 : i32
      %add3A_172 = arith.addi %add3A_165, %add3A_171 : i32
      %lt3A_173 = arith.cmpi slt, %add3A_172, %select_n3A : i32
      %convert_element_type3A_174 = arith.extui %lt3A_173 : i1 to i32
      %cond3A_175 = arith.constant 0 : i32
      %cond3A_176 = arith.cmpi ne, %convert_element_type3A_174, %cond3A_175 : i32
      scf.if %cond3A_176 {
        %dma_wait3A = arith.constant 0 : i32
        %dma_wait3A_177 = arith.constant 0 : i32
        %dma_wait3A_178 = tpu.memref_slice %arg2[%dma_wait3A, %dma_wait3A_177] : memref<32x1000000xf32, #tpu.memory_space<hbm>> -> memref<32x128xf32, #tpu.memory_space<hbm>>
        %dma_wait3A_179 = arith.constant 0 : i32
        %dma_wait3A_180 = arith.constant 0 : i32
        %dma_wait3A_181 = tpu.memref_slice %arg2[%dma_wait3A_179, %dma_wait3A_180] : memref<32x1000000xf32, #tpu.memory_space<hbm>> -> memref<32x128xf32, #tpu.memory_space<hbm>>
        tpu.wait_dma2 semaphore(%arg11 : memref<!tpu.dma_semaphore, #tpu.memory_space<semaphore_mem>>) src(%dma_wait3A_181 : memref<32x128xf32, #tpu.memory_space<hbm>>) dst(%arg6 : memref<32x128xf32, #tpu.memory_space<vmem>>)
        %ge3A = arith.constant 2 : i32
        %ge3A_182 = arith.cmpi sge, %add3A_172, %ge3A : i32
        %convert_element_type3A_183 = arith.extui %ge3A_182 : i1 to i32
        %cond3A_184 = arith.constant 0 : i32
        %cond3A_185 = arith.cmpi ne, %convert_element_type3A_183, %cond3A_184 : i32
        scf.if %cond3A_185 {
          %dma_wait3A_205 = arith.constant 0 : i32
          %dma_wait3A_206 = arith.constant 0 : i32
          %dma_wait3A_207 = tpu.memref_slice %arg4[%dma_wait3A_205, %dma_wait3A_206] : memref<250000x128xf32, #tpu.memory_space<hbm>> -> memref<32x128xf32, #tpu.memory_space<hbm>>
          %dma_wait3A_208 = arith.constant 0 : i32
          %dma_wait3A_209 = arith.constant 0 : i32
          %dma_wait3A_210 = tpu.memref_slice %arg4[%dma_wait3A_208, %dma_wait3A_209] : memref<250000x128xf32, #tpu.memory_space<hbm>> -> memref<32x128xf32, #tpu.memory_space<hbm>>
          tpu.wait_dma2 semaphore(%arg13 : memref<!tpu.dma_semaphore, #tpu.memory_space<semaphore_mem>>) src(%arg8 : memref<32x128xf32, #tpu.memory_space<vmem>>) dst(%dma_wait3A_210 : memref<32x128xf32, #tpu.memory_space<hbm>>)
        } else {
        }
        %scan3A = arith.constant 0 : i32
        %scan3A_186 = arith.constant 8 : i32
        %scan3A_187 = arith.addi %scan3A, %scan3A_186 : i32
        %scan3A_188 = arith.constant 1 : i32
        scf.for %scan3A_205 = %scan3A to %scan3A_187 step %scan3A_188  : i32 {
          %mul3A_206 = arith.constant 1 : i32
          %mul3A_207 = arith.muli %scan3A_205, %mul3A_206 : i32
          %add3A_208 = arith.constant 0 : i32
          %add3A_209 = arith.addi %add3A_208, %mul3A_207 : i32
          %mul3A_210 = arith.constant 16 : i32
          %mul3A_211 = arith.muli %add3A_209, %mul3A_210 : i32
          %add3A_212 = vector.broadcast %mul3A_211 : i32 to vector<16xi32>
          %add3A_213 = arith.addi %add3A_212, %iota3A : vector<16xi32>
          %shift_right_logical3A = arith.constant 2 : i32
          %shift_right_logical3A_214 = vector.broadcast %shift_right_logical3A : i32 to vector<16xi32>
          %shift_right_logical3A_215 = arith.shrui %add3A_213, %shift_right_logical3A_214 : vector<16xi32>
          %and3A_216 = arith.constant 3 : i32
          %and3A_217 = vector.broadcast %and3A_216 : i32 to vector<16xi32>
          %and3A_218 = arith.andi %add3A_213, %and3A_217 : vector<16xi32>
          %shift_left3A = arith.constant 5 : i32
          %shift_left3A_219 = vector.broadcast %shift_left3A : i32 to vector<16xi32>
          %shift_left3A_220 = arith.shli %and3A_218, %shift_left3A_219 : vector<16xi32>
          %add3A_221 = arith.constant 0 : i32
          %add3A_222 = vector.broadcast %add3A_221 : i32 to vector<16xi32>
          %add3A_223 = arith.addi %add3A_222, %and3A_5 : vector<16xi32>
          %gather3A = tpu.vector_load_idx %arg6[%add3A_223, %add3A_213] : memref<32x128xf32, #tpu.memory_space<vmem>>[vector<16xi32>, vector<16xi32>], vector<16xf32>,
          %add3A_224 = arith.addi %shift_left3A_220, %add3A_223 : vector<16xi32>
          tpu.vector_store_idx %arg8[%shift_right_logical3A_215, %add3A_224], %gather3A : memref<32x128xf32, #tpu.memory_space<vmem>>[vector<16xi32>, vector<16xi32>], vector<16xf32>,
          %add3A_225 = arith.constant 0 : i32
          %add3A_226 = vector.broadcast %add3A_225 : i32 to vector<16xi32>
          %add3A_227 = arith.addi %add3A_226, %and3A_11 : vector<16xi32>
          %gather3A_228 = tpu.vector_load_idx %arg6[%add3A_227, %add3A_213] : memref<32x128xf32, #tpu.memory_space<vmem>>[vector<16xi32>, vector<16xi32>], vector<16xf32>,
          %add3A_229 = arith.addi %shift_left3A_220, %add3A_227 : vector<16xi32>
          tpu.vector_store_idx %arg8[%shift_right_logical3A_215, %add3A_229], %gather3A_228 : memref<32x128xf32, #tpu.memory_space<vmem>>[vector<16xi32>, vector<16xi32>], vector<16xf32>,
          %add3A_230 = arith.constant 0 : i32
          %add3A_231 = vector.broadcast %add3A_230 : i32 to vector<16xi32>
          %add3A_232 = arith.addi %add3A_231, %and3A_17 : vector<16xi32>
          %gather3A_233 = tpu.vector_load_idx %arg6[%add3A_232, %add3A_213] : memref<32x128xf32, #tpu.memory_space<vmem>>[vector<16xi32>, vector<16xi32>], vector<16xf32>,
          %add3A_234 = arith.addi %shift_left3A_220, %add3A_232 : vector<16xi32>
          tpu.vector_store_idx %arg8[%shift_right_logical3A_215, %add3A_234], %gather3A_233 : memref<32x128xf32, #tpu.memory_space<vmem>>[vector<16xi32>, vector<16xi32>], vector<16xf32>,
          %add3A_235 = arith.constant 0 : i32
          %add3A_236 = vector.broadcast %add3A_235 : i32 to vector<16xi32>
          %add3A_237 = arith.addi %add3A_236, %and3A_23 : vector<16xi32>
          %gather3A_238 = tpu.vector_load_idx %arg6[%add3A_237, %add3A_213] : memref<32x128xf32, #tpu.memory_space<vmem>>[vector<16xi32>, vector<16xi32>], vector<16xf32>,
          %add3A_239 = arith.addi %shift_left3A_220, %add3A_237 : vector<16xi32>
          tpu.vector_store_idx %arg8[%shift_right_logical3A_215, %add3A_239], %gather3A_238 : memref<32x128xf32, #tpu.memory_space<vmem>>[vector<16xi32>, vector<16xi32>], vector<16xf32>,
          %add3A_240 = arith.constant 0 : i32
          %add3A_241 = vector.broadcast %add3A_240 : i32 to vector<16xi32>
          %add3A_242 = arith.addi %add3A_241, %and3A_29 : vector<16xi32>
          %gather3A_243 = tpu.vector_load_idx %arg6[%add3A_242, %add3A_213] : memref<32x128xf32, #tpu.memory_space<vmem>>[vector<16xi32>, vector<16xi32>], vector<16xf32>,
          %add3A_244 = arith.addi %shift_left3A_220, %add3A_242 : vector<16xi32>
          tpu.vector_store_idx %arg8[%shift_right_logical3A_215, %add3A_244], %gather3A_243 : memref<32x128xf32, #tpu.memory_space<vmem>>[vector<16xi32>, vector<16xi32>], vector<16xf32>,
          %add3A_245 = arith.constant 0 : i32
          %add3A_246 = vector.broadcast %add3A_245 : i32 to vector<16xi32>
          %add3A_247 = arith.addi %add3A_246, %and3A_35 : vector<16xi32>
          %gather3A_248 = tpu.vector_load_idx %arg6[%add3A_247, %add3A_213] : memref<32x128xf32, #tpu.memory_space<vmem>>[vector<16xi32>, vector<16xi32>], vector<16xf32>,
          %add3A_249 = arith.addi %shift_left3A_220, %add3A_247 : vector<16xi32>
          tpu.vector_store_idx %arg8[%shift_right_logical3A_215, %add3A_249], %gather3A_248 : memref<32x128xf32, #tpu.memory_space<vmem>>[vector<16xi32>, vector<16xi32>], vector<16xf32>,
          %add3A_250 = arith.constant 0 : i32
          %add3A_251 = vector.broadcast %add3A_250 : i32 to vector<16xi32>
          %add3A_252 = arith.addi %add3A_251, %and3A_41 : vector<16xi32>
          %gather3A_253 = tpu.vector_load_idx %arg6[%add3A_252, %add3A_213] : memref<32x128xf32, #tpu.memory_space<vmem>>[vector<16xi32>, vector<16xi32>], vector<16xf32>,
          %add3A_254 = arith.addi %shift_left3A_220, %add3A_252 : vector<16xi32>
          tpu.vector_store_idx %arg8[%shift_right_logical3A_215, %add3A_254], %gather3A_253 : memref<32x128xf32, #tpu.memory_space<vmem>>[vector<16xi32>, vector<16xi32>], vector<16xf32>,
          %add3A_255 = arith.constant 0 : i32
          %add3A_256 = vector.broadcast %add3A_255 : i32 to vector<16xi32>
          %add3A_257 = arith.addi %add3A_256, %and3A_47 : vector<16xi32>
          %gather3A_258 = tpu.vector_load_idx %arg6[%add3A_257, %add3A_213] : memref<32x128xf32, #tpu.memory_space<vmem>>[vector<16xi32>, vector<16xi32>], vector<16xf32>,
          %add3A_259 = arith.addi %shift_left3A_220, %add3A_257 : vector<16xi32>
          tpu.vector_store_idx %arg8[%shift_right_logical3A_215, %add3A_259], %gather3A_258 : memref<32x128xf32, #tpu.memory_space<vmem>>[vector<16xi32>, vector<16xi32>], vector<16xf32>,
          %add3A_260 = arith.constant 0 : i32
          %add3A_261 = vector.broadcast %add3A_260 : i32 to vector<16xi32>
          %add3A_262 = arith.addi %add3A_261, %and3A_53 : vector<16xi32>
          %gather3A_263 = tpu.vector_load_idx %arg6[%add3A_262, %add3A_213] : memref<32x128xf32, #tpu.memory_space<vmem>>[vector<16xi32>, vector<16xi32>], vector<16xf32>,
          %add3A_264 = arith.addi %shift_left3A_220, %add3A_262 : vector<16xi32>
          tpu.vector_store_idx %arg8[%shift_right_logical3A_215, %add3A_264], %gather3A_263 : memref<32x128xf32, #tpu.memory_space<vmem>>[vector<16xi32>, vector<16xi32>], vector<16xf32>,
          %add3A_265 = arith.constant 0 : i32
          %add3A_266 = vector.broadcast %add3A_265 : i32 to vector<16xi32>
          %add3A_267 = arith.addi %add3A_266, %and3A_59 : vector<16xi32>
          %gather3A_268 = tpu.vector_load_idx %arg6[%add3A_267, %add3A_213] : memref<32x128xf32, #tpu.memory_space<vmem>>[vector<16xi32>, vector<16xi32>], vector<16xf32>,
          %add3A_269 = arith.addi %shift_left3A_220, %add3A_267 : vector<16xi32>
          tpu.vector_store_idx %arg8[%shift_right_logical3A_215, %add3A_269], %gather3A_268 : memref<32x128xf32, #tpu.memory_space<vmem>>[vector<16xi32>, vector<16xi32>], vector<16xf32>,
          %add3A_270 = arith.constant 0 : i32
          %add3A_271 = vector.broadcast %add3A_270 : i32 to vector<16xi32>
          %add3A_272 = arith.addi %add3A_271, %and3A_65 : vector<16xi32>
          %gather3A_273 = tpu.vector_load_idx %arg6[%add3A_272, %add3A_213] : memref<32x128xf32, #tpu.memory_space<vmem>>[vector<16xi32>, vector<16xi32>], vector<16xf32>,
          %add3A_274 = arith.addi %shift_left3A_220, %add3A_272 : vector<16xi32>
          tpu.vector_store_idx %arg8[%shift_right_logical3A_215, %add3A_274], %gather3A_273 : memref<32x128xf32, #tpu.memory_space<vmem>>[vector<16xi32>, vector<16xi32>], vector<16xf32>,
          %add3A_275 = arith.constant 0 : i32
          %add3A_276 = vector.broadcast %add3A_275 : i32 to vector<16xi32>
          %add3A_277 = arith.addi %add3A_276, %and3A_71 : vector<16xi32>
          %gather3A_278 = tpu.vector_load_idx %arg6[%add3A_277, %add3A_213] : memref<32x128xf32, #tpu.memory_space<vmem>>[vector<16xi32>, vector<16xi32>], vector<16xf32>,
          %add3A_279 = arith.addi %shift_left3A_220, %add3A_277 : vector<16xi32>
          tpu.vector_store_idx %arg8[%shift_right_logical3A_215, %add3A_279], %gather3A_278 : memref<32x128xf32, #tpu.memory_space<vmem>>[vector<16xi32>, vector<16xi32>], vector<16xf32>,
          %add3A_280 = arith.constant 0 : i32
          %add3A_281 = vector.broadcast %add3A_280 : i32 to vector<16xi32>
          %add3A_282 = arith.addi %add3A_281, %and3A_77 : vector<16xi32>
          %gather3A_283 = tpu.vector_load_idx %arg6[%add3A_282, %add3A_213] : memref<32x128xf32, #tpu.memory_space<vmem>>[vector<16xi32>, vector<16xi32>], vector<16xf32>,
          %add3A_284 = arith.addi %shift_left3A_220, %add3A_282 : vector<16xi32>
          tpu.vector_store_idx %arg8[%shift_right_logical3A_215, %add3A_284], %gather3A_283 : memref<32x128xf32, #tpu.memory_space<vmem>>[vector<16xi32>, vector<16xi32>], vector<16xf32>,
          %add3A_285 = arith.constant 0 : i32
          %add3A_286 = vector.broadcast %add3A_285 : i32 to vector<16xi32>
          %add3A_287 = arith.addi %add3A_286, %and3A_83 : vector<16xi32>
          %gather3A_288 = tpu.vector_load_idx %arg6[%add3A_287, %add3A_213] : memref<32x128xf32, #tpu.memory_space<vmem>>[vector<16xi32>, vector<16xi32>], vector<16xf32>,
          %add3A_289 = arith.addi %shift_left3A_220, %add3A_287 : vector<16xi32>
          tpu.vector_store_idx %arg8[%shift_right_logical3A_215, %add3A_289], %gather3A_288 : memref<32x128xf32, #tpu.memory_space<vmem>>[vector<16xi32>, vector<16xi32>], vector<16xf32>,
          %add3A_290 = arith.constant 0 : i32
          %add3A_291 = vector.broadcast %add3A_290 : i32 to vector<16xi32>
          %add3A_292 = arith.addi %add3A_291, %and3A_89 : vector<16xi32>
          %gather3A_293 = tpu.vector_load_idx %arg6[%add3A_292, %add3A_213] : memref<32x128xf32, #tpu.memory_space<vmem>>[vector<16xi32>, vector<16xi32>], vector<16xf32>,
          %add3A_294 = arith.addi %shift_left3A_220, %add3A_292 : vector<16xi32>
          tpu.vector_store_idx %arg8[%shift_right_logical3A_215, %add3A_294], %gather3A_293 : memref<32x128xf32, #tpu.memory_space<vmem>>[vector<16xi32>, vector<16xi32>], vector<16xf32>,
          %add3A_295 = arith.constant 0 : i32
          %add3A_296 = vector.broadcast %add3A_295 : i32 to vector<16xi32>
          %add3A_297 = arith.addi %add3A_296, %and3A_95 : vector<16xi32>
          %gather3A_298 = tpu.vector_load_idx %arg6[%add3A_297, %add3A_213] : memref<32x128xf32, #tpu.memory_space<vmem>>[vector<16xi32>, vector<16xi32>], vector<16xf32>,
          %add3A_299 = arith.addi %shift_left3A_220, %add3A_297 : vector<16xi32>
          tpu.vector_store_idx %arg8[%shift_right_logical3A_215, %add3A_299], %gather3A_298 : memref<32x128xf32, #tpu.memory_space<vmem>>[vector<16xi32>, vector<16xi32>], vector<16xf32>,
          %add3A_300 = arith.constant 16 : i32
          %add3A_301 = vector.broadcast %add3A_300 : i32 to vector<16xi32>
          %add3A_302 = arith.addi %add3A_301, %and3A_5 : vector<16xi32>
          %gather3A_303 = tpu.vector_load_idx %arg6[%add3A_302, %add3A_213] : memref<32x128xf32, #tpu.memory_space<vmem>>[vector<16xi32>, vector<16xi32>], vector<16xf32>,
          %add3A_304 = arith.addi %shift_left3A_220, %add3A_302 : vector<16xi32>
          tpu.vector_store_idx %arg8[%shift_right_logical3A_215, %add3A_304], %gather3A_303 : memref<32x128xf32, #tpu.memory_space<vmem>>[vector<16xi32>, vector<16xi32>], vector<16xf32>,
          %add3A_305 = arith.constant 16 : i32
          %add3A_306 = vector.broadcast %add3A_305 : i32 to vector<16xi32>
          %add3A_307 = arith.addi %add3A_306, %and3A_11 : vector<16xi32>
          %gather3A_308 = tpu.vector_load_idx %arg6[%add3A_307, %add3A_213] : memref<32x128xf32, #tpu.memory_space<vmem>>[vector<16xi32>, vector<16xi32>], vector<16xf32>,
          %add3A_309 = arith.addi %shift_left3A_220, %add3A_307 : vector<16xi32>
          tpu.vector_store_idx %arg8[%shift_right_logical3A_215, %add3A_309], %gather3A_308 : memref<32x128xf32, #tpu.memory_space<vmem>>[vector<16xi32>, vector<16xi32>], vector<16xf32>,
          %add3A_310 = arith.constant 16 : i32
          %add3A_311 = vector.broadcast %add3A_310 : i32 to vector<16xi32>
          %add3A_312 = arith.addi %add3A_311, %and3A_17 : vector<16xi32>
          %gather3A_313 = tpu.vector_load_idx %arg6[%add3A_312, %add3A_213] : memref<32x128xf32, #tpu.memory_space<vmem>>[vector<16xi32>, vector<16xi32>], vector<16xf32>,
          %add3A_314 = arith.addi %shift_left3A_220, %add3A_312 : vector<16xi32>
          tpu.vector_store_idx %arg8[%shift_right_logical3A_215, %add3A_314], %gather3A_313 : memref<32x128xf32, #tpu.memory_space<vmem>>[vector<16xi32>, vector<16xi32>], vector<16xf32>,
          %add3A_315 = arith.constant 16 : i32
          %add3A_316 = vector.broadcast %add3A_315 : i32 to vector<16xi32>
          %add3A_317 = arith.addi %add3A_316, %and3A_23 : vector<16xi32>
          %gather3A_318 = tpu.vector_load_idx %arg6[%add3A_317, %add3A_213] : memref<32x128xf32, #tpu.memory_space<vmem>>[vector<16xi32>, vector<16xi32>], vector<16xf32>,
          %add3A_319 = arith.addi %shift_left3A_220, %add3A_317 : vector<16xi32>
          tpu.vector_store_idx %arg8[%shift_right_logical3A_215, %add3A_319], %gather3A_318 : memref<32x128xf32, #tpu.memory_space<vmem>>[vector<16xi32>, vector<16xi32>], vector<16xf32>,
          %add3A_320 = arith.constant 16 : i32
          %add3A_321 = vector.broadcast %add3A_320 : i32 to vector<16xi32>
          %add3A_322 = arith.addi %add3A_321, %and3A_29 : vector<16xi32>
          %gather3A_323 = tpu.vector_load_idx %arg6[%add3A_322, %add3A_213] : memref<32x128xf32, #tpu.memory_space<vmem>>[vector<16xi32>, vector<16xi32>], vector<16xf32>,
          %add3A_324 = arith.addi %shift_left3A_220, %add3A_322 : vector<16xi32>
          tpu.vector_store_idx %arg8[%shift_right_logical3A_215, %add3A_324], %gather3A_323 : memref<32x128xf32, #tpu.memory_space<vmem>>[vector<16xi32>, vector<16xi32>], vector<16xf32>,
          %add3A_325 = arith.constant 16 : i32
          %add3A_326 = vector.broadcast %add3A_325 : i32 to vector<16xi32>
          %add3A_327 = arith.addi %add3A_326, %and3A_35 : vector<16xi32>
          %gather3A_328 = tpu.vector_load_idx %arg6[%add3A_327, %add3A_213] : memref<32x128xf32, #tpu.memory_space<vmem>>[vector<16xi32>, vector<16xi32>], vector<16xf32>,
          %add3A_329 = arith.addi %shift_left3A_220, %add3A_327 : vector<16xi32>
          tpu.vector_store_idx %arg8[%shift_right_logical3A_215, %add3A_329], %gather3A_328 : memref<32x128xf32, #tpu.memory_space<vmem>>[vector<16xi32>, vector<16xi32>], vector<16xf32>,
          %add3A_330 = arith.constant 16 : i32
          %add3A_331 = vector.broadcast %add3A_330 : i32 to vector<16xi32>
          %add3A_332 = arith.addi %add3A_331, %and3A_41 : vector<16xi32>
          %gather3A_333 = tpu.vector_load_idx %arg6[%add3A_332, %add3A_213] : memref<32x128xf32, #tpu.memory_space<vmem>>[vector<16xi32>, vector<16xi32>], vector<16xf32>,
          %add3A_334 = arith.addi %shift_left3A_220, %add3A_332 : vector<16xi32>
          tpu.vector_store_idx %arg8[%shift_right_logical3A_215, %add3A_334], %gather3A_333 : memref<32x128xf32, #tpu.memory_space<vmem>>[vector<16xi32>, vector<16xi32>], vector<16xf32>,
          %add3A_335 = arith.constant 16 : i32
          %add3A_336 = vector.broadcast %add3A_335 : i32 to vector<16xi32>
          %add3A_337 = arith.addi %add3A_336, %and3A_47 : vector<16xi32>
          %gather3A_338 = tpu.vector_load_idx %arg6[%add3A_337, %add3A_213] : memref<32x128xf32, #tpu.memory_space<vmem>>[vector<16xi32>, vector<16xi32>], vector<16xf32>,
          %add3A_339 = arith.addi %shift_left3A_220, %add3A_337 : vector<16xi32>
          tpu.vector_store_idx %arg8[%shift_right_logical3A_215, %add3A_339], %gather3A_338 : memref<32x128xf32, #tpu.memory_space<vmem>>[vector<16xi32>, vector<16xi32>], vector<16xf32>,
          %add3A_340 = arith.constant 16 : i32
          %add3A_341 = vector.broadcast %add3A_340 : i32 to vector<16xi32>
          %add3A_342 = arith.addi %add3A_341, %and3A_53 : vector<16xi32>
          %gather3A_343 = tpu.vector_load_idx %arg6[%add3A_342, %add3A_213] : memref<32x128xf32, #tpu.memory_space<vmem>>[vector<16xi32>, vector<16xi32>], vector<16xf32>,
          %add3A_344 = arith.addi %shift_left3A_220, %add3A_342 : vector<16xi32>
          tpu.vector_store_idx %arg8[%shift_right_logical3A_215, %add3A_344], %gather3A_343 : memref<32x128xf32, #tpu.memory_space<vmem>>[vector<16xi32>, vector<16xi32>], vector<16xf32>,
          %add3A_345 = arith.constant 16 : i32
          %add3A_346 = vector.broadcast %add3A_345 : i32 to vector<16xi32>
          %add3A_347 = arith.addi %add3A_346, %and3A_59 : vector<16xi32>
          %gather3A_348 = tpu.vector_load_idx %arg6[%add3A_347, %add3A_213] : memref<32x128xf32, #tpu.memory_space<vmem>>[vector<16xi32>, vector<16xi32>], vector<16xf32>,
          %add3A_349 = arith.addi %shift_left3A_220, %add3A_347 : vector<16xi32>
          tpu.vector_store_idx %arg8[%shift_right_logical3A_215, %add3A_349], %gather3A_348 : memref<32x128xf32, #tpu.memory_space<vmem>>[vector<16xi32>, vector<16xi32>], vector<16xf32>,
          %add3A_350 = arith.constant 16 : i32
          %add3A_351 = vector.broadcast %add3A_350 : i32 to vector<16xi32>
          %add3A_352 = arith.addi %add3A_351, %and3A_65 : vector<16xi32>
          %gather3A_353 = tpu.vector_load_idx %arg6[%add3A_352, %add3A_213] : memref<32x128xf32, #tpu.memory_space<vmem>>[vector<16xi32>, vector<16xi32>], vector<16xf32>,
          %add3A_354 = arith.addi %shift_left3A_220, %add3A_352 : vector<16xi32>
          tpu.vector_store_idx %arg8[%shift_right_logical3A_215, %add3A_354], %gather3A_353 : memref<32x128xf32, #tpu.memory_space<vmem>>[vector<16xi32>, vector<16xi32>], vector<16xf32>,
          %add3A_355 = arith.constant 16 : i32
          %add3A_356 = vector.broadcast %add3A_355 : i32 to vector<16xi32>
          %add3A_357 = arith.addi %add3A_356, %and3A_71 : vector<16xi32>
          %gather3A_358 = tpu.vector_load_idx %arg6[%add3A_357, %add3A_213] : memref<32x128xf32, #tpu.memory_space<vmem>>[vector<16xi32>, vector<16xi32>], vector<16xf32>,
          %add3A_359 = arith.addi %shift_left3A_220, %add3A_357 : vector<16xi32>
          tpu.vector_store_idx %arg8[%shift_right_logical3A_215, %add3A_359], %gather3A_358 : memref<32x128xf32, #tpu.memory_space<vmem>>[vector<16xi32>, vector<16xi32>], vector<16xf32>,
          %add3A_360 = arith.constant 16 : i32
          %add3A_361 = vector.broadcast %add3A_360 : i32 to vector<16xi32>
          %add3A_362 = arith.addi %add3A_361, %and3A_77 : vector<16xi32>
          %gather3A_363 = tpu.vector_load_idx %arg6[%add3A_362, %add3A_213] : memref<32x128xf32, #tpu.memory_space<vmem>>[vector<16xi32>, vector<16xi32>], vector<16xf32>,
          %add3A_364 = arith.addi %shift_left3A_220, %add3A_362 : vector<16xi32>
          tpu.vector_store_idx %arg8[%shift_right_logical3A_215, %add3A_364], %gather3A_363 : memref<32x128xf32, #tpu.memory_space<vmem>>[vector<16xi32>, vector<16xi32>], vector<16xf32>,
          %add3A_365 = arith.constant 16 : i32
          %add3A_366 = vector.broadcast %add3A_365 : i32 to vector<16xi32>
          %add3A_367 = arith.addi %add3A_366, %and3A_83 : vector<16xi32>
          %gather3A_368 = tpu.vector_load_idx %arg6[%add3A_367, %add3A_213] : memref<32x128xf32, #tpu.memory_space<vmem>>[vector<16xi32>, vector<16xi32>], vector<16xf32>,
          %add3A_369 = arith.addi %shift_left3A_220, %add3A_367 : vector<16xi32>
          tpu.vector_store_idx %arg8[%shift_right_logical3A_215, %add3A_369], %gather3A_368 : memref<32x128xf32, #tpu.memory_space<vmem>>[vector<16xi32>, vector<16xi32>], vector<16xf32>,
          %add3A_370 = arith.constant 16 : i32
          %add3A_371 = vector.broadcast %add3A_370 : i32 to vector<16xi32>
          %add3A_372 = arith.addi %add3A_371, %and3A_89 : vector<16xi32>
          %gather3A_373 = tpu.vector_load_idx %arg6[%add3A_372, %add3A_213] : memref<32x128xf32, #tpu.memory_space<vmem>>[vector<16xi32>, vector<16xi32>], vector<16xf32>,
          %add3A_374 = arith.addi %shift_left3A_220, %add3A_372 : vector<16xi32>
          tpu.vector_store_idx %arg8[%shift_right_logical3A_215, %add3A_374], %gather3A_373 : memref<32x128xf32, #tpu.memory_space<vmem>>[vector<16xi32>, vector<16xi32>], vector<16xf32>,
          %add3A_375 = arith.constant 16 : i32
          %add3A_376 = vector.broadcast %add3A_375 : i32 to vector<16xi32>
          %add3A_377 = arith.addi %add3A_376, %and3A_95 : vector<16xi32>
          %gather3A_378 = tpu.vector_load_idx %arg6[%add3A_377, %add3A_213] : memref<32x128xf32, #tpu.memory_space<vmem>>[vector<16xi32>, vector<16xi32>], vector<16xf32>,
          %add3A_379 = arith.addi %shift_left3A_220, %add3A_377 : vector<16xi32>
          tpu.vector_store_idx %arg8[%shift_right_logical3A_215, %add3A_379], %gather3A_378 : memref<32x128xf32, #tpu.memory_space<vmem>>[vector<16xi32>, vector<16xi32>], vector<16xf32>,
        }
        %scan3A_189 = arith.constant 8 : i32
        %mul3A_190 = arith.constant 32 : i32
        %mul3A_191 = arith.muli %mul3A_190, %add3A_172 : i32
        %add3A_192 = arith.addi %add3A, %mul3A_191 : i32
        %mul3A_193 = arith.constant 32 : i32
        %mul3A_194 = arith.muli %add3A_192, %mul3A_193 : i32
        %dma_start3A_195 = arith.constant 0 : i32
        %dma_start3A_196 = tpu.memref_slice %arg4[%mul3A_194, %dma_start3A_195] : memref<250000x128xf32, #tpu.memory_space<hbm>> -> memref<32x128xf32, #tpu.memory_space<hbm>>
        %dma_start3A_197 = arith.constant 0 : i32
        %dma_start3A_198 = tpu.memref_slice %arg4[%mul3A_194, %dma_start3A_197] : memref<250000x128xf32, #tpu.memory_space<hbm>> -> memref<32x128xf32, #tpu.memory_space<hbm>>
        tpu.enqueue_dma source(%arg8 : memref<32x128xf32, #tpu.memory_space<vmem>>) target(%dma_start3A_198 : memref<32x128xf32, #tpu.memory_space<hbm>>) target_semaphore(%arg13 : memref<!tpu.dma_semaphore, #tpu.memory_space<semaphore_mem>>)
        %add3A_199 = arith.constant 2 : i32
        %add3A_200 = arith.addi %add3A_172, %add3A_199 : i32
        %lt3A_201 = arith.cmpi slt, %add3A_200, %select_n3A : i32
        %convert_element_type3A_202 = arith.extui %lt3A_201 : i1 to i32
        %cond3A_203 = arith.constant 0 : i32
        %cond3A_204 = arith.cmpi ne, %convert_element_type3A_202, %cond3A_203 : i32
        scf.if %cond3A_204 {
          %add3A_205 = arith.constant 2 : i32
          %add3A_206 = arith.addi %add3A_172, %add3A_205 : i32
          %mul3A_207 = arith.constant 32 : i32
          %mul3A_208 = arith.muli %mul3A_207, %add3A_206 : i32
          %add3A_209 = arith.addi %add3A, %mul3A_208 : i32
          %mul3A_210 = arith.constant 128 : i32
          %mul3A_211 = arith.muli %add3A_209, %mul3A_210 : i32
          %dma_start3A_212 = arith.constant 0 : i32
          %dma_start3A_213 = tpu.memref_slice %arg2[%dma_start3A_212, %mul3A_211] : memref<32x1000000xf32, #tpu.memory_space<hbm>> -> memref<32x128xf32, #tpu.memory_space<hbm>>
          %dma_start3A_214 = arith.constant 0 : i32
          %dma_start3A_215 = tpu.memref_slice %arg2[%dma_start3A_214, %mul3A_211] : memref<32x1000000xf32, #tpu.memory_space<hbm>> -> memref<32x128xf32, #tpu.memory_space<hbm>>
          tpu.enqueue_dma source(%dma_start3A_215 : memref<32x128xf32, #tpu.memory_space<hbm>>) target(%arg6 : memref<32x128xf32, #tpu.memory_space<vmem>>) target_semaphore(%arg11 : memref<!tpu.dma_semaphore, #tpu.memory_space<semaphore_mem>>)
        } else {
        }
      } else {
      }
    }
    %while3A_151 = arith.constant 1 : i32
    scf.for %while3A_163 = %while3A_149 to %while3A_145 step %while3A_151  : i32 {
      %mul3A_164 = arith.muli %while3A_163, %while3A : i32
      %add3A_165 = arith.addi %while3A_142, %mul3A_164 : i32
      %add3A_166 = arith.constant 0 : i32
      %add3A_167 = arith.addi %add3A_165, %add3A_166 : i32
      %lt3A = arith.cmpi slt, %add3A_167, %select_n3A : i32
      %convert_element_type3A_168 = arith.extui %lt3A : i1 to i32
      %cond3A_169 = arith.constant 0 : i32
      %cond3A_170 = arith.cmpi ne, %convert_element_type3A_168, %cond3A_169 : i32
      scf.if %cond3A_170 {
        %dma_wait3A = arith.constant 0 : i32
        %dma_wait3A_177 = arith.constant 0 : i32
        %dma_wait3A_178 = tpu.memref_slice %arg2[%dma_wait3A, %dma_wait3A_177] : memref<32x1000000xf32, #tpu.memory_space<hbm>> -> memref<32x128xf32, #tpu.memory_space<hbm>>
        %dma_wait3A_179 = arith.constant 0 : i32
        %dma_wait3A_180 = arith.constant 0 : i32
        %dma_wait3A_181 = tpu.memref_slice %arg2[%dma_wait3A_179, %dma_wait3A_180] : memref<32x1000000xf32, #tpu.memory_space<hbm>> -> memref<32x128xf32, #tpu.memory_space<hbm>>
        tpu.wait_dma2 semaphore(%arg10 : memref<!tpu.dma_semaphore, #tpu.memory_space<semaphore_mem>>) src(%dma_wait3A_181 : memref<32x128xf32, #tpu.memory_space<hbm>>) dst(%arg5 : memref<32x128xf32, #tpu.memory_space<vmem>>)
        %ge3A = arith.constant 2 : i32
        %ge3A_182 = arith.cmpi sge, %add3A_167, %ge3A : i32
        %convert_element_type3A_183 = arith.extui %ge3A_182 : i1 to i32
        %cond3A_184 = arith.constant 0 : i32
        %cond3A_185 = arith.cmpi ne, %convert_element_type3A_183, %cond3A_184 : i32
        scf.if %cond3A_185 {
          %dma_wait3A_205 = arith.constant 0 : i32
          %dma_wait3A_206 = arith.constant 0 : i32
          %dma_wait3A_207 = tpu.memref_slice %arg4[%dma_wait3A_205, %dma_wait3A_206] : memref<250000x128xf32, #tpu.memory_space<hbm>> -> memref<32x128xf32, #tpu.memory_space<hbm>>
          %dma_wait3A_208 = arith.constant 0 : i32
          %dma_wait3A_209 = arith.constant 0 : i32
          %dma_wait3A_210 = tpu.memref_slice %arg4[%dma_wait3A_208, %dma_wait3A_209] : memref<250000x128xf32, #tpu.memory_space<hbm>> -> memref<32x128xf32, #tpu.memory_space<hbm>>
          tpu.wait_dma2 semaphore(%arg12 : memref<!tpu.dma_semaphore, #tpu.memory_space<semaphore_mem>>) src(%arg7 : memref<32x128xf32, #tpu.memory_space<vmem>>) dst(%dma_wait3A_210 : memref<32x128xf32, #tpu.memory_space<hbm>>)
        } else {
        }
        %scan3A = arith.constant 0 : i32
        %scan3A_186 = arith.constant 8 : i32
        %scan3A_187 = arith.addi %scan3A, %scan3A_186 : i32
        %scan3A_188 = arith.constant 1 : i32
        scf.for %scan3A_205 = %scan3A to %scan3A_187 step %scan3A_188  : i32 {
          %mul3A_206 = arith.constant 1 : i32
          %mul3A_207 = arith.muli %scan3A_205, %mul3A_206 : i32
          %add3A_208 = arith.constant 0 : i32
          %add3A_209 = arith.addi %add3A_208, %mul3A_207 : i32
          %mul3A_210 = arith.constant 16 : i32
          %mul3A_211 = arith.muli %add3A_209, %mul3A_210 : i32
          %add3A_212 = vector.broadcast %mul3A_211 : i32 to vector<16xi32>
          %add3A_213 = arith.addi %add3A_212, %iota3A : vector<16xi32>
          %shift_right_logical3A = arith.constant 2 : i32
          %shift_right_logical3A_214 = vector.broadcast %shift_right_logical3A : i32 to vector<16xi32>
          %shift_right_logical3A_215 = arith.shrui %add3A_213, %shift_right_logical3A_214 : vector<16xi32>
          %and3A_216 = arith.constant 3 : i32
          %and3A_217 = vector.broadcast %and3A_216 : i32 to vector<16xi32>
          %and3A_218 = arith.andi %add3A_213, %and3A_217 : vector<16xi32>
          %shift_left3A = arith.constant 5 : i32
          %shift_left3A_219 = vector.broadcast %shift_left3A : i32 to vector<16xi32>
          %shift_left3A_220 = arith.shli %and3A_218, %shift_left3A_219 : vector<16xi32>
          %add3A_221 = arith.constant 0 : i32
          %add3A_222 = vector.broadcast %add3A_221 : i32 to vector<16xi32>
          %add3A_223 = arith.addi %add3A_222, %and3A_5 : vector<16xi32>
          %gather3A = tpu.vector_load_idx %arg5[%add3A_223, %add3A_213] : memref<32x128xf32, #tpu.memory_space<vmem>>[vector<16xi32>, vector<16xi32>], vector<16xf32>,
          %add3A_224 = arith.addi %shift_left3A_220, %add3A_223 : vector<16xi32>
          tpu.vector_store_idx %arg7[%shift_right_logical3A_215, %add3A_224], %gather3A : memref<32x128xf32, #tpu.memory_space<vmem>>[vector<16xi32>, vector<16xi32>], vector<16xf32>,
          %add3A_225 = arith.constant 0 : i32
          %add3A_226 = vector.broadcast %add3A_225 : i32 to vector<16xi32>
          %add3A_227 = arith.addi %add3A_226, %and3A_11 : vector<16xi32>
          %gather3A_228 = tpu.vector_load_idx %arg5[%add3A_227, %add3A_213] : memref<32x128xf32, #tpu.memory_space<vmem>>[vector<16xi32>, vector<16xi32>], vector<16xf32>,
          %add3A_229 = arith.addi %shift_left3A_220, %add3A_227 : vector<16xi32>
          tpu.vector_store_idx %arg7[%shift_right_logical3A_215, %add3A_229], %gather3A_228 : memref<32x128xf32, #tpu.memory_space<vmem>>[vector<16xi32>, vector<16xi32>], vector<16xf32>,
          %add3A_230 = arith.constant 0 : i32
          %add3A_231 = vector.broadcast %add3A_230 : i32 to vector<16xi32>
          %add3A_232 = arith.addi %add3A_231, %and3A_17 : vector<16xi32>
          %gather3A_233 = tpu.vector_load_idx %arg5[%add3A_232, %add3A_213] : memref<32x128xf32, #tpu.memory_space<vmem>>[vector<16xi32>, vector<16xi32>], vector<16xf32>,
          %add3A_234 = arith.addi %shift_left3A_220, %add3A_232 : vector<16xi32>
          tpu.vector_store_idx %arg7[%shift_right_logical3A_215, %add3A_234], %gather3A_233 : memref<32x128xf32, #tpu.memory_space<vmem>>[vector<16xi32>, vector<16xi32>], vector<16xf32>,
          %add3A_235 = arith.constant 0 : i32
          %add3A_236 = vector.broadcast %add3A_235 : i32 to vector<16xi32>
          %add3A_237 = arith.addi %add3A_236, %and3A_23 : vector<16xi32>
          %gather3A_238 = tpu.vector_load_idx %arg5[%add3A_237, %add3A_213] : memref<32x128xf32, #tpu.memory_space<vmem>>[vector<16xi32>, vector<16xi32>], vector<16xf32>,
          %add3A_239 = arith.addi %shift_left3A_220, %add3A_237 : vector<16xi32>
          tpu.vector_store_idx %arg7[%shift_right_logical3A_215, %add3A_239], %gather3A_238 : memref<32x128xf32, #tpu.memory_space<vmem>>[vector<16xi32>, vector<16xi32>], vector<16xf32>,
          %add3A_240 = arith.constant 0 : i32
          %add3A_241 = vector.broadcast %add3A_240 : i32 to vector<16xi32>
          %add3A_242 = arith.addi %add3A_241, %and3A_29 : vector<16xi32>
          %gather3A_243 = tpu.vector_load_idx %arg5[%add3A_242, %add3A_213] : memref<32x128xf32, #tpu.memory_space<vmem>>[vector<16xi32>, vector<16xi32>], vector<16xf32>,
          %add3A_244 = arith.addi %shift_left3A_220, %add3A_242 : vector<16xi32>
          tpu.vector_store_idx %arg7[%shift_right_logical3A_215, %add3A_244], %gather3A_243 : memref<32x128xf32, #tpu.memory_space<vmem>>[vector<16xi32>, vector<16xi32>], vector<16xf32>,
          %add3A_245 = arith.constant 0 : i32
          %add3A_246 = vector.broadcast %add3A_245 : i32 to vector<16xi32>
          %add3A_247 = arith.addi %add3A_246, %and3A_35 : vector<16xi32>
          %gather3A_248 = tpu.vector_load_idx %arg5[%add3A_247, %add3A_213] : memref<32x128xf32, #tpu.memory_space<vmem>>[vector<16xi32>, vector<16xi32>], vector<16xf32>,
          %add3A_249 = arith.addi %shift_left3A_220, %add3A_247 : vector<16xi32>
          tpu.vector_store_idx %arg7[%shift_right_logical3A_215, %add3A_249], %gather3A_248 : memref<32x128xf32, #tpu.memory_space<vmem>>[vector<16xi32>, vector<16xi32>], vector<16xf32>,
          %add3A_250 = arith.constant 0 : i32
          %add3A_251 = vector.broadcast %add3A_250 : i32 to vector<16xi32>
          %add3A_252 = arith.addi %add3A_251, %and3A_41 : vector<16xi32>
          %gather3A_253 = tpu.vector_load_idx %arg5[%add3A_252, %add3A_213] : memref<32x128xf32, #tpu.memory_space<vmem>>[vector<16xi32>, vector<16xi32>], vector<16xf32>,
          %add3A_254 = arith.addi %shift_left3A_220, %add3A_252 : vector<16xi32>
          tpu.vector_store_idx %arg7[%shift_right_logical3A_215, %add3A_254], %gather3A_253 : memref<32x128xf32, #tpu.memory_space<vmem>>[vector<16xi32>, vector<16xi32>], vector<16xf32>,
          %add3A_255 = arith.constant 0 : i32
          %add3A_256 = vector.broadcast %add3A_255 : i32 to vector<16xi32>
          %add3A_257 = arith.addi %add3A_256, %and3A_47 : vector<16xi32>
          %gather3A_258 = tpu.vector_load_idx %arg5[%add3A_257, %add3A_213] : memref<32x128xf32, #tpu.memory_space<vmem>>[vector<16xi32>, vector<16xi32>], vector<16xf32>,
          %add3A_259 = arith.addi %shift_left3A_220, %add3A_257 : vector<16xi32>
          tpu.vector_store_idx %arg7[%shift_right_logical3A_215, %add3A_259], %gather3A_258 : memref<32x128xf32, #tpu.memory_space<vmem>>[vector<16xi32>, vector<16xi32>], vector<16xf32>,
          %add3A_260 = arith.constant 0 : i32
          %add3A_261 = vector.broadcast %add3A_260 : i32 to vector<16xi32>
          %add3A_262 = arith.addi %add3A_261, %and3A_53 : vector<16xi32>
          %gather3A_263 = tpu.vector_load_idx %arg5[%add3A_262, %add3A_213] : memref<32x128xf32, #tpu.memory_space<vmem>>[vector<16xi32>, vector<16xi32>], vector<16xf32>,
          %add3A_264 = arith.addi %shift_left3A_220, %add3A_262 : vector<16xi32>
          tpu.vector_store_idx %arg7[%shift_right_logical3A_215, %add3A_264], %gather3A_263 : memref<32x128xf32, #tpu.memory_space<vmem>>[vector<16xi32>, vector<16xi32>], vector<16xf32>,
          %add3A_265 = arith.constant 0 : i32
          %add3A_266 = vector.broadcast %add3A_265 : i32 to vector<16xi32>
          %add3A_267 = arith.addi %add3A_266, %and3A_59 : vector<16xi32>
          %gather3A_268 = tpu.vector_load_idx %arg5[%add3A_267, %add3A_213] : memref<32x128xf32, #tpu.memory_space<vmem>>[vector<16xi32>, vector<16xi32>], vector<16xf32>,
          %add3A_269 = arith.addi %shift_left3A_220, %add3A_267 : vector<16xi32>
          tpu.vector_store_idx %arg7[%shift_right_logical3A_215, %add3A_269], %gather3A_268 : memref<32x128xf32, #tpu.memory_space<vmem>>[vector<16xi32>, vector<16xi32>], vector<16xf32>,
          %add3A_270 = arith.constant 0 : i32
          %add3A_271 = vector.broadcast %add3A_270 : i32 to vector<16xi32>
          %add3A_272 = arith.addi %add3A_271, %and3A_65 : vector<16xi32>
          %gather3A_273 = tpu.vector_load_idx %arg5[%add3A_272, %add3A_213] : memref<32x128xf32, #tpu.memory_space<vmem>>[vector<16xi32>, vector<16xi32>], vector<16xf32>,
          %add3A_274 = arith.addi %shift_left3A_220, %add3A_272 : vector<16xi32>
          tpu.vector_store_idx %arg7[%shift_right_logical3A_215, %add3A_274], %gather3A_273 : memref<32x128xf32, #tpu.memory_space<vmem>>[vector<16xi32>, vector<16xi32>], vector<16xf32>,
          %add3A_275 = arith.constant 0 : i32
          %add3A_276 = vector.broadcast %add3A_275 : i32 to vector<16xi32>
          %add3A_277 = arith.addi %add3A_276, %and3A_71 : vector<16xi32>
          %gather3A_278 = tpu.vector_load_idx %arg5[%add3A_277, %add3A_213] : memref<32x128xf32, #tpu.memory_space<vmem>>[vector<16xi32>, vector<16xi32>], vector<16xf32>,
          %add3A_279 = arith.addi %shift_left3A_220, %add3A_277 : vector<16xi32>
          tpu.vector_store_idx %arg7[%shift_right_logical3A_215, %add3A_279], %gather3A_278 : memref<32x128xf32, #tpu.memory_space<vmem>>[vector<16xi32>, vector<16xi32>], vector<16xf32>,
          %add3A_280 = arith.constant 0 : i32
          %add3A_281 = vector.broadcast %add3A_280 : i32 to vector<16xi32>
          %add3A_282 = arith.addi %add3A_281, %and3A_77 : vector<16xi32>
          %gather3A_283 = tpu.vector_load_idx %arg5[%add3A_282, %add3A_213] : memref<32x128xf32, #tpu.memory_space<vmem>>[vector<16xi32>, vector<16xi32>], vector<16xf32>,
          %add3A_284 = arith.addi %shift_left3A_220, %add3A_282 : vector<16xi32>
          tpu.vector_store_idx %arg7[%shift_right_logical3A_215, %add3A_284], %gather3A_283 : memref<32x128xf32, #tpu.memory_space<vmem>>[vector<16xi32>, vector<16xi32>], vector<16xf32>,
          %add3A_285 = arith.constant 0 : i32
          %add3A_286 = vector.broadcast %add3A_285 : i32 to vector<16xi32>
          %add3A_287 = arith.addi %add3A_286, %and3A_83 : vector<16xi32>
          %gather3A_288 = tpu.vector_load_idx %arg5[%add3A_287, %add3A_213] : memref<32x128xf32, #tpu.memory_space<vmem>>[vector<16xi32>, vector<16xi32>], vector<16xf32>,
          %add3A_289 = arith.addi %shift_left3A_220, %add3A_287 : vector<16xi32>
          tpu.vector_store_idx %arg7[%shift_right_logical3A_215, %add3A_289], %gather3A_288 : memref<32x128xf32, #tpu.memory_space<vmem>>[vector<16xi32>, vector<16xi32>], vector<16xf32>,
          %add3A_290 = arith.constant 0 : i32
          %add3A_291 = vector.broadcast %add3A_290 : i32 to vector<16xi32>
          %add3A_292 = arith.addi %add3A_291, %and3A_89 : vector<16xi32>
          %gather3A_293 = tpu.vector_load_idx %arg5[%add3A_292, %add3A_213] : memref<32x128xf32, #tpu.memory_space<vmem>>[vector<16xi32>, vector<16xi32>], vector<16xf32>,
          %add3A_294 = arith.addi %shift_left3A_220, %add3A_292 : vector<16xi32>
          tpu.vector_store_idx %arg7[%shift_right_logical3A_215, %add3A_294], %gather3A_293 : memref<32x128xf32, #tpu.memory_space<vmem>>[vector<16xi32>, vector<16xi32>], vector<16xf32>,
          %add3A_295 = arith.constant 0 : i32
          %add3A_296 = vector.broadcast %add3A_295 : i32 to vector<16xi32>
          %add3A_297 = arith.addi %add3A_296, %and3A_95 : vector<16xi32>
          %gather3A_298 = tpu.vector_load_idx %arg5[%add3A_297, %add3A_213] : memref<32x128xf32, #tpu.memory_space<vmem>>[vector<16xi32>, vector<16xi32>], vector<16xf32>,
          %add3A_299 = arith.addi %shift_left3A_220, %add3A_297 : vector<16xi32>
          tpu.vector_store_idx %arg7[%shift_right_logical3A_215, %add3A_299], %gather3A_298 : memref<32x128xf32, #tpu.memory_space<vmem>>[vector<16xi32>, vector<16xi32>], vector<16xf32>,
          %add3A_300 = arith.constant 16 : i32
          %add3A_301 = vector.broadcast %add3A_300 : i32 to vector<16xi32>
          %add3A_302 = arith.addi %add3A_301, %and3A_5 : vector<16xi32>
          %gather3A_303 = tpu.vector_load_idx %arg5[%add3A_302, %add3A_213] : memref<32x128xf32, #tpu.memory_space<vmem>>[vector<16xi32>, vector<16xi32>], vector<16xf32>,
          %add3A_304 = arith.addi %shift_left3A_220, %add3A_302 : vector<16xi32>
          tpu.vector_store_idx %arg7[%shift_right_logical3A_215, %add3A_304], %gather3A_303 : memref<32x128xf32, #tpu.memory_space<vmem>>[vector<16xi32>, vector<16xi32>], vector<16xf32>,
          %add3A_305 = arith.constant 16 : i32
          %add3A_306 = vector.broadcast %add3A_305 : i32 to vector<16xi32>
          %add3A_307 = arith.addi %add3A_306, %and3A_11 : vector<16xi32>
          %gather3A_308 = tpu.vector_load_idx %arg5[%add3A_307, %add3A_213] : memref<32x128xf32, #tpu.memory_space<vmem>>[vector<16xi32>, vector<16xi32>], vector<16xf32>,
          %add3A_309 = arith.addi %shift_left3A_220, %add3A_307 : vector<16xi32>
          tpu.vector_store_idx %arg7[%shift_right_logical3A_215, %add3A_309], %gather3A_308 : memref<32x128xf32, #tpu.memory_space<vmem>>[vector<16xi32>, vector<16xi32>], vector<16xf32>,
          %add3A_310 = arith.constant 16 : i32
          %add3A_311 = vector.broadcast %add3A_310 : i32 to vector<16xi32>
          %add3A_312 = arith.addi %add3A_311, %and3A_17 : vector<16xi32>
          %gather3A_313 = tpu.vector_load_idx %arg5[%add3A_312, %add3A_213] : memref<32x128xf32, #tpu.memory_space<vmem>>[vector<16xi32>, vector<16xi32>], vector<16xf32>,
          %add3A_314 = arith.addi %shift_left3A_220, %add3A_312 : vector<16xi32>
          tpu.vector_store_idx %arg7[%shift_right_logical3A_215, %add3A_314], %gather3A_313 : memref<32x128xf32, #tpu.memory_space<vmem>>[vector<16xi32>, vector<16xi32>], vector<16xf32>,
          %add3A_315 = arith.constant 16 : i32
          %add3A_316 = vector.broadcast %add3A_315 : i32 to vector<16xi32>
          %add3A_317 = arith.addi %add3A_316, %and3A_23 : vector<16xi32>
          %gather3A_318 = tpu.vector_load_idx %arg5[%add3A_317, %add3A_213] : memref<32x128xf32, #tpu.memory_space<vmem>>[vector<16xi32>, vector<16xi32>], vector<16xf32>,
          %add3A_319 = arith.addi %shift_left3A_220, %add3A_317 : vector<16xi32>
          tpu.vector_store_idx %arg7[%shift_right_logical3A_215, %add3A_319], %gather3A_318 : memref<32x128xf32, #tpu.memory_space<vmem>>[vector<16xi32>, vector<16xi32>], vector<16xf32>,
          %add3A_320 = arith.constant 16 : i32
          %add3A_321 = vector.broadcast %add3A_320 : i32 to vector<16xi32>
          %add3A_322 = arith.addi %add3A_321, %and3A_29 : vector<16xi32>
          %gather3A_323 = tpu.vector_load_idx %arg5[%add3A_322, %add3A_213] : memref<32x128xf32, #tpu.memory_space<vmem>>[vector<16xi32>, vector<16xi32>], vector<16xf32>,
          %add3A_324 = arith.addi %shift_left3A_220, %add3A_322 : vector<16xi32>
          tpu.vector_store_idx %arg7[%shift_right_logical3A_215, %add3A_324], %gather3A_323 : memref<32x128xf32, #tpu.memory_space<vmem>>[vector<16xi32>, vector<16xi32>], vector<16xf32>,
          %add3A_325 = arith.constant 16 : i32
          %add3A_326 = vector.broadcast %add3A_325 : i32 to vector<16xi32>
          %add3A_327 = arith.addi %add3A_326, %and3A_35 : vector<16xi32>
          %gather3A_328 = tpu.vector_load_idx %arg5[%add3A_327, %add3A_213] : memref<32x128xf32, #tpu.memory_space<vmem>>[vector<16xi32>, vector<16xi32>], vector<16xf32>,
          %add3A_329 = arith.addi %shift_left3A_220, %add3A_327 : vector<16xi32>
          tpu.vector_store_idx %arg7[%shift_right_logical3A_215, %add3A_329], %gather3A_328 : memref<32x128xf32, #tpu.memory_space<vmem>>[vector<16xi32>, vector<16xi32>], vector<16xf32>,
          %add3A_330 = arith.constant 16 : i32
          %add3A_331 = vector.broadcast %add3A_330 : i32 to vector<16xi32>
          %add3A_332 = arith.addi %add3A_331, %and3A_41 : vector<16xi32>
          %gather3A_333 = tpu.vector_load_idx %arg5[%add3A_332, %add3A_213] : memref<32x128xf32, #tpu.memory_space<vmem>>[vector<16xi32>, vector<16xi32>], vector<16xf32>,
          %add3A_334 = arith.addi %shift_left3A_220, %add3A_332 : vector<16xi32>
          tpu.vector_store_idx %arg7[%shift_right_logical3A_215, %add3A_334], %gather3A_333 : memref<32x128xf32, #tpu.memory_space<vmem>>[vector<16xi32>, vector<16xi32>], vector<16xf32>,
          %add3A_335 = arith.constant 16 : i32
          %add3A_336 = vector.broadcast %add3A_335 : i32 to vector<16xi32>
          %add3A_337 = arith.addi %add3A_336, %and3A_47 : vector<16xi32>
          %gather3A_338 = tpu.vector_load_idx %arg5[%add3A_337, %add3A_213] : memref<32x128xf32, #tpu.memory_space<vmem>>[vector<16xi32>, vector<16xi32>], vector<16xf32>,
          %add3A_339 = arith.addi %shift_left3A_220, %add3A_337 : vector<16xi32>
          tpu.vector_store_idx %arg7[%shift_right_logical3A_215, %add3A_339], %gather3A_338 : memref<32x128xf32, #tpu.memory_space<vmem>>[vector<16xi32>, vector<16xi32>], vector<16xf32>,
          %add3A_340 = arith.constant 16 : i32
          %add3A_341 = vector.broadcast %add3A_340 : i32 to vector<16xi32>
          %add3A_342 = arith.addi %add3A_341, %and3A_53 : vector<16xi32>
          %gather3A_343 = tpu.vector_load_idx %arg5[%add3A_342, %add3A_213] : memref<32x128xf32, #tpu.memory_space<vmem>>[vector<16xi32>, vector<16xi32>], vector<16xf32>,
          %add3A_344 = arith.addi %shift_left3A_220, %add3A_342 : vector<16xi32>
          tpu.vector_store_idx %arg7[%shift_right_logical3A_215, %add3A_344], %gather3A_343 : memref<32x128xf32, #tpu.memory_space<vmem>>[vector<16xi32>, vector<16xi32>], vector<16xf32>,
          %add3A_345 = arith.constant 16 : i32
          %add3A_346 = vector.broadcast %add3A_345 : i32 to vector<16xi32>
          %add3A_347 = arith.addi %add3A_346, %and3A_59 : vector<16xi32>
          %gather3A_348 = tpu.vector_load_idx %arg5[%add3A_347, %add3A_213] : memref<32x128xf32, #tpu.memory_space<vmem>>[vector<16xi32>, vector<16xi32>], vector<16xf32>,
          %add3A_349 = arith.addi %shift_left3A_220, %add3A_347 : vector<16xi32>
          tpu.vector_store_idx %arg7[%shift_right_logical3A_215, %add3A_349], %gather3A_348 : memref<32x128xf32, #tpu.memory_space<vmem>>[vector<16xi32>, vector<16xi32>], vector<16xf32>,
          %add3A_350 = arith.constant 16 : i32
          %add3A_351 = vector.broadcast %add3A_350 : i32 to vector<16xi32>
          %add3A_352 = arith.addi %add3A_351, %and3A_65 : vector<16xi32>
          %gather3A_353 = tpu.vector_load_idx %arg5[%add3A_352, %add3A_213] : memref<32x128xf32, #tpu.memory_space<vmem>>[vector<16xi32>, vector<16xi32>], vector<16xf32>,
          %add3A_354 = arith.addi %shift_left3A_220, %add3A_352 : vector<16xi32>
          tpu.vector_store_idx %arg7[%shift_right_logical3A_215, %add3A_354], %gather3A_353 : memref<32x128xf32, #tpu.memory_space<vmem>>[vector<16xi32>, vector<16xi32>], vector<16xf32>,
          %add3A_355 = arith.constant 16 : i32
          %add3A_356 = vector.broadcast %add3A_355 : i32 to vector<16xi32>
          %add3A_357 = arith.addi %add3A_356, %and3A_71 : vector<16xi32>
          %gather3A_358 = tpu.vector_load_idx %arg5[%add3A_357, %add3A_213] : memref<32x128xf32, #tpu.memory_space<vmem>>[vector<16xi32>, vector<16xi32>], vector<16xf32>,
          %add3A_359 = arith.addi %shift_left3A_220, %add3A_357 : vector<16xi32>
          tpu.vector_store_idx %arg7[%shift_right_logical3A_215, %add3A_359], %gather3A_358 : memref<32x128xf32, #tpu.memory_space<vmem>>[vector<16xi32>, vector<16xi32>], vector<16xf32>,
          %add3A_360 = arith.constant 16 : i32
          %add3A_361 = vector.broadcast %add3A_360 : i32 to vector<16xi32>
          %add3A_362 = arith.addi %add3A_361, %and3A_77 : vector<16xi32>
          %gather3A_363 = tpu.vector_load_idx %arg5[%add3A_362, %add3A_213] : memref<32x128xf32, #tpu.memory_space<vmem>>[vector<16xi32>, vector<16xi32>], vector<16xf32>,
          %add3A_364 = arith.addi %shift_left3A_220, %add3A_362 : vector<16xi32>
          tpu.vector_store_idx %arg7[%shift_right_logical3A_215, %add3A_364], %gather3A_363 : memref<32x128xf32, #tpu.memory_space<vmem>>[vector<16xi32>, vector<16xi32>], vector<16xf32>,
          %add3A_365 = arith.constant 16 : i32
          %add3A_366 = vector.broadcast %add3A_365 : i32 to vector<16xi32>
          %add3A_367 = arith.addi %add3A_366, %and3A_83 : vector<16xi32>
          %gather3A_368 = tpu.vector_load_idx %arg5[%add3A_367, %add3A_213] : memref<32x128xf32, #tpu.memory_space<vmem>>[vector<16xi32>, vector<16xi32>], vector<16xf32>,
          %add3A_369 = arith.addi %shift_left3A_220, %add3A_367 : vector<16xi32>
          tpu.vector_store_idx %arg7[%shift_right_logical3A_215, %add3A_369], %gather3A_368 : memref<32x128xf32, #tpu.memory_space<vmem>>[vector<16xi32>, vector<16xi32>], vector<16xf32>,
          %add3A_370 = arith.constant 16 : i32
          %add3A_371 = vector.broadcast %add3A_370 : i32 to vector<16xi32>
          %add3A_372 = arith.addi %add3A_371, %and3A_89 : vector<16xi32>
          %gather3A_373 = tpu.vector_load_idx %arg5[%add3A_372, %add3A_213] : memref<32x128xf32, #tpu.memory_space<vmem>>[vector<16xi32>, vector<16xi32>], vector<16xf32>,
          %add3A_374 = arith.addi %shift_left3A_220, %add3A_372 : vector<16xi32>
          tpu.vector_store_idx %arg7[%shift_right_logical3A_215, %add3A_374], %gather3A_373 : memref<32x128xf32, #tpu.memory_space<vmem>>[vector<16xi32>, vector<16xi32>], vector<16xf32>,
          %add3A_375 = arith.constant 16 : i32
          %add3A_376 = vector.broadcast %add3A_375 : i32 to vector<16xi32>
          %add3A_377 = arith.addi %add3A_376, %and3A_95 : vector<16xi32>
          %gather3A_378 = tpu.vector_load_idx %arg5[%add3A_377, %add3A_213] : memref<32x128xf32, #tpu.memory_space<vmem>>[vector<16xi32>, vector<16xi32>], vector<16xf32>,
          %add3A_379 = arith.addi %shift_left3A_220, %add3A_377 : vector<16xi32>
          tpu.vector_store_idx %arg7[%shift_right_logical3A_215, %add3A_379], %gather3A_378 : memref<32x128xf32, #tpu.memory_space<vmem>>[vector<16xi32>, vector<16xi32>], vector<16xf32>,
        }
        %scan3A_189 = arith.constant 8 : i32
        %mul3A_190 = arith.constant 32 : i32
        %mul3A_191 = arith.muli %mul3A_190, %add3A_167 : i32
        %add3A_192 = arith.addi %add3A, %mul3A_191 : i32
        %mul3A_193 = arith.constant 32 : i32
        %mul3A_194 = arith.muli %add3A_192, %mul3A_193 : i32
        %dma_start3A_195 = arith.constant 0 : i32
        %dma_start3A_196 = tpu.memref_slice %arg4[%mul3A_194, %dma_start3A_195] : memref<250000x128xf32, #tpu.memory_space<hbm>> -> memref<32x128xf32, #tpu.memory_space<hbm>>
        %dma_start3A_197 = arith.constant 0 : i32
        %dma_start3A_198 = tpu.memref_slice %arg4[%mul3A_194, %dma_start3A_197] : memref<250000x128xf32, #tpu.memory_space<hbm>> -> memref<32x128xf32, #tpu.memory_space<hbm>>
        tpu.enqueue_dma source(%arg7 : memref<32x128xf32, #tpu.memory_space<vmem>>) target(%dma_start3A_198 : memref<32x128xf32, #tpu.memory_space<hbm>>) target_semaphore(%arg12 : memref<!tpu.dma_semaphore, #tpu.memory_space<semaphore_mem>>)
        %add3A_199 = arith.constant 2 : i32
        %add3A_200 = arith.addi %add3A_167, %add3A_199 : i32
        %lt3A_201 = arith.cmpi slt, %add3A_200, %select_n3A : i32
        %convert_element_type3A_202 = arith.extui %lt3A_201 : i1 to i32
        %cond3A_203 = arith.constant 0 : i32
        %cond3A_204 = arith.cmpi ne, %convert_element_type3A_202, %cond3A_203 : i32
        scf.if %cond3A_204 {
          %add3A_205 = arith.constant 2 : i32
          %add3A_206 = arith.addi %add3A_167, %add3A_205 : i32
          %mul3A_207 = arith.constant 32 : i32
          %mul3A_208 = arith.muli %mul3A_207, %add3A_206 : i32
          %add3A_209 = arith.addi %add3A, %mul3A_208 : i32
          %mul3A_210 = arith.constant 128 : i32
          %mul3A_211 = arith.muli %add3A_209, %mul3A_210 : i32
          %dma_start3A_212 = arith.constant 0 : i32
          %dma_start3A_213 = tpu.memref_slice %arg2[%dma_start3A_212, %mul3A_211] : memref<32x1000000xf32, #tpu.memory_space<hbm>> -> memref<32x128xf32, #tpu.memory_space<hbm>>
          %dma_start3A_214 = arith.constant 0 : i32
          %dma_start3A_215 = tpu.memref_slice %arg2[%dma_start3A_214, %mul3A_211] : memref<32x1000000xf32, #tpu.memory_space<hbm>> -> memref<32x128xf32, #tpu.memory_space<hbm>>
          tpu.enqueue_dma source(%dma_start3A_215 : memref<32x128xf32, #tpu.memory_space<hbm>>) target(%arg5 : memref<32x128xf32, #tpu.memory_space<vmem>>) target_semaphore(%arg10 : memref<!tpu.dma_semaphore, #tpu.memory_space<semaphore_mem>>)
        } else {
        }
      } else {
      }
      %add3A_171 = arith.constant 1 : i32
      %add3A_172 = arith.addi %add3A_165, %add3A_171 : i32
      %lt3A_173 = arith.cmpi slt, %add3A_172, %select_n3A : i32
      %convert_element_type3A_174 = arith.extui %lt3A_173 : i1 to i32
      %cond3A_175 = arith.constant 0 : i32
      %cond3A_176 = arith.cmpi ne, %convert_element_type3A_174, %cond3A_175 : i32
      scf.if %cond3A_176 {
        %dma_wait3A = arith.constant 0 : i32
        %dma_wait3A_177 = arith.constant 0 : i32
        %dma_wait3A_178 = tpu.memref_slice %arg2[%dma_wait3A, %dma_wait3A_177] : memref<32x1000000xf32, #tpu.memory_space<hbm>> -> memref<32x128xf32, #tpu.memory_space<hbm>>
        %dma_wait3A_179 = arith.constant 0 : i32
        %dma_wait3A_180 = arith.constant 0 : i32
        %dma_wait3A_181 = tpu.memref_slice %arg2[%dma_wait3A_179, %dma_wait3A_180] : memref<32x1000000xf32, #tpu.memory_space<hbm>> -> memref<32x128xf32, #tpu.memory_space<hbm>>
        tpu.wait_dma2 semaphore(%arg11 : memref<!tpu.dma_semaphore, #tpu.memory_space<semaphore_mem>>) src(%dma_wait3A_181 : memref<32x128xf32, #tpu.memory_space<hbm>>) dst(%arg6 : memref<32x128xf32, #tpu.memory_space<vmem>>)
        %ge3A = arith.constant 2 : i32
        %ge3A_182 = arith.cmpi sge, %add3A_172, %ge3A : i32
        %convert_element_type3A_183 = arith.extui %ge3A_182 : i1 to i32
        %cond3A_184 = arith.constant 0 : i32
        %cond3A_185 = arith.cmpi ne, %convert_element_type3A_183, %cond3A_184 : i32
        scf.if %cond3A_185 {
          %dma_wait3A_205 = arith.constant 0 : i32
          %dma_wait3A_206 = arith.constant 0 : i32
          %dma_wait3A_207 = tpu.memref_slice %arg4[%dma_wait3A_205, %dma_wait3A_206] : memref<250000x128xf32, #tpu.memory_space<hbm>> -> memref<32x128xf32, #tpu.memory_space<hbm>>
          %dma_wait3A_208 = arith.constant 0 : i32
          %dma_wait3A_209 = arith.constant 0 : i32
          %dma_wait3A_210 = tpu.memref_slice %arg4[%dma_wait3A_208, %dma_wait3A_209] : memref<250000x128xf32, #tpu.memory_space<hbm>> -> memref<32x128xf32, #tpu.memory_space<hbm>>
          tpu.wait_dma2 semaphore(%arg13 : memref<!tpu.dma_semaphore, #tpu.memory_space<semaphore_mem>>) src(%arg8 : memref<32x128xf32, #tpu.memory_space<vmem>>) dst(%dma_wait3A_210 : memref<32x128xf32, #tpu.memory_space<hbm>>)
        } else {
        }
        %scan3A = arith.constant 0 : i32
        %scan3A_186 = arith.constant 8 : i32
        %scan3A_187 = arith.addi %scan3A, %scan3A_186 : i32
        %scan3A_188 = arith.constant 1 : i32
        scf.for %scan3A_205 = %scan3A to %scan3A_187 step %scan3A_188  : i32 {
          %mul3A_206 = arith.constant 1 : i32
          %mul3A_207 = arith.muli %scan3A_205, %mul3A_206 : i32
          %add3A_208 = arith.constant 0 : i32
          %add3A_209 = arith.addi %add3A_208, %mul3A_207 : i32
          %mul3A_210 = arith.constant 16 : i32
          %mul3A_211 = arith.muli %add3A_209, %mul3A_210 : i32
          %add3A_212 = vector.broadcast %mul3A_211 : i32 to vector<16xi32>
          %add3A_213 = arith.addi %add3A_212, %iota3A : vector<16xi32>
          %shift_right_logical3A = arith.constant 2 : i32
          %shift_right_logical3A_214 = vector.broadcast %shift_right_logical3A : i32 to vector<16xi32>
          %shift_right_logical3A_215 = arith.shrui %add3A_213, %shift_right_logical3A_214 : vector<16xi32>
          %and3A_216 = arith.constant 3 : i32
          %and3A_217 = vector.broadcast %and3A_216 : i32 to vector<16xi32>
          %and3A_218 = arith.andi %add3A_213, %and3A_217 : vector<16xi32>
          %shift_left3A = arith.constant 5 : i32
          %shift_left3A_219 = vector.broadcast %shift_left3A : i32 to vector<16xi32>
          %shift_left3A_220 = arith.shli %and3A_218, %shift_left3A_219 : vector<16xi32>
          %add3A_221 = arith.constant 0 : i32
          %add3A_222 = vector.broadcast %add3A_221 : i32 to vector<16xi32>
          %add3A_223 = arith.addi %add3A_222, %and3A_5 : vector<16xi32>
          %gather3A = tpu.vector_load_idx %arg6[%add3A_223, %add3A_213] : memref<32x128xf32, #tpu.memory_space<vmem>>[vector<16xi32>, vector<16xi32>], vector<16xf32>,
          %add3A_224 = arith.addi %shift_left3A_220, %add3A_223 : vector<16xi32>
          tpu.vector_store_idx %arg8[%shift_right_logical3A_215, %add3A_224], %gather3A : memref<32x128xf32, #tpu.memory_space<vmem>>[vector<16xi32>, vector<16xi32>], vector<16xf32>,
          %add3A_225 = arith.constant 0 : i32
          %add3A_226 = vector.broadcast %add3A_225 : i32 to vector<16xi32>
          %add3A_227 = arith.addi %add3A_226, %and3A_11 : vector<16xi32>
          %gather3A_228 = tpu.vector_load_idx %arg6[%add3A_227, %add3A_213] : memref<32x128xf32, #tpu.memory_space<vmem>>[vector<16xi32>, vector<16xi32>], vector<16xf32>,
          %add3A_229 = arith.addi %shift_left3A_220, %add3A_227 : vector<16xi32>
          tpu.vector_store_idx %arg8[%shift_right_logical3A_215, %add3A_229], %gather3A_228 : memref<32x128xf32, #tpu.memory_space<vmem>>[vector<16xi32>, vector<16xi32>], vector<16xf32>,
          %add3A_230 = arith.constant 0 : i32
          %add3A_231 = vector.broadcast %add3A_230 : i32 to vector<16xi32>
          %add3A_232 = arith.addi %add3A_231, %and3A_17 : vector<16xi32>
          %gather3A_233 = tpu.vector_load_idx %arg6[%add3A_232, %add3A_213] : memref<32x128xf32, #tpu.memory_space<vmem>>[vector<16xi32>, vector<16xi32>], vector<16xf32>,
          %add3A_234 = arith.addi %shift_left3A_220, %add3A_232 : vector<16xi32>
          tpu.vector_store_idx %arg8[%shift_right_logical3A_215, %add3A_234], %gather3A_233 : memref<32x128xf32, #tpu.memory_space<vmem>>[vector<16xi32>, vector<16xi32>], vector<16xf32>,
          %add3A_235 = arith.constant 0 : i32
          %add3A_236 = vector.broadcast %add3A_235 : i32 to vector<16xi32>
          %add3A_237 = arith.addi %add3A_236, %and3A_23 : vector<16xi32>
          %gather3A_238 = tpu.vector_load_idx %arg6[%add3A_237, %add3A_213] : memref<32x128xf32, #tpu.memory_space<vmem>>[vector<16xi32>, vector<16xi32>], vector<16xf32>,
          %add3A_239 = arith.addi %shift_left3A_220, %add3A_237 : vector<16xi32>
          tpu.vector_store_idx %arg8[%shift_right_logical3A_215, %add3A_239], %gather3A_238 : memref<32x128xf32, #tpu.memory_space<vmem>>[vector<16xi32>, vector<16xi32>], vector<16xf32>,
          %add3A_240 = arith.constant 0 : i32
          %add3A_241 = vector.broadcast %add3A_240 : i32 to vector<16xi32>
          %add3A_242 = arith.addi %add3A_241, %and3A_29 : vector<16xi32>
          %gather3A_243 = tpu.vector_load_idx %arg6[%add3A_242, %add3A_213] : memref<32x128xf32, #tpu.memory_space<vmem>>[vector<16xi32>, vector<16xi32>], vector<16xf32>,
          %add3A_244 = arith.addi %shift_left3A_220, %add3A_242 : vector<16xi32>
          tpu.vector_store_idx %arg8[%shift_right_logical3A_215, %add3A_244], %gather3A_243 : memref<32x128xf32, #tpu.memory_space<vmem>>[vector<16xi32>, vector<16xi32>], vector<16xf32>,
          %add3A_245 = arith.constant 0 : i32
          %add3A_246 = vector.broadcast %add3A_245 : i32 to vector<16xi32>
          %add3A_247 = arith.addi %add3A_246, %and3A_35 : vector<16xi32>
          %gather3A_248 = tpu.vector_load_idx %arg6[%add3A_247, %add3A_213] : memref<32x128xf32, #tpu.memory_space<vmem>>[vector<16xi32>, vector<16xi32>], vector<16xf32>,
          %add3A_249 = arith.addi %shift_left3A_220, %add3A_247 : vector<16xi32>
          tpu.vector_store_idx %arg8[%shift_right_logical3A_215, %add3A_249], %gather3A_248 : memref<32x128xf32, #tpu.memory_space<vmem>>[vector<16xi32>, vector<16xi32>], vector<16xf32>,
          %add3A_250 = arith.constant 0 : i32
          %add3A_251 = vector.broadcast %add3A_250 : i32 to vector<16xi32>
          %add3A_252 = arith.addi %add3A_251, %and3A_41 : vector<16xi32>
          %gather3A_253 = tpu.vector_load_idx %arg6[%add3A_252, %add3A_213] : memref<32x128xf32, #tpu.memory_space<vmem>>[vector<16xi32>, vector<16xi32>], vector<16xf32>,
          %add3A_254 = arith.addi %shift_left3A_220, %add3A_252 : vector<16xi32>
          tpu.vector_store_idx %arg8[%shift_right_logical3A_215, %add3A_254], %gather3A_253 : memref<32x128xf32, #tpu.memory_space<vmem>>[vector<16xi32>, vector<16xi32>], vector<16xf32>,
          %add3A_255 = arith.constant 0 : i32
          %add3A_256 = vector.broadcast %add3A_255 : i32 to vector<16xi32>
          %add3A_257 = arith.addi %add3A_256, %and3A_47 : vector<16xi32>
          %gather3A_258 = tpu.vector_load_idx %arg6[%add3A_257, %add3A_213] : memref<32x128xf32, #tpu.memory_space<vmem>>[vector<16xi32>, vector<16xi32>], vector<16xf32>,
          %add3A_259 = arith.addi %shift_left3A_220, %add3A_257 : vector<16xi32>
          tpu.vector_store_idx %arg8[%shift_right_logical3A_215, %add3A_259], %gather3A_258 : memref<32x128xf32, #tpu.memory_space<vmem>>[vector<16xi32>, vector<16xi32>], vector<16xf32>,
          %add3A_260 = arith.constant 0 : i32
          %add3A_261 = vector.broadcast %add3A_260 : i32 to vector<16xi32>
          %add3A_262 = arith.addi %add3A_261, %and3A_53 : vector<16xi32>
          %gather3A_263 = tpu.vector_load_idx %arg6[%add3A_262, %add3A_213] : memref<32x128xf32, #tpu.memory_space<vmem>>[vector<16xi32>, vector<16xi32>], vector<16xf32>,
          %add3A_264 = arith.addi %shift_left3A_220, %add3A_262 : vector<16xi32>
          tpu.vector_store_idx %arg8[%shift_right_logical3A_215, %add3A_264], %gather3A_263 : memref<32x128xf32, #tpu.memory_space<vmem>>[vector<16xi32>, vector<16xi32>], vector<16xf32>,
          %add3A_265 = arith.constant 0 : i32
          %add3A_266 = vector.broadcast %add3A_265 : i32 to vector<16xi32>
          %add3A_267 = arith.addi %add3A_266, %and3A_59 : vector<16xi32>
          %gather3A_268 = tpu.vector_load_idx %arg6[%add3A_267, %add3A_213] : memref<32x128xf32, #tpu.memory_space<vmem>>[vector<16xi32>, vector<16xi32>], vector<16xf32>,
          %add3A_269 = arith.addi %shift_left3A_220, %add3A_267 : vector<16xi32>
          tpu.vector_store_idx %arg8[%shift_right_logical3A_215, %add3A_269], %gather3A_268 : memref<32x128xf32, #tpu.memory_space<vmem>>[vector<16xi32>, vector<16xi32>], vector<16xf32>,
          %add3A_270 = arith.constant 0 : i32
          %add3A_271 = vector.broadcast %add3A_270 : i32 to vector<16xi32>
          %add3A_272 = arith.addi %add3A_271, %and3A_65 : vector<16xi32>
          %gather3A_273 = tpu.vector_load_idx %arg6[%add3A_272, %add3A_213] : memref<32x128xf32, #tpu.memory_space<vmem>>[vector<16xi32>, vector<16xi32>], vector<16xf32>,
          %add3A_274 = arith.addi %shift_left3A_220, %add3A_272 : vector<16xi32>
          tpu.vector_store_idx %arg8[%shift_right_logical3A_215, %add3A_274], %gather3A_273 : memref<32x128xf32, #tpu.memory_space<vmem>>[vector<16xi32>, vector<16xi32>], vector<16xf32>,
          %add3A_275 = arith.constant 0 : i32
          %add3A_276 = vector.broadcast %add3A_275 : i32 to vector<16xi32>
          %add3A_277 = arith.addi %add3A_276, %and3A_71 : vector<16xi32>
          %gather3A_278 = tpu.vector_load_idx %arg6[%add3A_277, %add3A_213] : memref<32x128xf32, #tpu.memory_space<vmem>>[vector<16xi32>, vector<16xi32>], vector<16xf32>,
          %add3A_279 = arith.addi %shift_left3A_220, %add3A_277 : vector<16xi32>
          tpu.vector_store_idx %arg8[%shift_right_logical3A_215, %add3A_279], %gather3A_278 : memref<32x128xf32, #tpu.memory_space<vmem>>[vector<16xi32>, vector<16xi32>], vector<16xf32>,
          %add3A_280 = arith.constant 0 : i32
          %add3A_281 = vector.broadcast %add3A_280 : i32 to vector<16xi32>
          %add3A_282 = arith.addi %add3A_281, %and3A_77 : vector<16xi32>
          %gather3A_283 = tpu.vector_load_idx %arg6[%add3A_282, %add3A_213] : memref<32x128xf32, #tpu.memory_space<vmem>>[vector<16xi32>, vector<16xi32>], vector<16xf32>,
          %add3A_284 = arith.addi %shift_left3A_220, %add3A_282 : vector<16xi32>
          tpu.vector_store_idx %arg8[%shift_right_logical3A_215, %add3A_284], %gather3A_283 : memref<32x128xf32, #tpu.memory_space<vmem>>[vector<16xi32>, vector<16xi32>], vector<16xf32>,
          %add3A_285 = arith.constant 0 : i32
          %add3A_286 = vector.broadcast %add3A_285 : i32 to vector<16xi32>
          %add3A_287 = arith.addi %add3A_286, %and3A_83 : vector<16xi32>
          %gather3A_288 = tpu.vector_load_idx %arg6[%add3A_287, %add3A_213] : memref<32x128xf32, #tpu.memory_space<vmem>>[vector<16xi32>, vector<16xi32>], vector<16xf32>,
          %add3A_289 = arith.addi %shift_left3A_220, %add3A_287 : vector<16xi32>
          tpu.vector_store_idx %arg8[%shift_right_logical3A_215, %add3A_289], %gather3A_288 : memref<32x128xf32, #tpu.memory_space<vmem>>[vector<16xi32>, vector<16xi32>], vector<16xf32>,
          %add3A_290 = arith.constant 0 : i32
          %add3A_291 = vector.broadcast %add3A_290 : i32 to vector<16xi32>
          %add3A_292 = arith.addi %add3A_291, %and3A_89 : vector<16xi32>
          %gather3A_293 = tpu.vector_load_idx %arg6[%add3A_292, %add3A_213] : memref<32x128xf32, #tpu.memory_space<vmem>>[vector<16xi32>, vector<16xi32>], vector<16xf32>,
          %add3A_294 = arith.addi %shift_left3A_220, %add3A_292 : vector<16xi32>
          tpu.vector_store_idx %arg8[%shift_right_logical3A_215, %add3A_294], %gather3A_293 : memref<32x128xf32, #tpu.memory_space<vmem>>[vector<16xi32>, vector<16xi32>], vector<16xf32>,
          %add3A_295 = arith.constant 0 : i32
          %add3A_296 = vector.broadcast %add3A_295 : i32 to vector<16xi32>
          %add3A_297 = arith.addi %add3A_296, %and3A_95 : vector<16xi32>
          %gather3A_298 = tpu.vector_load_idx %arg6[%add3A_297, %add3A_213] : memref<32x128xf32, #tpu.memory_space<vmem>>[vector<16xi32>, vector<16xi32>], vector<16xf32>,
          %add3A_299 = arith.addi %shift_left3A_220, %add3A_297 : vector<16xi32>
          tpu.vector_store_idx %arg8[%shift_right_logical3A_215, %add3A_299], %gather3A_298 : memref<32x128xf32, #tpu.memory_space<vmem>>[vector<16xi32>, vector<16xi32>], vector<16xf32>,
          %add3A_300 = arith.constant 16 : i32
          %add3A_301 = vector.broadcast %add3A_300 : i32 to vector<16xi32>
          %add3A_302 = arith.addi %add3A_301, %and3A_5 : vector<16xi32>
          %gather3A_303 = tpu.vector_load_idx %arg6[%add3A_302, %add3A_213] : memref<32x128xf32, #tpu.memory_space<vmem>>[vector<16xi32>, vector<16xi32>], vector<16xf32>,
          %add3A_304 = arith.addi %shift_left3A_220, %add3A_302 : vector<16xi32>
          tpu.vector_store_idx %arg8[%shift_right_logical3A_215, %add3A_304], %gather3A_303 : memref<32x128xf32, #tpu.memory_space<vmem>>[vector<16xi32>, vector<16xi32>], vector<16xf32>,
          %add3A_305 = arith.constant 16 : i32
          %add3A_306 = vector.broadcast %add3A_305 : i32 to vector<16xi32>
          %add3A_307 = arith.addi %add3A_306, %and3A_11 : vector<16xi32>
          %gather3A_308 = tpu.vector_load_idx %arg6[%add3A_307, %add3A_213] : memref<32x128xf32, #tpu.memory_space<vmem>>[vector<16xi32>, vector<16xi32>], vector<16xf32>,
          %add3A_309 = arith.addi %shift_left3A_220, %add3A_307 : vector<16xi32>
          tpu.vector_store_idx %arg8[%shift_right_logical3A_215, %add3A_309], %gather3A_308 : memref<32x128xf32, #tpu.memory_space<vmem>>[vector<16xi32>, vector<16xi32>], vector<16xf32>,
          %add3A_310 = arith.constant 16 : i32
          %add3A_311 = vector.broadcast %add3A_310 : i32 to vector<16xi32>
          %add3A_312 = arith.addi %add3A_311, %and3A_17 : vector<16xi32>
          %gather3A_313 = tpu.vector_load_idx %arg6[%add3A_312, %add3A_213] : memref<32x128xf32, #tpu.memory_space<vmem>>[vector<16xi32>, vector<16xi32>], vector<16xf32>,
          %add3A_314 = arith.addi %shift_left3A_220, %add3A_312 : vector<16xi32>
          tpu.vector_store_idx %arg8[%shift_right_logical3A_215, %add3A_314], %gather3A_313 : memref<32x128xf32, #tpu.memory_space<vmem>>[vector<16xi32>, vector<16xi32>], vector<16xf32>,
          %add3A_315 = arith.constant 16 : i32
          %add3A_316 = vector.broadcast %add3A_315 : i32 to vector<16xi32>
          %add3A_317 = arith.addi %add3A_316, %and3A_23 : vector<16xi32>
          %gather3A_318 = tpu.vector_load_idx %arg6[%add3A_317, %add3A_213] : memref<32x128xf32, #tpu.memory_space<vmem>>[vector<16xi32>, vector<16xi32>], vector<16xf32>,
          %add3A_319 = arith.addi %shift_left3A_220, %add3A_317 : vector<16xi32>
          tpu.vector_store_idx %arg8[%shift_right_logical3A_215, %add3A_319], %gather3A_318 : memref<32x128xf32, #tpu.memory_space<vmem>>[vector<16xi32>, vector<16xi32>], vector<16xf32>,
          %add3A_320 = arith.constant 16 : i32
          %add3A_321 = vector.broadcast %add3A_320 : i32 to vector<16xi32>
          %add3A_322 = arith.addi %add3A_321, %and3A_29 : vector<16xi32>
          %gather3A_323 = tpu.vector_load_idx %arg6[%add3A_322, %add3A_213] : memref<32x128xf32, #tpu.memory_space<vmem>>[vector<16xi32>, vector<16xi32>], vector<16xf32>,
          %add3A_324 = arith.addi %shift_left3A_220, %add3A_322 : vector<16xi32>
          tpu.vector_store_idx %arg8[%shift_right_logical3A_215, %add3A_324], %gather3A_323 : memref<32x128xf32, #tpu.memory_space<vmem>>[vector<16xi32>, vector<16xi32>], vector<16xf32>,
          %add3A_325 = arith.constant 16 : i32
          %add3A_326 = vector.broadcast %add3A_325 : i32 to vector<16xi32>
          %add3A_327 = arith.addi %add3A_326, %and3A_35 : vector<16xi32>
          %gather3A_328 = tpu.vector_load_idx %arg6[%add3A_327, %add3A_213] : memref<32x128xf32, #tpu.memory_space<vmem>>[vector<16xi32>, vector<16xi32>], vector<16xf32>,
          %add3A_329 = arith.addi %shift_left3A_220, %add3A_327 : vector<16xi32>
          tpu.vector_store_idx %arg8[%shift_right_logical3A_215, %add3A_329], %gather3A_328 : memref<32x128xf32, #tpu.memory_space<vmem>>[vector<16xi32>, vector<16xi32>], vector<16xf32>,
          %add3A_330 = arith.constant 16 : i32
          %add3A_331 = vector.broadcast %add3A_330 : i32 to vector<16xi32>
          %add3A_332 = arith.addi %add3A_331, %and3A_41 : vector<16xi32>
          %gather3A_333 = tpu.vector_load_idx %arg6[%add3A_332, %add3A_213] : memref<32x128xf32, #tpu.memory_space<vmem>>[vector<16xi32>, vector<16xi32>], vector<16xf32>,
          %add3A_334 = arith.addi %shift_left3A_220, %add3A_332 : vector<16xi32>
          tpu.vector_store_idx %arg8[%shift_right_logical3A_215, %add3A_334], %gather3A_333 : memref<32x128xf32, #tpu.memory_space<vmem>>[vector<16xi32>, vector<16xi32>], vector<16xf32>,
          %add3A_335 = arith.constant 16 : i32
          %add3A_336 = vector.broadcast %add3A_335 : i32 to vector<16xi32>
          %add3A_337 = arith.addi %add3A_336, %and3A_47 : vector<16xi32>
          %gather3A_338 = tpu.vector_load_idx %arg6[%add3A_337, %add3A_213] : memref<32x128xf32, #tpu.memory_space<vmem>>[vector<16xi32>, vector<16xi32>], vector<16xf32>,
          %add3A_339 = arith.addi %shift_left3A_220, %add3A_337 : vector<16xi32>
          tpu.vector_store_idx %arg8[%shift_right_logical3A_215, %add3A_339], %gather3A_338 : memref<32x128xf32, #tpu.memory_space<vmem>>[vector<16xi32>, vector<16xi32>], vector<16xf32>,
          %add3A_340 = arith.constant 16 : i32
          %add3A_341 = vector.broadcast %add3A_340 : i32 to vector<16xi32>
          %add3A_342 = arith.addi %add3A_341, %and3A_53 : vector<16xi32>
          %gather3A_343 = tpu.vector_load_idx %arg6[%add3A_342, %add3A_213] : memref<32x128xf32, #tpu.memory_space<vmem>>[vector<16xi32>, vector<16xi32>], vector<16xf32>,
          %add3A_344 = arith.addi %shift_left3A_220, %add3A_342 : vector<16xi32>
          tpu.vector_store_idx %arg8[%shift_right_logical3A_215, %add3A_344], %gather3A_343 : memref<32x128xf32, #tpu.memory_space<vmem>>[vector<16xi32>, vector<16xi32>], vector<16xf32>,
          %add3A_345 = arith.constant 16 : i32
          %add3A_346 = vector.broadcast %add3A_345 : i32 to vector<16xi32>
          %add3A_347 = arith.addi %add3A_346, %and3A_59 : vector<16xi32>
          %gather3A_348 = tpu.vector_load_idx %arg6[%add3A_347, %add3A_213] : memref<32x128xf32, #tpu.memory_space<vmem>>[vector<16xi32>, vector<16xi32>], vector<16xf32>,
          %add3A_349 = arith.addi %shift_left3A_220, %add3A_347 : vector<16xi32>
          tpu.vector_store_idx %arg8[%shift_right_logical3A_215, %add3A_349], %gather3A_348 : memref<32x128xf32, #tpu.memory_space<vmem>>[vector<16xi32>, vector<16xi32>], vector<16xf32>,
          %add3A_350 = arith.constant 16 : i32
          %add3A_351 = vector.broadcast %add3A_350 : i32 to vector<16xi32>
          %add3A_352 = arith.addi %add3A_351, %and3A_65 : vector<16xi32>
          %gather3A_353 = tpu.vector_load_idx %arg6[%add3A_352, %add3A_213] : memref<32x128xf32, #tpu.memory_space<vmem>>[vector<16xi32>, vector<16xi32>], vector<16xf32>,
          %add3A_354 = arith.addi %shift_left3A_220, %add3A_352 : vector<16xi32>
          tpu.vector_store_idx %arg8[%shift_right_logical3A_215, %add3A_354], %gather3A_353 : memref<32x128xf32, #tpu.memory_space<vmem>>[vector<16xi32>, vector<16xi32>], vector<16xf32>,
          %add3A_355 = arith.constant 16 : i32
          %add3A_356 = vector.broadcast %add3A_355 : i32 to vector<16xi32>
          %add3A_357 = arith.addi %add3A_356, %and3A_71 : vector<16xi32>
          %gather3A_358 = tpu.vector_load_idx %arg6[%add3A_357, %add3A_213] : memref<32x128xf32, #tpu.memory_space<vmem>>[vector<16xi32>, vector<16xi32>], vector<16xf32>,
          %add3A_359 = arith.addi %shift_left3A_220, %add3A_357 : vector<16xi32>
          tpu.vector_store_idx %arg8[%shift_right_logical3A_215, %add3A_359], %gather3A_358 : memref<32x128xf32, #tpu.memory_space<vmem>>[vector<16xi32>, vector<16xi32>], vector<16xf32>,
          %add3A_360 = arith.constant 16 : i32
          %add3A_361 = vector.broadcast %add3A_360 : i32 to vector<16xi32>
          %add3A_362 = arith.addi %add3A_361, %and3A_77 : vector<16xi32>
          %gather3A_363 = tpu.vector_load_idx %arg6[%add3A_362, %add3A_213] : memref<32x128xf32, #tpu.memory_space<vmem>>[vector<16xi32>, vector<16xi32>], vector<16xf32>,
          %add3A_364 = arith.addi %shift_left3A_220, %add3A_362 : vector<16xi32>
          tpu.vector_store_idx %arg8[%shift_right_logical3A_215, %add3A_364], %gather3A_363 : memref<32x128xf32, #tpu.memory_space<vmem>>[vector<16xi32>, vector<16xi32>], vector<16xf32>,
          %add3A_365 = arith.constant 16 : i32
          %add3A_366 = vector.broadcast %add3A_365 : i32 to vector<16xi32>
          %add3A_367 = arith.addi %add3A_366, %and3A_83 : vector<16xi32>
          %gather3A_368 = tpu.vector_load_idx %arg6[%add3A_367, %add3A_213] : memref<32x128xf32, #tpu.memory_space<vmem>>[vector<16xi32>, vector<16xi32>], vector<16xf32>,
          %add3A_369 = arith.addi %shift_left3A_220, %add3A_367 : vector<16xi32>
          tpu.vector_store_idx %arg8[%shift_right_logical3A_215, %add3A_369], %gather3A_368 : memref<32x128xf32, #tpu.memory_space<vmem>>[vector<16xi32>, vector<16xi32>], vector<16xf32>,
          %add3A_370 = arith.constant 16 : i32
          %add3A_371 = vector.broadcast %add3A_370 : i32 to vector<16xi32>
          %add3A_372 = arith.addi %add3A_371, %and3A_89 : vector<16xi32>
          %gather3A_373 = tpu.vector_load_idx %arg6[%add3A_372, %add3A_213] : memref<32x128xf32, #tpu.memory_space<vmem>>[vector<16xi32>, vector<16xi32>], vector<16xf32>,
          %add3A_374 = arith.addi %shift_left3A_220, %add3A_372 : vector<16xi32>
          tpu.vector_store_idx %arg8[%shift_right_logical3A_215, %add3A_374], %gather3A_373 : memref<32x128xf32, #tpu.memory_space<vmem>>[vector<16xi32>, vector<16xi32>], vector<16xf32>,
          %add3A_375 = arith.constant 16 : i32
          %add3A_376 = vector.broadcast %add3A_375 : i32 to vector<16xi32>
          %add3A_377 = arith.addi %add3A_376, %and3A_95 : vector<16xi32>
          %gather3A_378 = tpu.vector_load_idx %arg6[%add3A_377, %add3A_213] : memref<32x128xf32, #tpu.memory_space<vmem>>[vector<16xi32>, vector<16xi32>], vector<16xf32>,
          %add3A_379 = arith.addi %shift_left3A_220, %add3A_377 : vector<16xi32>
          tpu.vector_store_idx %arg8[%shift_right_logical3A_215, %add3A_379], %gather3A_378 : memref<32x128xf32, #tpu.memory_space<vmem>>[vector<16xi32>, vector<16xi32>], vector<16xf32>,
        }
        %scan3A_189 = arith.constant 8 : i32
        %mul3A_190 = arith.constant 32 : i32
        %mul3A_191 = arith.muli %mul3A_190, %add3A_172 : i32
        %add3A_192 = arith.addi %add3A, %mul3A_191 : i32
        %mul3A_193 = arith.constant 32 : i32
        %mul3A_194 = arith.muli %add3A_192, %mul3A_193 : i32
        %dma_start3A_195 = arith.constant 0 : i32
        %dma_start3A_196 = tpu.memref_slice %arg4[%mul3A_194, %dma_start3A_195] : memref<250000x128xf32, #tpu.memory_space<hbm>> -> memref<32x128xf32, #tpu.memory_space<hbm>>
        %dma_start3A_197 = arith.constant 0 : i32
        %dma_start3A_198 = tpu.memref_slice %arg4[%mul3A_194, %dma_start3A_197] : memref<250000x128xf32, #tpu.memory_space<hbm>> -> memref<32x128xf32, #tpu.memory_space<hbm>>
        tpu.enqueue_dma source(%arg8 : memref<32x128xf32, #tpu.memory_space<vmem>>) target(%dma_start3A_198 : memref<32x128xf32, #tpu.memory_space<hbm>>) target_semaphore(%arg13 : memref<!tpu.dma_semaphore, #tpu.memory_space<semaphore_mem>>)
        %add3A_199 = arith.constant 2 : i32
        %add3A_200 = arith.addi %add3A_172, %add3A_199 : i32
        %lt3A_201 = arith.cmpi slt, %add3A_200, %select_n3A : i32
        %convert_element_type3A_202 = arith.extui %lt3A_201 : i1 to i32
        %cond3A_203 = arith.constant 0 : i32
        %cond3A_204 = arith.cmpi ne, %convert_element_type3A_202, %cond3A_203 : i32
        scf.if %cond3A_204 {
          %add3A_205 = arith.constant 2 : i32
          %add3A_206 = arith.addi %add3A_172, %add3A_205 : i32
          %mul3A_207 = arith.constant 32 : i32
          %mul3A_208 = arith.muli %mul3A_207, %add3A_206 : i32
          %add3A_209 = arith.addi %add3A, %mul3A_208 : i32
          %mul3A_210 = arith.constant 128 : i32
          %mul3A_211 = arith.muli %add3A_209, %mul3A_210 : i32
          %dma_start3A_212 = arith.constant 0 : i32
          %dma_start3A_213 = tpu.memref_slice %arg2[%dma_start3A_212, %mul3A_211] : memref<32x1000000xf32, #tpu.memory_space<hbm>> -> memref<32x128xf32, #tpu.memory_space<hbm>>
          %dma_start3A_214 = arith.constant 0 : i32
          %dma_start3A_215 = tpu.memref_slice %arg2[%dma_start3A_214, %mul3A_211] : memref<32x1000000xf32, #tpu.memory_space<hbm>> -> memref<32x128xf32, #tpu.memory_space<hbm>>
          tpu.enqueue_dma source(%dma_start3A_215 : memref<32x128xf32, #tpu.memory_space<hbm>>) target(%arg6 : memref<32x128xf32, #tpu.memory_space<vmem>>) target_semaphore(%arg11 : memref<!tpu.dma_semaphore, #tpu.memory_space<semaphore_mem>>)
        } else {
        }
      } else {
      }
    }
    %gt3A = arith.constant 0 : i32
    %gt3A_152 = arith.cmpi sgt, %select_n3A, %gt3A : i32
    %convert_element_type3A = arith.extui %gt3A_152 : i1 to i32
    %cond3A = arith.constant 0 : i32
    %cond3A_153 = arith.cmpi ne, %convert_element_type3A, %cond3A : i32
    scf.if %cond3A_153 {
      %dma_wait3A = arith.constant 0 : i32
      %dma_wait3A_163 = arith.constant 0 : i32
      %dma_wait3A_164 = tpu.memref_slice %arg4[%dma_wait3A, %dma_wait3A_163] : memref<250000x128xf32, #tpu.memory_space<hbm>> -> memref<32x128xf32, #tpu.memory_space<hbm>>
      %dma_wait3A_165 = arith.constant 0 : i32
      %dma_wait3A_166 = arith.constant 0 : i32
      %dma_wait3A_167 = tpu.memref_slice %arg4[%dma_wait3A_165, %dma_wait3A_166] : memref<250000x128xf32, #tpu.memory_space<hbm>> -> memref<32x128xf32, #tpu.memory_space<hbm>>
      tpu.wait_dma2 semaphore(%arg12 : memref<!tpu.dma_semaphore, #tpu.memory_space<semaphore_mem>>) src(%arg7 : memref<32x128xf32, #tpu.memory_space<vmem>>) dst(%dma_wait3A_167 : memref<32x128xf32, #tpu.memory_space<hbm>>)
    } else {
    }
    %gt3A_154 = arith.constant 1 : i32
    %gt3A_155 = arith.cmpi sgt, %select_n3A, %gt3A_154 : i32
    %convert_element_type3A_156 = arith.extui %gt3A_155 : i1 to i32
    %cond3A_157 = arith.constant 0 : i32
    %cond3A_158 = arith.cmpi ne, %convert_element_type3A_156, %cond3A_157 : i32
    scf.if %cond3A_158 {
      %dma_wait3A = arith.constant 0 : i32
      %dma_wait3A_163 = arith.constant 0 : i32
      %dma_wait3A_164 = tpu.memref_slice %arg4[%dma_wait3A, %dma_wait3A_163] : memref<250000x128xf32, #tpu.memory_space<hbm>> -> memref<32x128xf32, #tpu.memory_space<hbm>>
      %dma_wait3A_165 = arith.constant 0 : i32
      %dma_wait3A_166 = arith.constant 0 : i32
      %dma_wait3A_167 = tpu.memref_slice %arg4[%dma_wait3A_165, %dma_wait3A_166] : memref<250000x128xf32, #tpu.memory_space<hbm>> -> memref<32x128xf32, #tpu.memory_space<hbm>>
      tpu.wait_dma2 semaphore(%arg13 : memref<!tpu.dma_semaphore, #tpu.memory_space<semaphore_mem>>) src(%arg8 : memref<32x128xf32, #tpu.memory_space<vmem>>) dst(%dma_wait3A_167 : memref<32x128xf32, #tpu.memory_space<hbm>>)
    } else {
    }
    %eq3A = arith.constant 31 : i32
    %eq3A_159 = arith.cmpi eq, %add3A, %eq3A : i32
    %convert_element_type3A_160 = arith.extui %eq3A_159 : i1 to i32
    %cond3A_161 = arith.constant 0 : i32
    %cond3A_162 = arith.cmpi ne, %convert_element_type3A_160, %cond3A_161 : i32
    scf.if %cond3A_162 {
      tpu.enqueue_dma source(%arg3 : memref<32x64xf32, #tpu.memory_space<hbm>>) target(%arg9 : memref<32x64xf32, #tpu.memory_space<vmem>>) target_semaphore(%arg10 : memref<!tpu.dma_semaphore, #tpu.memory_space<semaphore_mem>>)
      tpu.wait_dma2 semaphore(%arg10 : memref<!tpu.dma_semaphore, #tpu.memory_space<semaphore_mem>>) src(%arg3 : memref<32x64xf32, #tpu.memory_space<hbm>>) dst(%arg9 : memref<32x64xf32, #tpu.memory_space<vmem>>)
      %scan3A = arith.constant 0 : i32
      %scan3A_163 = arith.constant 4 : i32
      %scan3A_164 = arith.addi %scan3A, %scan3A_163 : i32
      %scan3A_165 = arith.constant 1 : i32
      scf.for %scan3A_190 = %scan3A to %scan3A_164 step %scan3A_165  : i32 {
        %mul3A_191 = arith.constant 1 : i32
        %mul3A_192 = arith.muli %scan3A_190, %mul3A_191 : i32
        %add3A_193 = arith.constant 0 : i32
        %add3A_194 = arith.addi %add3A_193, %mul3A_192 : i32
        %mul3A_195 = arith.constant 16 : i32
        %mul3A_196 = arith.muli %add3A_194, %mul3A_195 : i32
        %add3A_197 = vector.broadcast %mul3A_196 : i32 to vector<16xi32>
        %add3A_198 = arith.addi %add3A_197, %iota3A : vector<16xi32>
        %shift_right_logical3A = arith.constant 2 : i32
        %shift_right_logical3A_199 = vector.broadcast %shift_right_logical3A : i32 to vector<16xi32>
        %shift_right_logical3A_200 = arith.shrui %add3A_198, %shift_right_logical3A_199 : vector<16xi32>
        %and3A_201 = arith.constant 3 : i32
        %and3A_202 = vector.broadcast %and3A_201 : i32 to vector<16xi32>
        %and3A_203 = arith.andi %add3A_198, %and3A_202 : vector<16xi32>
        %shift_left3A = arith.constant 5 : i32
        %shift_left3A_204 = vector.broadcast %shift_left3A : i32 to vector<16xi32>
        %shift_left3A_205 = arith.shli %and3A_203, %shift_left3A_204 : vector<16xi32>
        %add3A_206 = arith.constant 0 : i32
        %add3A_207 = vector.broadcast %add3A_206 : i32 to vector<16xi32>
        %add3A_208 = arith.addi %add3A_207, %and3A_5 : vector<16xi32>
        %gather3A = tpu.vector_load_idx %arg9[%add3A_208, %add3A_198] : memref<32x64xf32, #tpu.memory_space<vmem>>[vector<16xi32>, vector<16xi32>], vector<16xf32>,
        %add3A_209 = arith.addi %shift_left3A_205, %add3A_208 : vector<16xi32>
        tpu.vector_store_idx %arg7[%shift_right_logical3A_200, %add3A_209], %gather3A : memref<32x128xf32, #tpu.memory_space<vmem>>[vector<16xi32>, vector<16xi32>], vector<16xf32>,
        %add3A_210 = arith.constant 0 : i32
        %add3A_211 = vector.broadcast %add3A_210 : i32 to vector<16xi32>
        %add3A_212 = arith.addi %add3A_211, %and3A_11 : vector<16xi32>
        %gather3A_213 = tpu.vector_load_idx %arg9[%add3A_212, %add3A_198] : memref<32x64xf32, #tpu.memory_space<vmem>>[vector<16xi32>, vector<16xi32>], vector<16xf32>,
        %add3A_214 = arith.addi %shift_left3A_205, %add3A_212 : vector<16xi32>
        tpu.vector_store_idx %arg7[%shift_right_logical3A_200, %add3A_214], %gather3A_213 : memref<32x128xf32, #tpu.memory_space<vmem>>[vector<16xi32>, vector<16xi32>], vector<16xf32>,
        %add3A_215 = arith.constant 0 : i32
        %add3A_216 = vector.broadcast %add3A_215 : i32 to vector<16xi32>
        %add3A_217 = arith.addi %add3A_216, %and3A_17 : vector<16xi32>
        %gather3A_218 = tpu.vector_load_idx %arg9[%add3A_217, %add3A_198] : memref<32x64xf32, #tpu.memory_space<vmem>>[vector<16xi32>, vector<16xi32>], vector<16xf32>,
        %add3A_219 = arith.addi %shift_left3A_205, %add3A_217 : vector<16xi32>
        tpu.vector_store_idx %arg7[%shift_right_logical3A_200, %add3A_219], %gather3A_218 : memref<32x128xf32, #tpu.memory_space<vmem>>[vector<16xi32>, vector<16xi32>], vector<16xf32>,
        %add3A_220 = arith.constant 0 : i32
        %add3A_221 = vector.broadcast %add3A_220 : i32 to vector<16xi32>
        %add3A_222 = arith.addi %add3A_221, %and3A_23 : vector<16xi32>
        %gather3A_223 = tpu.vector_load_idx %arg9[%add3A_222, %add3A_198] : memref<32x64xf32, #tpu.memory_space<vmem>>[vector<16xi32>, vector<16xi32>], vector<16xf32>,
        %add3A_224 = arith.addi %shift_left3A_205, %add3A_222 : vector<16xi32>
        tpu.vector_store_idx %arg7[%shift_right_logical3A_200, %add3A_224], %gather3A_223 : memref<32x128xf32, #tpu.memory_space<vmem>>[vector<16xi32>, vector<16xi32>], vector<16xf32>,
        %add3A_225 = arith.constant 0 : i32
        %add3A_226 = vector.broadcast %add3A_225 : i32 to vector<16xi32>
        %add3A_227 = arith.addi %add3A_226, %and3A_29 : vector<16xi32>
        %gather3A_228 = tpu.vector_load_idx %arg9[%add3A_227, %add3A_198] : memref<32x64xf32, #tpu.memory_space<vmem>>[vector<16xi32>, vector<16xi32>], vector<16xf32>,
        %add3A_229 = arith.addi %shift_left3A_205, %add3A_227 : vector<16xi32>
        tpu.vector_store_idx %arg7[%shift_right_logical3A_200, %add3A_229], %gather3A_228 : memref<32x128xf32, #tpu.memory_space<vmem>>[vector<16xi32>, vector<16xi32>], vector<16xf32>,
        %add3A_230 = arith.constant 0 : i32
        %add3A_231 = vector.broadcast %add3A_230 : i32 to vector<16xi32>
        %add3A_232 = arith.addi %add3A_231, %and3A_35 : vector<16xi32>
        %gather3A_233 = tpu.vector_load_idx %arg9[%add3A_232, %add3A_198] : memref<32x64xf32, #tpu.memory_space<vmem>>[vector<16xi32>, vector<16xi32>], vector<16xf32>,
        %add3A_234 = arith.addi %shift_left3A_205, %add3A_232 : vector<16xi32>
        tpu.vector_store_idx %arg7[%shift_right_logical3A_200, %add3A_234], %gather3A_233 : memref<32x128xf32, #tpu.memory_space<vmem>>[vector<16xi32>, vector<16xi32>], vector<16xf32>,
        %add3A_235 = arith.constant 0 : i32
        %add3A_236 = vector.broadcast %add3A_235 : i32 to vector<16xi32>
        %add3A_237 = arith.addi %add3A_236, %and3A_41 : vector<16xi32>
        %gather3A_238 = tpu.vector_load_idx %arg9[%add3A_237, %add3A_198] : memref<32x64xf32, #tpu.memory_space<vmem>>[vector<16xi32>, vector<16xi32>], vector<16xf32>,
        %add3A_239 = arith.addi %shift_left3A_205, %add3A_237 : vector<16xi32>
        tpu.vector_store_idx %arg7[%shift_right_logical3A_200, %add3A_239], %gather3A_238 : memref<32x128xf32, #tpu.memory_space<vmem>>[vector<16xi32>, vector<16xi32>], vector<16xf32>,
        %add3A_240 = arith.constant 0 : i32
        %add3A_241 = vector.broadcast %add3A_240 : i32 to vector<16xi32>
        %add3A_242 = arith.addi %add3A_241, %and3A_47 : vector<16xi32>
        %gather3A_243 = tpu.vector_load_idx %arg9[%add3A_242, %add3A_198] : memref<32x64xf32, #tpu.memory_space<vmem>>[vector<16xi32>, vector<16xi32>], vector<16xf32>,
        %add3A_244 = arith.addi %shift_left3A_205, %add3A_242 : vector<16xi32>
        tpu.vector_store_idx %arg7[%shift_right_logical3A_200, %add3A_244], %gather3A_243 : memref<32x128xf32, #tpu.memory_space<vmem>>[vector<16xi32>, vector<16xi32>], vector<16xf32>,
        %add3A_245 = arith.constant 0 : i32
        %add3A_246 = vector.broadcast %add3A_245 : i32 to vector<16xi32>
        %add3A_247 = arith.addi %add3A_246, %and3A_53 : vector<16xi32>
        %gather3A_248 = tpu.vector_load_idx %arg9[%add3A_247, %add3A_198] : memref<32x64xf32, #tpu.memory_space<vmem>>[vector<16xi32>, vector<16xi32>], vector<16xf32>,
        %add3A_249 = arith.addi %shift_left3A_205, %add3A_247 : vector<16xi32>
        tpu.vector_store_idx %arg7[%shift_right_logical3A_200, %add3A_249], %gather3A_248 : memref<32x128xf32, #tpu.memory_space<vmem>>[vector<16xi32>, vector<16xi32>], vector<16xf32>,
        %add3A_250 = arith.constant 0 : i32
        %add3A_251 = vector.broadcast %add3A_250 : i32 to vector<16xi32>
        %add3A_252 = arith.addi %add3A_251, %and3A_59 : vector<16xi32>
        %gather3A_253 = tpu.vector_load_idx %arg9[%add3A_252, %add3A_198] : memref<32x64xf32, #tpu.memory_space<vmem>>[vector<16xi32>, vector<16xi32>], vector<16xf32>,
        %add3A_254 = arith.addi %shift_left3A_205, %add3A_252 : vector<16xi32>
        tpu.vector_store_idx %arg7[%shift_right_logical3A_200, %add3A_254], %gather3A_253 : memref<32x128xf32, #tpu.memory_space<vmem>>[vector<16xi32>, vector<16xi32>], vector<16xf32>,
        %add3A_255 = arith.constant 0 : i32
        %add3A_256 = vector.broadcast %add3A_255 : i32 to vector<16xi32>
        %add3A_257 = arith.addi %add3A_256, %and3A_65 : vector<16xi32>
        %gather3A_258 = tpu.vector_load_idx %arg9[%add3A_257, %add3A_198] : memref<32x64xf32, #tpu.memory_space<vmem>>[vector<16xi32>, vector<16xi32>], vector<16xf32>,
        %add3A_259 = arith.addi %shift_left3A_205, %add3A_257 : vector<16xi32>
        tpu.vector_store_idx %arg7[%shift_right_logical3A_200, %add3A_259], %gather3A_258 : memref<32x128xf32, #tpu.memory_space<vmem>>[vector<16xi32>, vector<16xi32>], vector<16xf32>,
        %add3A_260 = arith.constant 0 : i32
        %add3A_261 = vector.broadcast %add3A_260 : i32 to vector<16xi32>
        %add3A_262 = arith.addi %add3A_261, %and3A_71 : vector<16xi32>
        %gather3A_263 = tpu.vector_load_idx %arg9[%add3A_262, %add3A_198] : memref<32x64xf32, #tpu.memory_space<vmem>>[vector<16xi32>, vector<16xi32>], vector<16xf32>,
        %add3A_264 = arith.addi %shift_left3A_205, %add3A_262 : vector<16xi32>
        tpu.vector_store_idx %arg7[%shift_right_logical3A_200, %add3A_264], %gather3A_263 : memref<32x128xf32, #tpu.memory_space<vmem>>[vector<16xi32>, vector<16xi32>], vector<16xf32>,
        %add3A_265 = arith.constant 0 : i32
        %add3A_266 = vector.broadcast %add3A_265 : i32 to vector<16xi32>
        %add3A_267 = arith.addi %add3A_266, %and3A_77 : vector<16xi32>
        %gather3A_268 = tpu.vector_load_idx %arg9[%add3A_267, %add3A_198] : memref<32x64xf32, #tpu.memory_space<vmem>>[vector<16xi32>, vector<16xi32>], vector<16xf32>,
        %add3A_269 = arith.addi %shift_left3A_205, %add3A_267 : vector<16xi32>
        tpu.vector_store_idx %arg7[%shift_right_logical3A_200, %add3A_269], %gather3A_268 : memref<32x128xf32, #tpu.memory_space<vmem>>[vector<16xi32>, vector<16xi32>], vector<16xf32>,
        %add3A_270 = arith.constant 0 : i32
        %add3A_271 = vector.broadcast %add3A_270 : i32 to vector<16xi32>
        %add3A_272 = arith.addi %add3A_271, %and3A_83 : vector<16xi32>
        %gather3A_273 = tpu.vector_load_idx %arg9[%add3A_272, %add3A_198] : memref<32x64xf32, #tpu.memory_space<vmem>>[vector<16xi32>, vector<16xi32>], vector<16xf32>,
        %add3A_274 = arith.addi %shift_left3A_205, %add3A_272 : vector<16xi32>
        tpu.vector_store_idx %arg7[%shift_right_logical3A_200, %add3A_274], %gather3A_273 : memref<32x128xf32, #tpu.memory_space<vmem>>[vector<16xi32>, vector<16xi32>], vector<16xf32>,
        %add3A_275 = arith.constant 0 : i32
        %add3A_276 = vector.broadcast %add3A_275 : i32 to vector<16xi32>
        %add3A_277 = arith.addi %add3A_276, %and3A_89 : vector<16xi32>
        %gather3A_278 = tpu.vector_load_idx %arg9[%add3A_277, %add3A_198] : memref<32x64xf32, #tpu.memory_space<vmem>>[vector<16xi32>, vector<16xi32>], vector<16xf32>,
        %add3A_279 = arith.addi %shift_left3A_205, %add3A_277 : vector<16xi32>
        tpu.vector_store_idx %arg7[%shift_right_logical3A_200, %add3A_279], %gather3A_278 : memref<32x128xf32, #tpu.memory_space<vmem>>[vector<16xi32>, vector<16xi32>], vector<16xf32>,
        %add3A_280 = arith.constant 0 : i32
        %add3A_281 = vector.broadcast %add3A_280 : i32 to vector<16xi32>
        %add3A_282 = arith.addi %add3A_281, %and3A_95 : vector<16xi32>
        %gather3A_283 = tpu.vector_load_idx %arg9[%add3A_282, %add3A_198] : memref<32x64xf32, #tpu.memory_space<vmem>>[vector<16xi32>, vector<16xi32>], vector<16xf32>,
        %add3A_284 = arith.addi %shift_left3A_205, %add3A_282 : vector<16xi32>
        tpu.vector_store_idx %arg7[%shift_right_logical3A_200, %add3A_284], %gather3A_283 : memref<32x128xf32, #tpu.memory_space<vmem>>[vector<16xi32>, vector<16xi32>], vector<16xf32>,
        %add3A_285 = arith.constant 16 : i32
        %add3A_286 = vector.broadcast %add3A_285 : i32 to vector<16xi32>
        %add3A_287 = arith.addi %add3A_286, %and3A_5 : vector<16xi32>
        %gather3A_288 = tpu.vector_load_idx %arg9[%add3A_287, %add3A_198] : memref<32x64xf32, #tpu.memory_space<vmem>>[vector<16xi32>, vector<16xi32>], vector<16xf32>,
        %add3A_289 = arith.addi %shift_left3A_205, %add3A_287 : vector<16xi32>
        tpu.vector_store_idx %arg7[%shift_right_logical3A_200, %add3A_289], %gather3A_288 : memref<32x128xf32, #tpu.memory_space<vmem>>[vector<16xi32>, vector<16xi32>], vector<16xf32>,
        %add3A_290 = arith.constant 16 : i32
        %add3A_291 = vector.broadcast %add3A_290 : i32 to vector<16xi32>
        %add3A_292 = arith.addi %add3A_291, %and3A_11 : vector<16xi32>
        %gather3A_293 = tpu.vector_load_idx %arg9[%add3A_292, %add3A_198] : memref<32x64xf32, #tpu.memory_space<vmem>>[vector<16xi32>, vector<16xi32>], vector<16xf32>,
        %add3A_294 = arith.addi %shift_left3A_205, %add3A_292 : vector<16xi32>
        tpu.vector_store_idx %arg7[%shift_right_logical3A_200, %add3A_294], %gather3A_293 : memref<32x128xf32, #tpu.memory_space<vmem>>[vector<16xi32>, vector<16xi32>], vector<16xf32>,
        %add3A_295 = arith.constant 16 : i32
        %add3A_296 = vector.broadcast %add3A_295 : i32 to vector<16xi32>
        %add3A_297 = arith.addi %add3A_296, %and3A_17 : vector<16xi32>
        %gather3A_298 = tpu.vector_load_idx %arg9[%add3A_297, %add3A_198] : memref<32x64xf32, #tpu.memory_space<vmem>>[vector<16xi32>, vector<16xi32>], vector<16xf32>,
        %add3A_299 = arith.addi %shift_left3A_205, %add3A_297 : vector<16xi32>
        tpu.vector_store_idx %arg7[%shift_right_logical3A_200, %add3A_299], %gather3A_298 : memref<32x128xf32, #tpu.memory_space<vmem>>[vector<16xi32>, vector<16xi32>], vector<16xf32>,
        %add3A_300 = arith.constant 16 : i32
        %add3A_301 = vector.broadcast %add3A_300 : i32 to vector<16xi32>
        %add3A_302 = arith.addi %add3A_301, %and3A_23 : vector<16xi32>
        %gather3A_303 = tpu.vector_load_idx %arg9[%add3A_302, %add3A_198] : memref<32x64xf32, #tpu.memory_space<vmem>>[vector<16xi32>, vector<16xi32>], vector<16xf32>,
        %add3A_304 = arith.addi %shift_left3A_205, %add3A_302 : vector<16xi32>
        tpu.vector_store_idx %arg7[%shift_right_logical3A_200, %add3A_304], %gather3A_303 : memref<32x128xf32, #tpu.memory_space<vmem>>[vector<16xi32>, vector<16xi32>], vector<16xf32>,
        %add3A_305 = arith.constant 16 : i32
        %add3A_306 = vector.broadcast %add3A_305 : i32 to vector<16xi32>
        %add3A_307 = arith.addi %add3A_306, %and3A_29 : vector<16xi32>
        %gather3A_308 = tpu.vector_load_idx %arg9[%add3A_307, %add3A_198] : memref<32x64xf32, #tpu.memory_space<vmem>>[vector<16xi32>, vector<16xi32>], vector<16xf32>,
        %add3A_309 = arith.addi %shift_left3A_205, %add3A_307 : vector<16xi32>
        tpu.vector_store_idx %arg7[%shift_right_logical3A_200, %add3A_309], %gather3A_308 : memref<32x128xf32, #tpu.memory_space<vmem>>[vector<16xi32>, vector<16xi32>], vector<16xf32>,
        %add3A_310 = arith.constant 16 : i32
        %add3A_311 = vector.broadcast %add3A_310 : i32 to vector<16xi32>
        %add3A_312 = arith.addi %add3A_311, %and3A_35 : vector<16xi32>
        %gather3A_313 = tpu.vector_load_idx %arg9[%add3A_312, %add3A_198] : memref<32x64xf32, #tpu.memory_space<vmem>>[vector<16xi32>, vector<16xi32>], vector<16xf32>,
        %add3A_314 = arith.addi %shift_left3A_205, %add3A_312 : vector<16xi32>
        tpu.vector_store_idx %arg7[%shift_right_logical3A_200, %add3A_314], %gather3A_313 : memref<32x128xf32, #tpu.memory_space<vmem>>[vector<16xi32>, vector<16xi32>], vector<16xf32>,
        %add3A_315 = arith.constant 16 : i32
        %add3A_316 = vector.broadcast %add3A_315 : i32 to vector<16xi32>
        %add3A_317 = arith.addi %add3A_316, %and3A_41 : vector<16xi32>
        %gather3A_318 = tpu.vector_load_idx %arg9[%add3A_317, %add3A_198] : memref<32x64xf32, #tpu.memory_space<vmem>>[vector<16xi32>, vector<16xi32>], vector<16xf32>,
        %add3A_319 = arith.addi %shift_left3A_205, %add3A_317 : vector<16xi32>
        tpu.vector_store_idx %arg7[%shift_right_logical3A_200, %add3A_319], %gather3A_318 : memref<32x128xf32, #tpu.memory_space<vmem>>[vector<16xi32>, vector<16xi32>], vector<16xf32>,
        %add3A_320 = arith.constant 16 : i32
        %add3A_321 = vector.broadcast %add3A_320 : i32 to vector<16xi32>
        %add3A_322 = arith.addi %add3A_321, %and3A_47 : vector<16xi32>
        %gather3A_323 = tpu.vector_load_idx %arg9[%add3A_322, %add3A_198] : memref<32x64xf32, #tpu.memory_space<vmem>>[vector<16xi32>, vector<16xi32>], vector<16xf32>,
        %add3A_324 = arith.addi %shift_left3A_205, %add3A_322 : vector<16xi32>
        tpu.vector_store_idx %arg7[%shift_right_logical3A_200, %add3A_324], %gather3A_323 : memref<32x128xf32, #tpu.memory_space<vmem>>[vector<16xi32>, vector<16xi32>], vector<16xf32>,
        %add3A_325 = arith.constant 16 : i32
        %add3A_326 = vector.broadcast %add3A_325 : i32 to vector<16xi32>
        %add3A_327 = arith.addi %add3A_326, %and3A_53 : vector<16xi32>
        %gather3A_328 = tpu.vector_load_idx %arg9[%add3A_327, %add3A_198] : memref<32x64xf32, #tpu.memory_space<vmem>>[vector<16xi32>, vector<16xi32>], vector<16xf32>,
        %add3A_329 = arith.addi %shift_left3A_205, %add3A_327 : vector<16xi32>
        tpu.vector_store_idx %arg7[%shift_right_logical3A_200, %add3A_329], %gather3A_328 : memref<32x128xf32, #tpu.memory_space<vmem>>[vector<16xi32>, vector<16xi32>], vector<16xf32>,
        %add3A_330 = arith.constant 16 : i32
        %add3A_331 = vector.broadcast %add3A_330 : i32 to vector<16xi32>
        %add3A_332 = arith.addi %add3A_331, %and3A_59 : vector<16xi32>
        %gather3A_333 = tpu.vector_load_idx %arg9[%add3A_332, %add3A_198] : memref<32x64xf32, #tpu.memory_space<vmem>>[vector<16xi32>, vector<16xi32>], vector<16xf32>,
        %add3A_334 = arith.addi %shift_left3A_205, %add3A_332 : vector<16xi32>
        tpu.vector_store_idx %arg7[%shift_right_logical3A_200, %add3A_334], %gather3A_333 : memref<32x128xf32, #tpu.memory_space<vmem>>[vector<16xi32>, vector<16xi32>], vector<16xf32>,
        %add3A_335 = arith.constant 16 : i32
        %add3A_336 = vector.broadcast %add3A_335 : i32 to vector<16xi32>
        %add3A_337 = arith.addi %add3A_336, %and3A_65 : vector<16xi32>
        %gather3A_338 = tpu.vector_load_idx %arg9[%add3A_337, %add3A_198] : memref<32x64xf32, #tpu.memory_space<vmem>>[vector<16xi32>, vector<16xi32>], vector<16xf32>,
        %add3A_339 = arith.addi %shift_left3A_205, %add3A_337 : vector<16xi32>
        tpu.vector_store_idx %arg7[%shift_right_logical3A_200, %add3A_339], %gather3A_338 : memref<32x128xf32, #tpu.memory_space<vmem>>[vector<16xi32>, vector<16xi32>], vector<16xf32>,
        %add3A_340 = arith.constant 16 : i32
        %add3A_341 = vector.broadcast %add3A_340 : i32 to vector<16xi32>
        %add3A_342 = arith.addi %add3A_341, %and3A_71 : vector<16xi32>
        %gather3A_343 = tpu.vector_load_idx %arg9[%add3A_342, %add3A_198] : memref<32x64xf32, #tpu.memory_space<vmem>>[vector<16xi32>, vector<16xi32>], vector<16xf32>,
        %add3A_344 = arith.addi %shift_left3A_205, %add3A_342 : vector<16xi32>
        tpu.vector_store_idx %arg7[%shift_right_logical3A_200, %add3A_344], %gather3A_343 : memref<32x128xf32, #tpu.memory_space<vmem>>[vector<16xi32>, vector<16xi32>], vector<16xf32>,
        %add3A_345 = arith.constant 16 : i32
        %add3A_346 = vector.broadcast %add3A_345 : i32 to vector<16xi32>
        %add3A_347 = arith.addi %add3A_346, %and3A_77 : vector<16xi32>
        %gather3A_348 = tpu.vector_load_idx %arg9[%add3A_347, %add3A_198] : memref<32x64xf32, #tpu.memory_space<vmem>>[vector<16xi32>, vector<16xi32>], vector<16xf32>,
        %add3A_349 = arith.addi %shift_left3A_205, %add3A_347 : vector<16xi32>
        tpu.vector_store_idx %arg7[%shift_right_logical3A_200, %add3A_349], %gather3A_348 : memref<32x128xf32, #tpu.memory_space<vmem>>[vector<16xi32>, vector<16xi32>], vector<16xf32>,
        %add3A_350 = arith.constant 16 : i32
        %add3A_351 = vector.broadcast %add3A_350 : i32 to vector<16xi32>
        %add3A_352 = arith.addi %add3A_351, %and3A_83 : vector<16xi32>
        %gather3A_353 = tpu.vector_load_idx %arg9[%add3A_352, %add3A_198] : memref<32x64xf32, #tpu.memory_space<vmem>>[vector<16xi32>, vector<16xi32>], vector<16xf32>,
        %add3A_354 = arith.addi %shift_left3A_205, %add3A_352 : vector<16xi32>
        tpu.vector_store_idx %arg7[%shift_right_logical3A_200, %add3A_354], %gather3A_353 : memref<32x128xf32, #tpu.memory_space<vmem>>[vector<16xi32>, vector<16xi32>], vector<16xf32>,
        %add3A_355 = arith.constant 16 : i32
        %add3A_356 = vector.broadcast %add3A_355 : i32 to vector<16xi32>
        %add3A_357 = arith.addi %add3A_356, %and3A_89 : vector<16xi32>
        %gather3A_358 = tpu.vector_load_idx %arg9[%add3A_357, %add3A_198] : memref<32x64xf32, #tpu.memory_space<vmem>>[vector<16xi32>, vector<16xi32>], vector<16xf32>,
        %add3A_359 = arith.addi %shift_left3A_205, %add3A_357 : vector<16xi32>
        tpu.vector_store_idx %arg7[%shift_right_logical3A_200, %add3A_359], %gather3A_358 : memref<32x128xf32, #tpu.memory_space<vmem>>[vector<16xi32>, vector<16xi32>], vector<16xf32>,
        %add3A_360 = arith.constant 16 : i32
        %add3A_361 = vector.broadcast %add3A_360 : i32 to vector<16xi32>
        %add3A_362 = arith.addi %add3A_361, %and3A_95 : vector<16xi32>
        %gather3A_363 = tpu.vector_load_idx %arg9[%add3A_362, %add3A_198] : memref<32x64xf32, #tpu.memory_space<vmem>>[vector<16xi32>, vector<16xi32>], vector<16xf32>,
        %add3A_364 = arith.addi %shift_left3A_205, %add3A_362 : vector<16xi32>
        tpu.vector_store_idx %arg7[%shift_right_logical3A_200, %add3A_364], %gather3A_363 : memref<32x128xf32, #tpu.memory_space<vmem>>[vector<16xi32>, vector<16xi32>], vector<16xf32>,
      }
      %scan3A_166 = arith.constant 4 : i32
      %dma_start3A_167 = arith.constant 0 : i32
      %dma_start3A_168 = arith.constant 0 : i32
      %dma_start3A_169 = tpu.memref_slice %arg7[%dma_start3A_167, %dma_start3A_168] : memref<32x128xf32, #tpu.memory_space<vmem>> -> memref<16x128xf32, #tpu.memory_space<vmem>>
      %dma_start3A_170 = arith.constant 249984 : i32
      %dma_start3A_171 = arith.constant 0 : i32
      %dma_start3A_172 = tpu.memref_slice %arg4[%dma_start3A_170, %dma_start3A_171] : memref<250000x128xf32, #tpu.memory_space<hbm>> -> memref<16x128xf32, #tpu.memory_space<hbm>>
      %dma_start3A_173 = arith.constant 249984 : i32
      %dma_start3A_174 = arith.constant 0 : i32
      %dma_start3A_175 = tpu.memref_slice %arg4[%dma_start3A_173, %dma_start3A_174] : memref<250000x128xf32, #tpu.memory_space<hbm>> -> memref<16x128xf32, #tpu.memory_space<hbm>>
      %dma_start3A_176 = arith.constant 0 : i32
      %dma_start3A_177 = arith.constant 0 : i32
      %dma_start3A_178 = tpu.memref_slice %arg7[%dma_start3A_176, %dma_start3A_177] : memref<32x128xf32, #tpu.memory_space<vmem>> -> memref<16x128xf32, #tpu.memory_space<vmem>>
      tpu.enqueue_dma source(%dma_start3A_178 : memref<16x128xf32, #tpu.memory_space<vmem>>) target(%dma_start3A_175 : memref<16x128xf32, #tpu.memory_space<hbm>>) target_semaphore(%arg12 : memref<!tpu.dma_semaphore, #tpu.memory_space<semaphore_mem>>)
      %dma_wait3A = arith.constant 0 : i32
      %dma_wait3A_179 = arith.constant 0 : i32
      %dma_wait3A_180 = tpu.memref_slice %arg7[%dma_wait3A, %dma_wait3A_179] : memref<32x128xf32, #tpu.memory_space<vmem>> -> memref<16x128xf32, #tpu.memory_space<vmem>>
      %dma_wait3A_181 = arith.constant 249984 : i32
      %dma_wait3A_182 = arith.constant 0 : i32
      %dma_wait3A_183 = tpu.memref_slice %arg4[%dma_wait3A_181, %dma_wait3A_182] : memref<250000x128xf32, #tpu.memory_space<hbm>> -> memref<16x128xf32, #tpu.memory_space<hbm>>
      %dma_wait3A_184 = arith.constant 249984 : i32
      %dma_wait3A_185 = arith.constant 0 : i32
      %dma_wait3A_186 = tpu.memref_slice %arg4[%dma_wait3A_184, %dma_wait3A_185] : memref<250000x128xf32, #tpu.memory_space<hbm>> -> memref<16x128xf32, #tpu.memory_space<hbm>>
      %dma_wait3A_187 = arith.constant 0 : i32
      %dma_wait3A_188 = arith.constant 0 : i32
      %dma_wait3A_189 = tpu.memref_slice %arg7[%dma_wait3A_187, %dma_wait3A_188] : memref<32x128xf32, #tpu.memory_space<vmem>> -> memref<16x128xf32, #tpu.memory_space<vmem>>
      tpu.wait_dma2 semaphore(%arg12 : memref<!tpu.dma_semaphore, #tpu.memory_space<semaphore_mem>>) src(%dma_wait3A_189 : memref<16x128xf32, #tpu.memory_space<vmem>>) dst(%dma_wait3A_186 : memref<16x128xf32, #tpu.memory_space<hbm>>)
    } else {
    }
    return
  }
}

</mosaic_0001>

<sc_bundles>
// kernel: _stage.3.cloned.1.call-start
scs
__scs_entry_jumppad:
0x0: {  	(pc) =	sbr.rel $0x88, $3  }
0x1: {  	(tag) =	ssettag $0x0;
	lr =	simm.s32 $0x1  }
0x2: {  	[smem:$0x3F9F] =	sst lr;
	_ =	strace $0xD0000000  }
0x3: {  	_ = 	snop  }
0x4: {  	_ = 	snop  }
0x5: {  	_ = 	snop  }
0x6: {  	_ = 	snop  }
0x7: {  	_ = 	snop  }
__scs_overlays_trampoline_lowered:
0x8: {  	[smem:$0x3FAE] =	sst s0  }
0x9: {  	[smem:$0x3FAF] =	sst s1  }
0xa: {  	[smem:$0x3FB0] =	sst s2  }
0xb: {  	[smem:$0x3FB1] =	sst s3  }
0xc: {  	[smem:$0x3FB2] =	sst s4  }
0xd: {  	[smem:$0x3FB3] =	sst s5  }
0xe: {  	[smem:$0x3FB4] =	sst s6  }
0xf: {  	[smem:$0x3FB5] =	sst s7  }
0x10: {  	[smem:$0x3FB6] =	sst s8  }
0x11: {  	[smem:$0x3FB7] =	sst s9;
	s0 =	simm.s32 @!p0 $0x0  }
0x12: {  	s1 =	sld [smem:$0x3F9D];
	s0 =	simm.s32 @p0 $0x1  }
0x13: {  	[smem:$0x3FB8] =	sst s0;
	s0 =	simm.s32 @!p1 $0x0  }
0x14: {  	s2 =	sld [smem:$0x3F9C];
	s0 =	simm.s32 @p1 $0x1  }
0x15: {  	[smem:$0x3FB9] =	sst s0;
	s0 =	simm.s32 @!p2 $0x0  }
0x16: {  	s3 =	sld [smem:$0x3FDB];
	s0 =	simm.s32 @p2 $0x1  }
0x17: {  	s4 =	simm.s32 $0x1BF5;
	[smem:$0x3FBB] =	sst s0  }
0x18: {  	s0 =	sld [smem:$0x3F9E];
	_ =	swait.ge [sflag:s4], $0x0  }
0x19: {  	s7 =	sld [smem:$0x3F9F]  }
0x1a: {  	s8 =	sadd.s32 $0xFFFFE003, lr  }
0x1b: {  	s9 =	sadd.s32 $0xFFFFFEF7, lr;
	s5 =	simm.s32 $0xFFFFFFFF;
	p2 =	slt.u32 s8, $0xFFFFF086  }
0x1c: {  	p1 =	slt.u32 s9, $0xF7A;
	s5 =	simm.s32 @!p2 $0x0  }
0x1d: {  	s5 =	simm.s32 @p1 $0x1;
	p0 =	seq.s32 s7, s2  }
0x1e: {  	s7 =	smul.u32 @!p0 $0xF7A, s2;
	p2 =	seq.s32 @!p0 s5, $0x0  }
0x1f: {  	s9 =	smul.u32 $0xF7A, s1;
	s8 =	simm.s32 @!p0 $0x1BF5;
	p2 =	por !p2, p0  }
0x20: {  	[sflag:s8] =	ssyncset.s32 @!p0 $0xFFFFF086;
	s6 =	sadd.s32 @!p0 s3, s7;
	s7 =	simm.s32 @!p0 $0x108  }
0x21: {  	s3 =	sadd.s32 s3, s9;
	s6 =	sadd.s32 @!p0 $0x88, s6;
	s7 =	simm.s32 @p2 $0x1082  }
0x22: {  	[simem:s7], [sflag:s8] =	dma.local @!p0 [hbm:s6], $0xF7A  }
0x23: {  	s9 =	sor.u32 $0xD0000000, s2;
	s6 =	simm.s32 $0x108;
	_ =	swait.ge @!p0 [sflag:s8], $0x0  }
0x24: {  	s3 =	sadd.s32 $0x88, s3;
	s6 =	simm.s32 @!p1 $0x1082;
	[sflag:s4] =	ssyncset.s32 $0xFFFFF086  }
0x25: {  	[simem:s6], [sflag:s4] =	dma.local [hbm:s3], $0xF7A  }
0x26: {  	[smem:$0x3F9F] =	sst s1;
	(tag) =	ssettag s2;
	_ =	strace s9  }
0x27: {  	s1 =	sld [smem:$0x3FAF]  }
0x28: {  	s2 =	sld [smem:$0x3FB0]  }
0x29: {  	s4 =	sld [smem:$0x3FB2]  }
0x2a: {  	p0 =	seq.s32 s5, $0x0;
	s5 =	sld [smem:$0x3FB3]  }
0x2b: {  	s6 =	sld [smem:$0x3FB4]  }
0x2c: {  	s7 =	sld [smem:$0x3FB5]  }
0x2d: {  	s3 =	simm.s32 $0x108;
	s8 =	sld [smem:$0x3FB6]  }
0x2e: {  	s3 =	simm.s32 @!p0 $0x1082;
	s9 =	sld [smem:$0x3FB7]  }
0x2f: {  	lr =	sadd.s32 s0, s3;
	s0 =	sld [smem:$0x3FAE]  }
0x30: {  	s3 =	sld [smem:$0x3FB1]  }
0x31: {  	[smem:$0x3FBA] =	sst s10  }
0x32: {  	s10 =	sld [smem:$0x3FB8];
	_ =	sdelay $0x3  }
0x33: {  	p0 =	seq.s32 s10, $0x1;
	s10 =	sld [smem:$0x3FBA];
	_ =	sdelay $0x3  }
0x34: {  	[smem:$0x3FBA] =	sst s10  }
0x35: {  	s10 =	sld [smem:$0x3FB9];
	_ =	sdelay $0x3  }
0x36: {  	p1 =	seq.s32 s10, $0x1;
	s10 =	sld [smem:$0x3FBA];
	_ =	sdelay $0x3  }
0x37: {  	[smem:$0x3FBA] =	sst s10  }
0x38: {  	s10 =	sld [smem:$0x3FBB]  }
0x39: {  	_ = 	snop;
	(pc) =	sbr.ind lr, $3  }
0x3a: {  	_ = 	snop  }
0x3b: {  	_ = 	snop  }
0x3c: {  	p2 =	seq.s32 s10, $0x1;
	s10 =	sld [smem:$0x3FBA]  }
0x3d: {  	_ =	shalt  }
0x3e: {  	_ =	shalt  }
0x3f: {  	_ =	shalt  }
0x40: {  	_ =	shalt  }
0x41: {  	_ =	shalt  }
0x42: {  	_ =	shalt  }
0x43: {  	_ =	shalt  }
0x44: {  	_ =	shalt  }
0x45: {  	_ =	shalt  }
0x46: {  	_ =	shalt  }
0x47: {  	_ =	shalt  }
0x48: {  	_ =	shalt  }
0x49: {  	_ =	shalt  }
0x4a: {  	_ =	shalt  }
0x4b: {  	_ =	shalt  }
0x4c: {  	_ =	shalt  }
0x4d: {  	_ =	shalt  }
0x4e: {  	_ =	shalt  }
0x4f: {  	_ =	shalt  }
0x50: {  	_ =	shalt  }
0x51: {  	_ =	shalt  }
0x52: {  	_ =	shalt  }
0x53: {  	_ =	shalt  }
0x54: {  	_ =	shalt  }
0x55: {  	_ =	shalt  }
0x56: {  	_ =	shalt  }
0x57: {  	_ =	shalt  }
0x58: {  	_ =	shalt  }
0x59: {  	_ =	shalt  }
0x5a: {  	_ =	shalt  }
0x5b: {  	_ =	shalt  }
0x5c: {  	_ =	shalt  }
0x5d: {  	_ =	shalt  }
0x5e: {  	_ =	shalt  }
0x5f: {  	_ =	shalt  }
0x60: {  	_ =	shalt  }
0x61: {  	_ =	shalt  }
0x62: {  	_ =	shalt  }
0x63: {  	_ =	shalt  }
0x64: {  	_ =	shalt  }
0x65: {  	_ =	shalt  }
0x66: {  	_ =	shalt  }
0x67: {  	_ =	shalt  }
0x68: {  	_ =	shalt  }
0x69: {  	_ =	shalt  }
0x6a: {  	_ =	shalt  }
0x6b: {  	_ =	shalt  }
0x6c: {  	_ =	shalt  }
0x6d: {  	_ =	shalt  }
0x6e: {  	_ =	shalt  }
0x6f: {  	_ =	shalt  }
0x70: {  	_ =	shalt  }
0x71: {  	_ =	shalt  }
0x72: {  	_ =	shalt  }
0x73: {  	_ =	shalt  }
0x74: {  	_ =	shalt  }
0x75: {  	_ =	shalt  }
0x76: {  	_ =	shalt  }
0x77: {  	_ =	shalt  }
0x78: {  	_ =	shalt  }
0x79: {  	_ =	shalt  }
0x7a: {  	_ =	shalt  }
0x7b: {  	_ =	shalt  }
0x7c: {  	_ =	shalt  }
0x7d: {  	_ =	shalt  }
0x7e: {  	_ =	shalt  }
0x7f: {  	_ =	shalt  }
0x80: {  	_ =	shalt  }
0x81: {  	_ =	shalt  }
0x82: {  	_ =	shalt  }
0x83: {  	_ =	shalt  }
0x84: {  	_ =	shalt  }
0x85: {  	_ =	shalt  }
0x86: {  	_ =	shalt  }
0x87: {  	_ =	shalt  }
.Lfunc_end0:
.L_simem_size_0:
called_computation_lowered:
.L_overlay_start_0:
0x88: {  	s2 =	sld [smem:$0x3FD9]  }
0x89: {  	s3 =	sld [smem:$0x3FFE];
	_ =	sdelay $0x1  }
0x8a: {  	s1 =	srdreg.scid  }
0x8b: {  	s0 =	sand.u32 $0x1, s1  }
0x8c: {  	s18 =	sshll.u32 s0, $0xA;
	s2 =	sadd.s32 s3, s2  }
0x8d: {  	s2 =	sadd.s32 s2, s18  }
0x8e: {  	[smem:$0x3FC6] =	sst s2  }
0x8f: {  	_ = 	snop  }
0x90: {  	s2 =	sld [smem:$0x3FC9]  }
0x91: {  	s19 =	sld [smem:$0x3FC8]  }
0x92: {  	s4 =	sld [smem:$0x3FD0];
	(tm) =	ssettm $0x1  }
0x93: {  	s5 =	sld [smem:$0x3FFB];
	_ =	sdelay $0x3  }
0x94: {  	_ =	strace s5  }
0x95: {  	s5 =	sld [smem:$0x3FFC];
	_ =	sdelay $0x3  }
0x96: {  	_ =	strace s5  }
0x97: {  	s5 =	sld [smem:$0x3FFD];
	_ =	sdelay $0x3  }
0x98: {  	_ =	strace s5  }
0x99: {  	_ =	strace $0x8FFFFFFF  }
0x9a: {  	s20 =	sld [smem:$0x3FDB];
	_ =	sdelay $0x1  }
0x9b: {  	s6 =	simm.s32 $_scs_section_size  }
0x9c: {  	s7 =	simm.s32 $_size__tile_overlayer_lowered;
	s8 =	simm.s32 $_tile_overlayer_lowered  }
0x9d: {  	s23 =	simm.s32 $0x1BFF;
	s22 =	sshll.u32 s8, $0x1;
	s5 =	sadd.s32 s6, s20  }
0x9e: {  	s9 =	simm.s32 $0x0;
	s21 =	sshll.u32 s7, $0x1;
	s7 =	sadd.s32 s22, s5  }
0x9f: {  	[timem:s9], [sflag:s23] =	dma.local [hbm:s7], s21  }
0xa0: {  	_ =	swait.ge [sflag:s23], s21  }
0xa1: {  	s6 =	ssub.s32 $0x0, s21;
	[sflag:s23] =	ssyncset.done $0x0  }
0xa2: {  	[sflag:s23] =	ssyncadd.s32 s6;
	_ =	sdelay $0x1  }
0xa3: {  	s24 =	simm.s32 $0x1B8B  }
0xa4: {  	_ =	swait.ge [sflag:s24], $0x1  }
0xa5: {  	[sflag:s24] =	ssyncset.done $0x0  }
0xa6: {  	s25 =	simm.s32 $0x1B8E;
	[sflag:s24] =	ssyncadd.s32 $0xFFFFFFFF  }
0xa7: {  	s26 =	simm.s32 $execute0_lowered;
	[smem:$0x3FD2] =	sst s25  }
0xa8: {  	s6 =	sshll.u32 s26, $0x1;
	_ =	strace $0x80000046;
	[dreg:$0x1] =	wrdreg $0xFFFFFFFF  }
0xa9: {  	s28 =	simm.s32 $_size_execute0_lowered;
	s5 =	sadd.s32 s5, s6;
	[dreg:$0x0] =	wrdreg $0x0  }
0xaa: {  	s6 =	sshll.u32 s28, $0x1;
	[dreg:$0x2] =	wrdreg s5  }
0xab: {  	[dreg:$0x3] =	wrdreg s6  }
0xac: {  	[dreg:$0x4] =	wrdreg $0xC0  }
0xad: {  	_ =	task [dreg:s9], $0x5FFFF  }
0xae: {  	[dreg:$0x1] =	wrdreg $0xFFFFFFFF  }
0xaf: {  	[dreg:$0x0] =	wrdreg $0x60  }
0xb0: {  	[dreg:$0x2] =	wrdreg s2  }
0xb1: {  	[dreg:$0x3] =	wrdreg s19  }
0xb2: {  	[dreg:$0x4] =	wrdreg s4  }
0xb3: {  	[dreg:$0x5] =	wrdreg $0x9  }
0xb4: {  	_ =	task.clear_ibuf [dreg:s9], $0x6FFFF;
	_ =	strace $0x90000046  }
0xb5: {  	s29 =	simm.s32 $0x9;
	_ =	strace $0x80000048  }
0xb6: {  	_ =	swait.ge [sflag:s29], $0x1  }
0xb7: {  	[sflag:s29] =	ssyncadd.s32 $0xFFFFFFFF  }
0xb8: {  	_ =	strace $0x90000048  }
0xb9: {  	_ =	sfence  }
0xba: {  	s30 =	sld [smem:$0x0];
	_ =	sdelay $0x2  }
0xbb: {  	s31 =	sshll.u32 s1, $0xD;
	s1 =	sshrl.u32 s1, $0x2  }
0xbc: {  	s3 =	sand.u32 $0x4000, s31;
	s1 =	sadd.s32 s1, s30  }
0xbd: {  	s0 =	sor.u32 s3, s0;
	s1 =	sshll.u32 s1, $0x11  }
0xbe: {  	s0 =	sor.u32 s1, s0  }
0xbf: {  	s0 =	sadd.s32 $0x8F2B, s0  }
0xc0: {  	[sflag:s0] =	ssyncadd.remote.s32 $0x1  }
0xc1: {  	_ =	sfence.sel $0xFFFF  }
0xc2: {  	[dreg:$0x0] =	wrdreg $0xFFFFFFFF;
	(pc) =	sbr.abs _section_cstart, $3  }
0xc3: {  	[dreg:$0x1] =	wrdreg $0xFFFFFFFF  }
0xc4: {  	_ =	task.clear_ibuf [dreg:s9], $0x2FFFF;
	_ =	strace $0x9FFFFFFF  }
0xc5: {  	(tm) =	ssettm $0x7FFFFFFF  }
tec
execute0_lowered:
.L_overlay_start_1:
0x0: {  	(tag) =	ssettag $0x1  }
0x1: {  	v0 =	vlaneseq.u32;
	v1 =	vimm.s32 $0x6B4A2908;
	vm0 =	vcmask $0x1F10  }
0x2: {  	vm15 =	vcmask $0x300;
	v39 =	vmul.u32 $0x81, v0;
	v36 =	vmul.u32 $0x20, v0  }
0x3: {  	v10 =	vunpack.c.0.s8.s32 v1;
	v0 =	vimm.s32 $0x6F4E2D0C;
	v1 =	vimm.s32 $0xF  }
0x4: {  	vm14 =	vcmask $0x704;
	v11 =	vunpack.c.0.s8.s32 v0;
	v0 =	vsel vm15, $0x80, v1  }
0x5: {  	vm13 =	vcmask $0xB08;
	vm12 =	vcmask $0xF0C;
	v0 =	vsel vm14, $0x101, v0  }
0x6: {  	vm11 =	vcmask $0x1310;
	v1 =	vimm.s32 $0x63422100;
	v0 =	vsel vm13, $0x182, v0  }
0x7: {  	v2 =	vunpack.c.0.s8.s32 v1;
	v1 =	vimm.s32 $0x67462504;
	v0 =	vsel vm12, $0x203, v0  }
0x8: {  	vm10 =	vcmask $0x1714;
	v3 =	vunpack.c.0.s8.s32 v1;
	v1 =	vsel vm11, $0x284, v0  }
0x9: {  	vm9 =	vcmask $0x1B18;
	vm8 =	vcmask $0x1F1C;
	v4 =	vsel vm10, $0x305, v1  }
0xa: {  	v0 =	vsel vm0, v11, v10;
	v1 =	vsel vm0, v3, v2;
	v4 =	vsel vm9, $0x386, v4  }
0xb: {  	vm7 =	vcmask $0x2320;
	v5 =	vcombine.low v1, v0;
	v4 =	vsel vm8, $0x407, v4  }
0xc: {  	vm6 =	vcmask $0x2724;
	v4 =	vsel vm7, $0x488, v4  }
0xd: {  	vm5 =	vcmask $0x2B28;
	[tilespmem:$0x1FD10] =	vst v5;
	v5 =	vimm.s32 $0x8F;
	v4 =	vsel vm6, $0x509, v4  }
0xe: {  	vm4 =	vcmask $0x2F2C;
	v5 =	vsel vm15, $0x100, v5;
	v4 =	vsel vm5, $0x58A, v4  }
0xf: {  	vm3 =	vcmask $0x3330;
	v5 =	vsel vm14, $0x181, v5;
	v4 =	vsel vm4, $0x60B, v4  }
0x10: {  	vm2 =	vcmask $0x3734;
	v5 =	vsel vm13, $0x202, v5;
	v4 =	vsel vm3, $0x68C, v4  }
0x11: {  	vm1 =	vcmask $0x3B38;
	v5 =	vsel vm12, $0x283, v5;
	v4 =	vsel vm2, $0x70D, v4  }
0x12: {  	v5 =	vsel vm11, $0x304, v5;
	v4 =	vsel vm1, $0x78E, v4  }
0x13: {  	v5 =	vsel vm10, $0x385, v5;
	[tilespmem:$0x1FD20] =	vst v4;
	v4 =	vimm.s32 $0x6C4B2A09  }
0x14: {  	v5 =	vsel vm9, $0x406, v5;
	v12 =	vunpack.c.0.s8.s32 v4;
	v4 =	vimm.s32 $0x604F2E0D  }
0x15: {  	v13 =	vunpack.c.0.s8.s32 v4;
	v4 =	vsel vm8, $0x487, v5;
	v5 =	vimm.s32 $0x10F  }
0x16: {  	v4 =	vsel vm7, $0x508, v4;
	v5 =	vsel vm15, $0x180, v5  }
0x17: {  	v4 =	vsel vm6, $0x589, v4;
	v5 =	vsel vm14, $0x201, v5  }
0x18: {  	v6 =	vimm.s32 $0x64432201;
	v4 =	vsel vm5, $0x60A, v4;
	v5 =	vsel vm13, $0x282, v5  }
0x19: {  	v14 =	vunpack.c.0.s8.s32 v6;
	v4 =	vsel vm4, $0x68B, v4;
	v5 =	vsel vm12, $0x303, v5  }
0x1a: {  	v6 =	vimm.s32 $0x68472605;
	v4 =	vsel vm3, $0x70C, v4;
	v5 =	vsel vm11, $0x384, v5  }
0x1b: {  	v30 =	vunpack.c.0.s8.s32 v6;
	v6 =	vsel vm2, $0x78D, v4;
	v7 =	vsel vm10, $0x405, v5  }
0x1c: {  	v46 =	vsel vm1, $0xE, v6;
	v6 =	vsel vm9, $0x486, v7  }
0x1d: {  	v8 =	vimm.s32 $0x61402F0E;
	v6 =	vsel vm8, $0x507, v6  }
0x1e: {  	v19 =	vunpack.c.0.s8.s32 v8;
	v6 =	vsel vm7, $0x588, v6  }
0x1f: {  	v8 =	vimm.s32 $0x69482706;
	v7 =	vimm.s32 $0x6D4C2B0A;
	v6 =	vsel vm6, $0x609, v6  }
0x20: {  	v18 =	vunpack.c.0.s8.s32 v7;
	v7 =	vimm.s32 $0x65442302;
	v6 =	vsel vm5, $0x68A, v6  }
0x21: {  	v20 =	vunpack.c.0.s8.s32 v7;
	v7 =	vimm.s32 $0x18F;
	v6 =	vsel vm4, $0x70B, v6  }
0x22: {  	v22 =	vunpack.c.0.s8.s32 v8;
	v7 =	vsel vm15, $0x200, v7;
	v8 =	vsel vm3, $0x78C, v6  }
0x23: {  	v9 =	vsel vm14, $0x281, v7;
	v8 =	vsel vm2, $0xD, v8  }
0x24: {  	v9 =	vsel vm13, $0x302, v9;
	v50 =	vsel vm1, $0x8E, v8;
	v8 =	vimm.s32 $0x6E4D2C0B  }
0x25: {  	v9 =	vsel vm12, $0x383, v9;
	v24 =	vunpack.c.0.s8.s32 v8;
	v8 =	vimm.s32 $0x6241200F  }
0x26: {  	v9 =	vsel vm11, $0x404, v9;
	v33 =	vunpack.c.0.s8.s32 v8;
	v8 =	vimm.s32 $0x66452403  }
0x27: {  	v9 =	vsel vm10, $0x485, v9;
	v34 =	vunpack.c.0.s8.s32 v8;
	v8 =	vimm.s32 $0x6A492807  }
0x28: {  	v35 =	vunpack.c.0.s8.s32 v8;
	v8 =	vsel vm9, $0x506, v9;
	v9 =	vimm.s32 $0x20F  }
0x29: {  	v8 =	vsel vm8, $0x587, v8;
	v9 =	vsel vm15, $0x280, v9  }
0x2a: {  	v27 =	vsel vm7, $0x608, v8;
	v9 =	vsel vm14, $0x301, v9  }
0x2b: {  	v27 =	vsel vm6, $0x689, v27;
	v9 =	vsel vm13, $0x382, v9  }
0x2c: {  	v28 =	vimm.s32 $0x28F;
	v27 =	vsel vm5, $0x70A, v27;
	v9 =	vsel vm12, $0x403, v9  }
0x2d: {  	v28 =	vsel vm15, $0x300, v28;
	v27 =	vsel vm4, $0x78B, v27;
	v9 =	vsel vm11, $0x484, v9  }
0x2e: {  	v28 =	vsel vm14, $0x381, v28;
	v27 =	vsel vm3, $0xC, v27;
	v9 =	vsel vm10, $0x505, v9  }
0x2f: {  	v28 =	vsel vm13, $0x402, v28;
	v27 =	vsel vm2, $0x8D, v27;
	v29 =	vsel vm9, $0x586, v9  }
0x30: {  	v28 =	vsel vm12, $0x483, v28;
	v41 =	vsel vm1, $0x10E, v27;
	v29 =	vsel vm8, $0x607, v29  }
0x31: {  	v27 =	vsel vm0, v2, v11;
	v11 =	vsel vm11, $0x504, v28;
	v2 =	vsel vm7, $0x688, v29  }
0x32: {  	v28 =	vsel vm0, v10, v3;
	v3 =	vsel vm10, $0x585, v11;
	v2 =	vsel vm6, $0x709, v2  }
0x33: {  	v3 =	vsel vm9, $0x606, v3;
	v2 =	vsel vm5, $0x78A, v2  }
0x34: {  	v3 =	vsel vm8, $0x687, v3;
	v2 =	vsel vm4, $0xB, v2  }
0x35: {  	v11 =	vimm.s32 $0x30F;
	v3 =	vsel vm7, $0x708, v3;
	v2 =	vsel vm3, $0x8C, v2  }
0x36: {  	v11 =	vsel vm15, $0x380, v11;
	v3 =	vsel vm6, $0x789, v3;
	v2 =	vsel vm2, $0x10D, v2  }
0x37: {  	v29 =	vsel vm14, $0x401, v11;
	v11 =	vsel vm1, $0x18E, v2;
	v2 =	vsel vm5, $0xA, v3  }
0x38: {  	v0 =	vcombine.low v0, v1;
	v3 =	vsel vm13, $0x482, v29;
	v2 =	vsel vm4, $0x8B, v2  }
0x39: {  	v17 =	vsel vm0, v13, v12;
	v3 =	vsel vm12, $0x503, v3;
	v2 =	vsel vm3, $0x10C, v2  }
0x3a: {  	v25 =	vsel vm0, v33, v24;
	v3 =	vsel vm11, $0x584, v3;
	v2 =	vsel vm2, $0x18D, v2  }
0x3b: {  	v26 =	vsel vm0, v35, v34;
	v3 =	vsel vm10, $0x605, v3;
	v2 =	vsel vm1, $0x20E, v2  }
0x3c: {  	v16 =	vsel vm0, v19, v18;
	v4 =	vcombine.low v26, v25;
	[tilespmem:$0x1FD40] =	vst v2;
	v2 =	vsel vm9, $0x686, v3  }
0x3d: {  	v8 =	vsel vm0, v18, v22;
	v3 =	vimm.s32 $0x38F;
	v2 =	vsel vm8, $0x707, v2  }
0x3e: {  	[tilespmem:$0x1FD30] =	vst v4;
	v4 =	vimm.s32 $0x40F;
	v3 =	vsel vm15, $0x400, v3;
	v2 =	vsel vm7, $0x788, v2  }
0x3f: {  	v4 =	vsel vm15, $0x480, v4;
	v3 =	vsel vm14, $0x481, v3;
	v2 =	vsel vm6, $0x9, v2  }
0x40: {  	v9 =	vsel vm0, v12, v30;
	v3 =	vsel vm13, $0x502, v3;
	v2 =	vsel vm5, $0x8A, v2  }
0x41: {  	v4 =	vsel vm14, $0x501, v4;
	v3 =	vsel vm12, $0x583, v3;
	v2 =	vsel vm4, $0x10B, v2  }
0x42: {  	v4 =	vsel vm13, $0x582, v4;
	v3 =	vsel vm11, $0x604, v3;
	v2 =	vsel vm3, $0x18C, v2  }
0x43: {  	v18 =	vsel vm12, $0x603, v4;
	v3 =	vsel vm10, $0x685, v3;
	v2 =	vsel vm2, $0x20D, v2  }
0x44: {  	v12 =	vsel vm1, $0x28E, v2;
	v2 =	vsel vm9, $0x706, v3;
	v3 =	vsel vm11, $0x684, v18  }
0x45: {  	v5 =	vsel vm0, v22, v20;
	v2 =	vsel vm8, $0x787, v2;
	v3 =	vsel vm10, $0x705, v3  }
0x46: {  	v31 =	vsel vm0, v20, v19;
	v2 =	vsel vm7, $0x8, v2;
	v3 =	vsel vm9, $0x786, v3  }
0x47: {  	v18 =	vimm.s32 $0x48F;
	v2 =	vsel vm6, $0x89, v2;
	v3 =	vsel vm8, $0x7, v3  }
0x48: {  	v18 =	vsel vm15, $0x500, v18;
	v2 =	vsel vm5, $0x10A, v2;
	v3 =	vsel vm7, $0x88, v3  }
0x49: {  	v18 =	vsel vm14, $0x581, v18;
	v2 =	vsel vm4, $0x18B, v2;
	v3 =	vsel vm6, $0x109, v3  }
0x4a: {  	v18 =	vsel vm13, $0x602, v18;
	v2 =	vsel vm3, $0x20C, v2;
	v3 =	vsel vm5, $0x18A, v3  }
0x4b: {  	v19 =	vsel vm12, $0x683, v18;
	v2 =	vsel vm2, $0x28D, v2;
	v3 =	vsel vm4, $0x20B, v3  }
0x4c: {  	v20 =	vsel vm1, $0x30E, v2;
	v2 =	vsel vm3, $0x28C, v3;
	v3 =	vsel vm11, $0x704, v19  }
0x4d: {  	[tilespmem:$0x1FD50] =	vst v0;
	v0 =	vsel vm2, $0x30D, v2;
	v1 =	vsel vm10, $0x785, v3  }
0x4e: {  	v57 =	vsel vm1, $0x38E, v0;
	v0 =	vsel vm9, $0x6, v1  }
0x4f: {  	v1 =	vimm.s32 $0x50F;
	v0 =	vsel vm8, $0x87, v0  }
0x50: {  	v1 =	vsel vm15, $0x580, v1;
	v0 =	vsel vm7, $0x108, v0  }
0x51: {  	v2 =	vimm.s32 $0x58F;
	v1 =	vsel vm14, $0x601, v1;
	v0 =	vsel vm6, $0x189, v0  }
0x52: {  	v2 =	vsel vm15, $0x600, v2;
	v1 =	vsel vm13, $0x682, v1;
	v0 =	vsel vm5, $0x20A, v0  }
0x53: {  	v2 =	vsel vm14, $0x681, v2;
	v1 =	vsel vm12, $0x703, v1;
	v0 =	vsel vm4, $0x28B, v0  }
0x54: {  	v2 =	vsel vm13, $0x702, v2;
	v1 =	vsel vm11, $0x784, v1;
	v0 =	vsel vm3, $0x30C, v0  }
0x55: {  	v2 =	vsel vm12, $0x783, v2;
	v1 =	vsel vm10, $0x5, v1;
	v0 =	vsel vm2, $0x38D, v0  }
0x56: {  	v2 =	vsel vm11, $0x4, v2;
	v1 =	vsel vm9, $0x86, v1;
	v0 =	vsel vm1, $0x40E, v0  }
0x57: {  	[tilespmem:$0x1FD60] =	vst v0;
	v0 =	vsel vm8, $0x107, v1;
	v1 =	vsel vm10, $0x85, v2  }
0x58: {  	v7 =	vsel vm0, v34, v33;
	v0 =	vsel vm7, $0x188, v0;
	v1 =	vsel vm9, $0x106, v1  }
0x59: {  	v2 =	vimm.s32 $0x60F;
	v0 =	vsel vm6, $0x209, v0;
	v1 =	vsel vm8, $0x187, v1  }
0x5a: {  	v2 =	vsel vm15, $0x680, v2;
	v0 =	vsel vm5, $0x28A, v0;
	v1 =	vsel vm7, $0x208, v1  }
0x5b: {  	v2 =	vsel vm14, $0x701, v2;
	v0 =	vsel vm4, $0x30B, v0;
	v1 =	vsel vm6, $0x289, v1  }
0x5c: {  	v2 =	vsel vm13, $0x782, v2;
	v0 =	vsel vm3, $0x38C, v0;
	v1 =	vsel vm5, $0x30A, v1  }
0x5d: {  	v2 =	vsel vm12, $0x3, v2;
	v0 =	vsel vm2, $0x40D, v0;
	v1 =	vsel vm4, $0x38B, v1  }
0x5e: {  	v33 =	vsel vm1, $0x48E, v0;
	v0 =	vsel vm3, $0x40C, v1;
	v1 =	vsel vm11, $0x84, v2  }
0x5f: {  	v37 =	vcombine.low v25, v26;
	v0 =	vsel vm2, $0x48D, v0;
	v1 =	vsel vm10, $0x105, v1  }
0x60: {  	v26 =	vsel vm1, $0x50E, v0;
	v0 =	vsel vm9, $0x186, v1;
	v1 =	vimm.s32 $0x68F  }
0x61: {  	v0 =	vsel vm8, $0x207, v0;
	v1 =	vsel vm15, $0x700, v1  }
0x62: {  	v2 =	vimm.s32 $0x70F;
	v0 =	vsel vm7, $0x288, v0;
	v1 =	vsel vm14, $0x781, v1  }
0x63: {  	v2 =	vsel vm15, $0x780, v2;
	v0 =	vsel vm6, $0x309, v0;
	v1 =	vsel vm13, $0x2, v1  }
0x64: {  	v2 =	vsel vm14, $0x1, v2;
	v0 =	vsel vm5, $0x38A, v0;
	v1 =	vsel vm12, $0x83, v1  }
0x65: {  	v2 =	vsel vm13, $0x82, v2;
	v0 =	vsel vm4, $0x40B, v0;
	v1 =	vsel vm11, $0x104, v1  }
0x66: {  	v2 =	vsel vm12, $0x103, v2;
	v0 =	vsel vm3, $0x48C, v0;
	v1 =	vsel vm10, $0x185, v1  }
0x67: {  	v2 =	vsel vm11, $0x184, v2;
	v0 =	vsel vm2, $0x50D, v0;
	v1 =	vsel vm9, $0x206, v1  }
0x68: {  	v52 =	vsel vm1, $0x58E, v0;
	v0 =	vsel vm8, $0x287, v1;
	v1 =	vsel vm10, $0x205, v2  }
0x69: {  	v0 =	vsel vm7, $0x308, v0;
	v1 =	vsel vm9, $0x286, v1  }
0x6a: {  	v0 =	vsel vm6, $0x389, v0;
	v1 =	vsel vm8, $0x307, v1  }
0x6b: {  	v0 =	vsel vm5, $0x40A, v0;
	v1 =	vsel vm7, $0x388, v1  }
0x6c: {  	v0 =	vsel vm4, $0x48B, v0;
	v1 =	vsel vm6, $0x409, v1  }
0x6d: {  	v21 =	vsel vm0, v30, v14;
	v0 =	vsel vm3, $0x50C, v0;
	v1 =	vsel vm5, $0x48A, v1  }
0x6e: {  	v2 =	vimm.s32 $0x80F;
	v0 =	vsel vm2, $0x58D, v0;
	v1 =	vsel vm4, $0x50B, v1  }
0x6f: {  	v2 =	vsel vm15, $0x880, v2;
	v18 =	vsel vm1, $0x60E, v0;
	v0 =	vsel vm3, $0x58C, v1  }
0x70: {  	v29 =	vsel vm0, v14, v13;
	v2 =	vsel vm14, $0x901, v2;
	v0 =	vsel vm2, $0x60D, v0  }
0x71: {  	v2 =	vsel vm13, $0x982, v2;
	v14 =	vsel vm1, $0x68E, v0;
	v0 =	vimm.s32 $0x7B5A3918  }
0x72: {  	v2 =	vsel vm12, $0xA03, v2;
	v0 =	vunpack.c.0.s8.s32 v0  }
0x73: {  	v1 =	vsel vm11, $0xA84, v2  }
0x74: {  	v1 =	vsel vm10, $0xB05, v1;
	[tilespmem:$0x1FD70] =	vst v0;
	v0 =	vimm.s32 $0x7F5E3D1C  }
0x75: {  	v1 =	vsel vm9, $0xB86, v1;
	v0 =	vunpack.c.0.s8.s32 v0  }
0x76: {  	v1 =	vsel vm8, $0xC07, v1  }
0x77: {  	[tilespmem:$0x1FD80] =	vst v0;
	v0 =	vsel vm7, $0xC88, v1;
	v1 =	vimm.s32 $0x88F  }
0x78: {  	v0 =	vsel vm6, $0xD09, v0;
	v1 =	vsel vm15, $0x900, v1  }
0x79: {  	v0 =	vsel vm5, $0xD8A, v0;
	v1 =	vsel vm14, $0x981, v1  }
0x7a: {  	v0 =	vsel vm4, $0xE0B, v0;
	v1 =	vsel vm13, $0xA02, v1  }
0x7b: {  	v0 =	vsel vm3, $0xE8C, v0;
	v1 =	vsel vm12, $0xA83, v1  }
0x7c: {  	v0 =	vsel vm2, $0xF0D, v0;
	v1 =	vsel vm11, $0xB04, v1  }
0x7d: {  	v10 =	vsel vm1, $0xF8E, v0;
	v0 =	vsel vm10, $0xB85, v1  }
0x7e: {  	v2 =	vimm.s32 $0x73523110;
	v0 =	vsel vm9, $0xC06, v0  }
0x7f: {  	v2 =	vunpack.c.0.s8.s32 v2;
	v0 =	vsel vm8, $0xC87, v0  }
0x80: {  	v0 =	vsel vm7, $0xD08, v0  }
0x81: {  	[tilespmem:$0x1FD90] =	vst v2;
	v2 =	vimm.s32 $0x77563514;
	v0 =	vsel vm6, $0xD89, v0  }
0x82: {  	v2 =	vunpack.c.0.s8.s32 v2;
	v0 =	vsel vm5, $0xE0A, v0  }
0x83: {  	v0 =	vsel vm4, $0xE8B, v0  }
0x84: {  	[tilespmem:$0x1FDA0] =	vst v2;
	v2 =	vimm.s32 $0x90F;
	v0 =	vsel vm3, $0xF0C, v0  }
0x85: {  	v1 =	vsel vm15, $0x980, v2;
	v0 =	vsel vm2, $0xF8D, v0  }
0x86: {  	v1 =	vsel vm14, $0xA01, v1;
	v25 =	vsel vm1, $0x80E, v0;
	v0 =	vimm.s32 $0x7D5C3B1A  }
0x87: {  	v1 =	vsel vm13, $0xA82, v1;
	v0 =	vunpack.c.0.s8.s32 v0  }
0x88: {  	v1 =	vsel vm12, $0xB03, v1  }
0x89: {  	v1 =	vsel vm11, $0xB84, v1;
	[tilespmem:$0x1FDF0] =	vst v0;
	v0 =	vimm.s32 $0x71503F1E  }
0x8a: {  	v1 =	vsel vm10, $0xC05, v1;
	v0 =	vunpack.c.0.s8.s32 v0  }
0x8b: {  	v1 =	vsel vm9, $0xC86, v1  }
0x8c: {  	v1 =	vsel vm8, $0xD07, v1;
	[tilespmem:$0x1FE00] =	vst v0;
	v0 =	vimm.s32 $0x75543312  }
0x8d: {  	v1 =	vsel vm7, $0xD88, v1;
	v0 =	vunpack.c.0.s8.s32 v0  }
0x8e: {  	v1 =	vsel vm6, $0xE09, v1  }
0x8f: {  	v1 =	vsel vm5, $0xE8A, v1;
	[tilespmem:$0x1FE10] =	vst v0;
	v0 =	vimm.s32 $0x79583716  }
0x90: {  	v1 =	vsel vm4, $0xF0B, v1;
	v0 =	vunpack.c.0.s8.s32 v0  }
0x91: {  	v2 =	vimm.s32 $0x7C5B3A19;
	v1 =	vsel vm3, $0xF8C, v1  }
0x92: {  	v2 =	vunpack.c.0.s8.s32 v2;
	[tilespmem:$0x1FE20] =	vst v0;
	v0 =	vsel vm2, $0x80D, v1;
	v1 =	vimm.s32 $0x7E5D3C1B  }
0x93: {  	v3 =	vsel vm1, $0x88E, v0;
	v0 =	vunpack.c.0.s8.s32 v1  }
0x94: {  	[tilespmem:$0x1FDB0] =	vst v2;
	v2 =	vimm.s32 $0x705F3E1D  }
0x95: {  	v2 =	vunpack.c.0.s8.s32 v2;
	[tilespmem:$0x1FE30] =	vst v0;
	v0 =	vimm.s32 $0x7251301F  }
0x96: {  	v0 =	vunpack.c.0.s8.s32 v0  }
0x97: {  	v44 =	vcombine.low v21, v17;
	[tilespmem:$0x1FDC0] =	vst v2;
	v2 =	vimm.s32 $0x74533211  }
0x98: {  	v54 =	vcombine.low v17, v21;
	v2 =	vunpack.c.0.s8.s32 v2;
	[tilespmem:$0x1FE40] =	vst v0;
	v0 =	vimm.s32 $0x76553413  }
0x99: {  	v6 =	vcombine.low v5, v16;
	v22 =	vsel vm0, v24, v35;
	v0 =	vunpack.c.0.s8.s32 v0  }
0x9a: {  	v43 =	vcombine.low v8, v31;
	v49 =	vcombine.low v31, v8;
	[tilespmem:$0x1FDD0] =	vst v2;
	v1 =	vimm.s32 $0x7A593817  }
0x9b: {  	v15 =	vcombine.low v28, v27;
	v2 =	vimm.s32 $0x78573615;
	[tilespmem:$0x1FE50] =	vst v0;
	v0 =	vunpack.c.0.s8.s32 v1  }
0x9c: {  	v32 =	vcombine.low v27, v28;
	v51 =	vcombine.low v9, v29;
	v2 =	vunpack.c.0.s8.s32 v2  }
0x9d: {  	v29 =	vcombine.low v29, v9;
	v9 =	vcombine.low v22, v7;
	[tilespmem:$0x1FE60] =	vst v0;
	v0 =	vimm.s32 $0x98F  }
0x9e: {  	[tilespmem:$0x1FDE0] =	vst v2;
	v2 =	vimm.s32 $0xA8F;
	v1 =	vimm.s32 $0xA0F;
	v0 =	vsel vm15, $0xA00, v0  }
0x9f: {  	v2 =	vsel vm15, $0xB00, v2;
	v1 =	vsel vm15, $0xA80, v1;
	v0 =	vsel vm14, $0xA81, v0  }
0xa0: {  	v2 =	vsel vm14, $0xB81, v2;
	v1 =	vsel vm14, $0xB01, v1;
	v0 =	vsel vm13, $0xB02, v0  }
0xa1: {  	v2 =	vsel vm13, $0xC02, v2;
	v1 =	vsel vm13, $0xB82, v1;
	v0 =	vsel vm12, $0xB83, v0  }
0xa2: {  	v2 =	vsel vm12, $0xC83, v2;
	v1 =	vsel vm12, $0xC03, v1;
	v0 =	vsel vm11, $0xC04, v0  }
0xa3: {  	v2 =	vsel vm11, $0xD04, v2;
	v1 =	vsel vm11, $0xC84, v1;
	v0 =	vsel vm10, $0xC85, v0  }
0xa4: {  	v2 =	vsel vm10, $0xD85, v2;
	v1 =	vsel vm10, $0xD05, v1;
	v0 =	vsel vm9, $0xD06, v0  }
0xa5: {  	v2 =	vsel vm9, $0xE06, v2;
	v1 =	vsel vm9, $0xD86, v1;
	v0 =	vsel vm8, $0xD87, v0  }
0xa6: {  	v2 =	vsel vm8, $0xE87, v2;
	v1 =	vsel vm8, $0xE07, v1;
	v0 =	vsel vm7, $0xE08, v0  }
0xa7: {  	v2 =	vsel vm7, $0xF08, v2;
	v1 =	vsel vm7, $0xE88, v1;
	v0 =	vsel vm6, $0xE89, v0  }
0xa8: {  	v2 =	vsel vm6, $0xF89, v2;
	v1 =	vsel vm6, $0xF09, v1;
	v0 =	vsel vm5, $0xF0A, v0  }
0xa9: {  	v2 =	vsel vm5, $0x80A, v2;
	v1 =	vsel vm5, $0xF8A, v1;
	v0 =	vsel vm4, $0xF8B, v0  }
0xaa: {  	v2 =	vsel vm4, $0x88B, v2;
	v1 =	vsel vm4, $0x80B, v1;
	v0 =	vsel vm3, $0x80C, v0  }
0xab: {  	v2 =	vsel vm3, $0x90C, v2;
	v1 =	vsel vm3, $0x88C, v1;
	v0 =	vsel vm2, $0x88D, v0  }
0xac: {  	v31 =	vsel vm1, $0x90E, v0;
	v0 =	vsel vm2, $0x90D, v1;
	v1 =	vsel vm2, $0x98D, v2  }
0xad: {  	v2 =	vimm.s32 $0xC0F;
	v56 =	vsel vm1, $0x98E, v0;
	v0 =	vimm.s32 $0xB0F  }
0xae: {  	v48 =	vsel vm1, $0xA0E, v1;
	v1 =	vimm.s32 $0xB8F;
	v0 =	vsel vm15, $0xB80, v0  }
0xaf: {  	v2 =	vsel vm15, $0xC80, v2;
	v1 =	vsel vm15, $0xC00, v1;
	v0 =	vsel vm14, $0xC01, v0  }
0xb0: {  	v2 =	vsel vm14, $0xD01, v2;
	v1 =	vsel vm14, $0xC81, v1;
	v0 =	vsel vm13, $0xC82, v0  }
0xb1: {  	v2 =	vsel vm13, $0xD82, v2;
	v1 =	vsel vm13, $0xD02, v1;
	v0 =	vsel vm12, $0xD03, v0  }
0xb2: {  	v2 =	vsel vm12, $0xE03, v2;
	v1 =	vsel vm12, $0xD83, v1;
	v0 =	vsel vm11, $0xD84, v0  }
0xb3: {  	v2 =	vsel vm11, $0xE84, v2;
	v1 =	vsel vm11, $0xE04, v1;
	v0 =	vsel vm10, $0xE05, v0  }
0xb4: {  	v2 =	vsel vm10, $0xF05, v2;
	v1 =	vsel vm10, $0xE85, v1;
	v0 =	vsel vm9, $0xE86, v0  }
0xb5: {  	v2 =	vsel vm9, $0xF86, v2;
	v1 =	vsel vm9, $0xF06, v1;
	v0 =	vsel vm8, $0xF07, v0  }
0xb6: {  	v2 =	vsel vm8, $0x807, v2;
	v1 =	vsel vm8, $0xF87, v1;
	v0 =	vsel vm7, $0xF88, v0  }
0xb7: {  	v2 =	vsel vm7, $0x888, v2;
	v1 =	vsel vm7, $0x808, v1;
	v0 =	vsel vm6, $0x809, v0  }
0xb8: {  	v2 =	vsel vm6, $0x909, v2;
	v1 =	vsel vm6, $0x889, v1;
	v0 =	vsel vm5, $0x88A, v0  }
0xb9: {  	v2 =	vsel vm5, $0x98A, v2;
	v1 =	vsel vm5, $0x90A, v1;
	v0 =	vsel vm4, $0x90B, v0  }
0xba: {  	v2 =	vsel vm4, $0xA0B, v2;
	v1 =	vsel vm4, $0x98B, v1;
	v0 =	vsel vm3, $0x98C, v0  }
0xbb: {  	v2 =	vsel vm3, $0xA8C, v2;
	v1 =	vsel vm3, $0xA0C, v1;
	v0 =	vsel vm2, $0xA0D, v0  }
0xbc: {  	v42 =	vsel vm1, $0xA8E, v0;
	v0 =	vsel vm2, $0xA8D, v1;
	v1 =	vsel vm2, $0xB0D, v2  }
0xbd: {  	v2 =	vimm.s32 $0xD8F;
	v30 =	vsel vm1, $0xB0E, v0;
	v0 =	vimm.s32 $0xC8F  }
0xbe: {  	v62 =	vsel vm1, $0xB8E, v1;
	v1 =	vimm.s32 $0xD0F;
	v0 =	vsel vm15, $0xD00, v0  }
0xbf: {  	v2 =	vsel vm15, $0xE00, v2;
	v1 =	vsel vm15, $0xD80, v1;
	v0 =	vsel vm14, $0xD81, v0  }
0xc0: {  	v2 =	vsel vm14, $0xE81, v2;
	v1 =	vsel vm14, $0xE01, v1;
	v0 =	vsel vm13, $0xE02, v0  }
0xc1: {  	v2 =	vsel vm13, $0xF02, v2;
	v1 =	vsel vm13, $0xE82, v1;
	v0 =	vsel vm12, $0xE83, v0  }
0xc2: {  	v2 =	vsel vm12, $0xF83, v2;
	v1 =	vsel vm12, $0xF03, v1;
	v0 =	vsel vm11, $0xF04, v0  }
0xc3: {  	s0 =	rddreg [dreg:$0x0];
	v2 =	vsel vm11, $0x804, v2;
	v1 =	vsel vm11, $0xF84, v1;
	v0 =	vsel vm10, $0xF85, v0  }
0xc4: {  	s1 =	rddreg [dreg:$0x1];
	v2 =	vsel vm10, $0x885, v2;
	v1 =	vsel vm10, $0x805, v1;
	v0 =	vsel vm9, $0x806, v0  }
0xc5: {  	s3 =	rddreg [dreg:$0x2];
	s5 =	simm.s32 $0x0;
	v2 =	vsel vm9, $0x906, v2;
	v1 =	vsel vm9, $0x886, v1;
	v0 =	vsel vm8, $0x887, v0  }
0xc6: {  	[smem:$0x7FF] =	sst s5;
	v2 =	vsel vm8, $0x987, v2;
	v1 =	vsel vm8, $0x907, v1;
	v0 =	vsel vm7, $0x908, v0  }
0xc7: {  	s2 =	rddreg [dreg:$0x3];
	_ =	strace $0x80000047;
	[tilespmem:$0x1FE70] =	vst v7;
	v2 =	vsel vm7, $0xA08, v2;
	v1 =	vsel vm7, $0x988, v1;
	v0 =	vsel vm6, $0x989, v0  }
0xc8: {  	[tilespmem:$0x1FE80] =	vst v22;
	v2 =	vsel vm6, $0xA89, v2;
	v1 =	vsel vm6, $0xA09, v1;
	v0 =	vsel vm5, $0xA0A, v0  }
0xc9: {  	[tilespmem:$0x1FE90] =	vst v14;
	v2 =	vsel vm5, $0xB0A, v2;
	v1 =	vsel vm5, $0xA8A, v1;
	v0 =	vsel vm4, $0xA8B, v0  }
0xca: {  	[tilespmem:$0x1FEA0] =	vst v49;
	v2 =	vsel vm4, $0xB8B, v2;
	v1 =	vsel vm4, $0xB0B, v1;
	v0 =	vsel vm3, $0xB0C, v0  }
0xcb: {  	[tilespmem:$0x1FEB0] =	vst v18;
	v2 =	vsel vm3, $0xC0C, v2;
	v1 =	vsel vm3, $0xB8C, v1;
	v0 =	vsel vm2, $0xB8D, v0  }
0xcc: {  	[tilespmem:$0x1FEC0] =	vst v36;
	v40 =	vsel vm1, $0xC0E, v0;
	v0 =	vsel vm2, $0xC0D, v1;
	v1 =	vsel vm2, $0xC8D, v2  }
0xcd: {  	[tilespmem:$0x1FED0] =	vst v46;
	v2 =	vimm.s32 $0xF0F;
	v21 =	vsel vm1, $0xC8E, v0;
	v0 =	vimm.s32 $0xE0F  }
0xce: {  	[tilespmem:$0x1FEE0] =	vst v6;
	v27 =	vsel vm1, $0xD0E, v1;
	v1 =	vimm.s32 $0xE8F;
	v0 =	vsel vm15, $0xE80, v0  }
0xcf: {  	[tilespmem:$0x1FEF0] =	vst v50;
	v2 =	vsel vm15, $0xF80, v2;
	v1 =	vsel vm15, $0xF00, v1;
	v0 =	vsel vm14, $0xF01, v0  }
0xd0: {  	[tilespmem:$0x1FF00] =	vst v9;
	v2 =	vsel vm14, $0x801, v2;
	v1 =	vsel vm14, $0xF81, v1;
	v0 =	vsel vm13, $0xF82, v0  }
0xd1: {  	[tilespmem:$0x1FF10] =	vst v12;
	v2 =	vsel vm13, $0x882, v2;
	v1 =	vsel vm13, $0x802, v1;
	v0 =	vsel vm12, $0x803, v0  }
0xd2: {  	[tilespmem:$0x1FF20] =	vst v41;
	v2 =	vsel vm12, $0x903, v2;
	v1 =	vsel vm12, $0x883, v1;
	v0 =	vsel vm11, $0x884, v0  }
0xd3: {  	[tilespmem:$0x1FF30] =	vst v44;
	v2 =	vsel vm11, $0x984, v2;
	v1 =	vsel vm11, $0x904, v1;
	v0 =	vsel vm10, $0x905, v0  }
0xd4: {  	[tilespmem:$0x1FF50] =	vst v32;
	v2 =	vsel vm10, $0xA05, v2;
	v1 =	vsel vm10, $0x985, v1;
	v0 =	vsel vm9, $0x986, v0  }
0xd5: {  	s6 =	srdreg.scid;
	s15 =	simm.s32 $0x7A1400;
	[tilespmem:$0x1FF70] =	vst v43;
	v2 =	vsel vm9, $0xA86, v2;
	v1 =	vsel vm9, $0xA06, v1;
	v0 =	vsel vm8, $0xA07, v0  }
0xd6: {  	s4 =	stileid.u32;
	s13 =	simm.s32 $0x400;
	s16 =	simm.s32 $0x1000;
	[tilespmem:$0x1FF80] =	vst v39;
	v2 =	vsel vm8, $0xB07, v2;
	v1 =	vsel vm8, $0xA87, v1;
	v0 =	vsel vm7, $0xA88, v0  }
0xd7: {  	s17 =	simm.s32 $0x1;
	s18 =	simm.s32 $0x2000;
	s19 =	simm.s32 $0x2;
	[tilespmem:$0x1FFF0] =	vst v42;
	v2 =	vsel vm7, $0xB88, v2;
	v1 =	vsel vm7, $0xB08, v1;
	v0 =	vsel vm6, $0xB09, v0  }
0xd8: {  	s20 =	simm.s32 $0x3000;
	s22 =	simm.s32 $0x4;
	s23 =	simm.s32 $0x4000;
	[tilespmem:$0x1FFC0] =	vst v62;
	v2 =	vsel vm6, $0xC09, v2;
	v1 =	vsel vm6, $0xB89, v1;
	v0 =	vsel vm5, $0xB8A, v0  }
0xd9: {  	s24 =	simm.s32 $0x0;
	s6 =	sand.u32 $0x1, s6;
	s8 =	sshll.u32 s4, $0x1;
	[tilespmem:$0x1FFE0] =	vst v30;
	v2 =	vsel vm5, $0xC8A, v2;
	v1 =	vsel vm5, $0xC0A, v1;
	v0 =	vsel vm4, $0xC0B, v0  }
0xda: {  	s12 =	sadd.s32 $0x3D0800, s3;
	s7 =	ssub.s32 $0x2, s6;
	s21 =	sor.u32 s6, s8;
	[tilespmem:$0x1FFD0] =	vst v40;
	v2 =	vsel vm4, $0xD0B, v2;
	v1 =	vsel vm4, $0xC8B, v1;
	v0 =	vsel vm3, $0xC8C, v0  }
.Ltmp0:
0xdb: {  	s9 =	sshrl.u32 s7, $0x1;
	s6 =	ssub.s32 $0x1EA3, s21;
	[tilespmem:$0x1FFA0] =	vst v27;
	v2 =	vsel vm3, $0xD8C, v2;
	v1 =	vsel vm3, $0xD0C, v1;
	v0 =	vsel vm2, $0xD0D, v0;
	(pc) =	sbr.rel .LBB2_1-.Ltmp0, $4  }
0xdc: {  	s31 =	sshll.u32 s21, $0x7;
	s8 =	sshll.u32 s21, $0xA;
	s10 =	sshll.u32 s21, $0xC;
	[tilespmem:$0x1FFB0] =	vst v21;
	v23 =	vsel vm1, $0xD8E, v0;
	v0 =	vsel vm2, $0xD8D, v1;
	v1 =	vsel vm2, $0xE0D, v2  }
0xdd: {  	p0 =	sne.s32 s21, $0x1F;
	s21 =	simm.s32 $0x3;
	s6 =	sshrl.u32 s6, $0x5;
	v28 =	vsel vm1, $0xE8E, v1;
	[tilespmem:$0x1FF90] =	vst v23  }
0xde: {  	s14 =	ssub.s32 s7, s9;
	s7 =	sadd.s32 s0, s31;
	s11 =	sadd.s32 $0x1, s6;
	v45 =	vsel vm1, $0xE0E, v0;
	[tilespmem:$0x1FF40] =	vst v28  }
0xdf: {  	s9 =	sadd.s32 $0x1000, s7;
	s14 =	smax.u32 s14, $0x1;
	s11 =	sshrl.u32 s11, $0x1;
	v34 =	vcombine.low v16, v5;
	v22 =	vmovc v3;
	v7 =	vmov v6;
	v2 =	vmov v36;
	[tilespmem:$0x1FF60] =	vst v45  }
.LBB2_15:
0xe0: {  	s24 =	sadd.s32 $0x1, s24  }
0xe1: {  	p1 =	sne.s32 s24, s14  }
.Ltmp1:
0xe2: {  	_ = 	snop;
	(pc) =	sbr.rel @!p1 .LBB2_16-.Ltmp1, $1  }
0xe3: {  	_ =	sdelay $0x3  }
.LBB2_1:
.Ltmp2:
0xe4: {  	(pc) =	sbr.rel .LBB2_2-.Ltmp2, $4  }
0xe5: {  	_ = 	snop  }
0xe6: {  	[tilespmem:s5], [sflag:$0x1] =	stream.strided.gather [hbm4b:s7+s13], $0x1000, s15, s13, $0x38;
	[tilespmem:$0x5000] =	vst v63  }
0xe7: {  	s25 =	simm.s32 $0x0  }
0xe8: {  	[tilespmem:s16], [sflag:$0x2] =	stream.strided.gather [hbm4b:s9+s13], $0x1000, s15, s13, $0x38;
	[tilespmem:$0x5000] =	vst v63  }
.LBB2_10:
0xe9: {  	s25 =	sadd.s32 $0x1, s25  }
0xea: {  	p1 =	sne.s32 s25, s11  }
.Ltmp3:
0xeb: {  	_ = 	snop;
	(pc) =	sbr.rel @!p1 .LBB2_11-.Ltmp3, $1  }
0xec: {  	_ =	sdelay $0x3  }
.LBB2_2:
0xed: {  	s26 =	sshll.u32 s25, $0x1  }
0xee: {  	p2 =	sge.u32 s26, s6  }
.Ltmp4:
0xef: {  	_ = 	snop;
	(pc) =	sbr.rel @p2 .LBB2_6-.Ltmp4, $2  }
0xf0: {  	_ =	sdelay $0x2  }
0xf1: {  	p1 =	seq.s32 s25, $0x0  }
0xf2: {  	_ =	swait.ge [sflag:s17], $0x1000  }
0xf3: {  	[sflag:s17] =	ssyncset.done $0x0  }
0xf4: {  	s29 =	simm.s32 @!p1 $0x3;
	[sflag:s17] =	ssyncadd.s32 $0xFFFFF000  }
0xf5: {  	s28 =	simm.s32 $0x0;
	_ =	swait.ge @!p1 [sflag:s29], $0x1000  }
0xf6: {  	v5 =	vmov v39;
	v1 =	vor.u32 s28, v39;
	v39 =	vld [tilespmem:$0x1FD10]  }
0xf7: {  	v0 =	vmov s28;
	v8 =	vld [tilespmem:$0x1FD20]  }
0xf8: {  	v0 =	vshll.u32 v0, $0x5  }
0xf9: {  	v0 =	vor.u32 v2, v0;
	[sflag:s29] =	ssyncset.done @!p1 $0x0  }
0xfa: {  	v0 =	vand.u32 $0xF80, v0;
	[sflag:s29] =	ssyncadd.s32 @!p1 $0xFFFFF000  }
0xfb: {  	v6 =	vmov v2;
	v1 =	vld.idx.msk [tilespmem:v1+s5+$0x0], $0xffff;
	v2 =	vor.u32 v39, v0  }
0xfc: {  	v3 =	vor.u32 s28, v8;
	_ =	sdelay $0x3  }
0xfd: {  	[tilespmem:v2+s18+$0x0] =	vst.idx.msk $0xffff, v1  }
0xfe: {  	v2 =	vor.u32 v44, v0;
	v1 =	vld.idx.msk [tilespmem:v3+s5+$0x0], $0xffff  }
0xff: {  	v3 =	vor.u32 s28, v46;
	_ =	sdelay $0x3  }
0x100: {  	[tilespmem:v2+s18+$0x0] =	vst.idx.msk $0xffff, v1  }
0x101: {  	v2 =	vor.u32 v7, v0;
	v1 =	vld.idx.msk [tilespmem:v3+s5+$0x0], $0xffff  }
0x102: {  	v35 =	vld [tilespmem:$0x1FD30];
	v3 =	vor.u32 s28, v50;
	_ =	sdelay $0x3  }
0x103: {  	[tilespmem:v2+s18+$0x0] =	vst.idx.msk $0xffff, v1  }
0x104: {  	v2 =	vor.u32 v35, v0;
	v1 =	vld.idx.msk [tilespmem:v3+s5+$0x0], $0xffff  }
0x105: {  	v3 =	vor.u32 s28, v41;
	_ =	sdelay $0x3  }
0x106: {  	[tilespmem:v2+s18+$0x0] =	vst.idx.msk $0xffff, v1  }
0x107: {  	v2 =	vor.u32 v15, v0;
	v1 =	vld.idx.msk [tilespmem:v3+s5+$0x0], $0xffff  }
0x108: {  	v3 =	vor.u32 s28, v11  }
0x109: {  	v13 =	vld [tilespmem:$0x1FD40];
	_ =	sdelay $0x2  }
0x10a: {  	[tilespmem:v2+s18+$0x0] =	vst.idx.msk $0xffff, v1  }
0x10b: {  	v2 =	vor.u32 v51, v0;
	v1 =	vld.idx.msk [tilespmem:v3+s5+$0x0], $0xffff  }
0x10c: {  	v3 =	vor.u32 s28, v13;
	_ =	sdelay $0x3  }
0x10d: {  	[tilespmem:v2+s18+$0x0] =	vst.idx.msk $0xffff, v1  }
0x10e: {  	v2 =	vor.u32 v43, v0;
	v1 =	vld.idx.msk [tilespmem:v3+s5+$0x0], $0xffff  }
0x10f: {  	v3 =	vor.u32 s28, v12;
	_ =	sdelay $0x3  }
0x110: {  	[tilespmem:v2+s18+$0x0] =	vst.idx.msk $0xffff, v1  }
0x111: {  	v2 =	vor.u32 v9, v0;
	v1 =	vld.idx.msk [tilespmem:v3+s5+$0x0], $0xffff  }
0x112: {  	v62 =	vld [tilespmem:$0x1FD50];
	v3 =	vor.u32 s28, v20;
	_ =	sdelay $0x3  }
0x113: {  	[tilespmem:v2+s18+$0x0] =	vst.idx.msk $0xffff, v1  }
0x114: {  	v2 =	vor.u32 v62, v0;
	v1 =	vld.idx.msk [tilespmem:v3+s5+$0x0], $0xffff  }
0x115: {  	v3 =	vor.u32 s28, v57;
	_ =	sdelay $0x3  }
0x116: {  	[tilespmem:v2+s18+$0x0] =	vst.idx.msk $0xffff, v1  }
0x117: {  	v1 =	vld.idx.msk [tilespmem:v3+s5+$0x0], $0xffff  }
0x118: {  	v3 =	vld [tilespmem:$0x1FD60];
	_ =	sdelay $0x3  }
0x119: {  	v2 =	vor.u32 v54, v0  }
0x11a: {  	v3 =	vor.u32 s28, v3;
	_ =	sdelay $0x3  }
0x11b: {  	[tilespmem:v2+s18+$0x0] =	vst.idx.msk $0xffff, v1  }
0x11c: {  	v2 =	vor.u32 v34, v0;
	v1 =	vld.idx.msk [tilespmem:v3+s5+$0x0], $0xffff  }
0x11d: {  	v3 =	vor.u32 s28, v33;
	_ =	sdelay $0x3  }
0x11e: {  	[tilespmem:v2+s18+$0x0] =	vst.idx.msk $0xffff, v1  }
0x11f: {  	v2 =	vor.u32 v37, v0;
	v1 =	vld.idx.msk [tilespmem:v3+s5+$0x0], $0xffff  }
0x120: {  	v3 =	vor.u32 s28, v26;
	_ =	sdelay $0x3  }
0x121: {  	[tilespmem:v2+s18+$0x0] =	vst.idx.msk $0xffff, v1  }
0x122: {  	v2 =	vor.u32 v32, v0;
	v1 =	vld.idx.msk [tilespmem:v3+s5+$0x0], $0xffff  }
0x123: {  	v3 =	vor.u32 s28, v52;
	_ =	sdelay $0x3  }
0x124: {  	[tilespmem:v2+s18+$0x0] =	vst.idx.msk $0xffff, v1  }
0x125: {  	v2 =	vor.u32 v29, v0;
	v1 =	vld.idx.msk [tilespmem:v3+s5+$0x0], $0xffff  }
0x126: {  	v3 =	vor.u32 s28, v18;
	_ =	sdelay $0x2  }
0x127: {  	v17 =	vld [tilespmem:$0x1FE70]  }
0x128: {  	v18 =	vld [tilespmem:$0x1FE80];
	[tilespmem:v2+s18+$0x0] =	vst.idx.msk $0xffff, v1  }
0x129: {  	v2 =	vor.u32 v49, v0;
	v1 =	vld.idx.msk [tilespmem:v3+s5+$0x0], $0xffff  }
0x12a: {  	v30 =	vld [tilespmem:$0x1FD80];
	v3 =	vor.u32 s28, v14  }
0x12b: {  	v41 =	vld [tilespmem:$0x1FDA0]  }
0x12c: {  	v16 =	vmov v12;
	v12 =	vmov v37;
	v37 =	vmov v20;
	v20 =	vld [tilespmem:$0x1FD70]  }
0x12d: {  	v32 =	vld [tilespmem:$0x1FD90];
	v4 =	vcombine.low v17, v18  }
0x12e: {  	[tilespmem:v2+s18+$0x0] =	vst.idx.msk $0xffff, v1  }
0x12f: {  	v2 =	vor.u32 v4, v0;
	v1 =	vld.idx.msk [tilespmem:v3+s5+$0x0], $0xffff;
	v3 =	vor.u32 $0x800, v5  }
0x130: {  	v40 =	vld [tilespmem:$0x1FDB0];
	[tilespmem:$0x1FCB0] =	vst v3;
	v3 =	vor.u32 s28, v3  }
0x131: {  	v61 =	vld [tilespmem:$0x1FDD0]  }
0x132: {  	v60 =	vmovc v12;
	v12 =	vmov v50;
	v50 =	vld [tilespmem:$0x1FDC0];
	v19 =	vsel vm0, v30, v20;
	v14 =	vsel vm0, v41, v32  }
0x133: {  	v59 =	vmov v7;
	[tilespmem:$0x1FCA0] =	vst v4;
	v7 =	vcombine.low v14, v19;
	v4 =	vld [tilespmem:$0x1FDE0]  }
0x134: {  	[tilespmem:v2+s18+$0x0] =	vst.idx.msk $0xffff, v1  }
0x135: {  	v58 =	vmov v11;
	v11 =	vmov v10;
	v2 =	vor.u32 v7, v0;
	v1 =	vld.idx.msk [tilespmem:v3+s5+$0x0], $0xffff  }
0x136: {  	v45 =	vld [tilespmem:$0x1FDF0];
	v3 =	vor.u32 s28, v11  }
0x137: {  	v21 =	vld [tilespmem:$0x1FE10]  }
0x138: {  	v27 =	vld [tilespmem:$0x1FE20];
	[tilespmem:$0x1FCC0] =	vst v14;
	v23 =	vmov v7;
	v5 =	vsel vm0, v4, v61;
	v7 =	vsel vm0, v50, v40  }
0x139: {  	v14 =	vld [tilespmem:$0x1FE00];
	[tilespmem:$0x1FCD0] =	vst v5;
	v5 =	vcombine.low v5, v7  }
0x13a: {  	[tilespmem:v2+s18+$0x0] =	vst.idx.msk $0xffff, v1  }
0x13b: {  	v49 =	vmov v25;
	v2 =	vor.u32 v5, v0;
	v1 =	vld.idx.msk [tilespmem:v3+s5+$0x0], $0xffff  }
0x13c: {  	v28 =	vld [tilespmem:$0x1FE50];
	v3 =	vor.u32 s28, v49  }
0x13d: {  	v44 =	vld [tilespmem:$0x1FE30]  }
0x13e: {  	v36 =	vmovc v22;
	v43 =	vld [tilespmem:$0x1FE60];
	v25 =	vmovc v57;
	v57 =	vsel vm0, v14, v45;
	v22 =	vmov v5;
	v5 =	vsel vm0, v27, v21  }
0x13f: {  	v55 =	vmov v31;
	v31 =	vmov v49;
	[tilespmem:$0x1FCE0] =	vst v5;
	v5 =	vcombine.low v5, v57;
	v49 =	vld [tilespmem:$0x1FE40]  }
0x140: {  	[tilespmem:v2+s18+$0x0] =	vst.idx.msk $0xffff, v1  }
0x141: {  	v2 =	vor.u32 v5, v0;
	v1 =	vld.idx.msk [tilespmem:v3+s5+$0x0], $0xffff  }
0x142: {  	v3 =	vor.u32 s28, v36;
	_ =	sdelay $0x1  }
0x143: {  	v47 =	vmovc v11;
	v11 =	vsel vm0, v43, v28;
	v38 =	vmov v5;
	v5 =	vsel vm0, v49, v44  }
0x144: {  	[tilespmem:$0x1FCF0] =	vst v5;
	v5 =	vcombine.low v11, v5  }
0x145: {  	[tilespmem:v2+s18+$0x0] =	vst.idx.msk $0xffff, v1  }
0x146: {  	v2 =	vor.u32 v5, v0;
	v1 =	vld.idx.msk [tilespmem:v3+s5+$0x0], $0xffff  }
0x147: {  	v3 =	vor.u32 s28, v55;
	_ =	sdelay $0x1  }
0x148: {  	[tilespmem:$0x1FD00] =	vst v11;
	v11 =	vsel vm0, v32, v30;
	v32 =	vsel vm0, v20, v41  }
0x149: {  	v17 =	vcombine.low v32, v11  }
0x14a: {  	[tilespmem:v2+s18+$0x0] =	vst.idx.msk $0xffff, v1  }
0x14b: {  	v2 =	vor.u32 v17, v0;
	v1 =	vld.idx.msk [tilespmem:v3+s5+$0x0], $0xffff  }
0x14c: {  	v3 =	vor.u32 s28, v56;
	_ =	sdelay $0x1  }
0x14d: {  	v20 =	vsel vm0, v61, v50;
	v50 =	vsel vm0, v40, v4  }
0x14e: {  	v40 =	vcombine.low v50, v20  }
0x14f: {  	[tilespmem:v2+s18+$0x0] =	vst.idx.msk $0xffff, v1  }
0x150: {  	v2 =	vor.u32 v40, v0;
	v1 =	vld.idx.msk [tilespmem:v3+s5+$0x0], $0xffff  }
0x151: {  	v3 =	vor.u32 s28, v48;
	_ =	sdelay $0x1  }
0x152: {  	v63 =	vmov v51;
	v51 =	vsel vm0, v45, v27;
	v14 =	vsel vm0, v21, v14  }
0x153: {  	v41 =	vcombine.low v51, v14  }
0x154: {  	[tilespmem:v2+s18+$0x0] =	vst.idx.msk $0xffff, v1  }
0x155: {  	v53 =	vmov v42;
	v2 =	vor.u32 v41, v0;
	v1 =	vld.idx.msk [tilespmem:v3+s5+$0x0], $0xffff  }
0x156: {  	v3 =	vor.u32 s28, v53;
	_ =	sdelay $0x3  }
0x157: {  	[tilespmem:v2+s18+$0x0] =	vst.idx.msk $0xffff, v1  }
0x158: {  	v1 =	vld.idx.msk [tilespmem:v3+s5+$0x0], $0xffff  }
0x159: {  	v3 =	vld [tilespmem:$0x1FFE0]  }
0x15a: {  	v27 =	vsel vm0, v44, v43;
	v21 =	vsel vm0, v28, v49  }
0x15b: {  	v43 =	vcombine.low v27, v21;
	_ =	sdelay $0x1  }
0x15c: {  	v2 =	vor.u32 v43, v0  }
0x15d: {  	v61 =	vmov v3;
	v3 =	vor.u32 s28, v3;
	_ =	sdelay $0x2  }
0x15e: {  	v4 =	vld [tilespmem:$0x1FCC0]  }
0x15f: {  	[tilespmem:v2+s18+$0x0] =	vst.idx.msk $0xffff, v1  }
0x160: {  	v1 =	vld.idx.msk [tilespmem:v3+s5+$0x0], $0xffff  }
0x161: {  	v3 =	vld [tilespmem:$0x1FFC0];
	_ =	sdelay $0x1  }
0x162: {  	v44 =	vcombine.low v19, v4;
	_ =	sdelay $0x1  }
0x163: {  	v2 =	vor.u32 v44, v0  }
0x164: {  	v19 =	vmov v3;
	v3 =	vor.u32 s28, v3;
	_ =	sdelay $0x2  }
0x165: {  	v4 =	vld [tilespmem:$0x1FCD0]  }
0x166: {  	[tilespmem:v2+s18+$0x0] =	vst.idx.msk $0xffff, v1  }
0x167: {  	v1 =	vld.idx.msk [tilespmem:v3+s5+$0x0], $0xffff  }
0x168: {  	v3 =	vld [tilespmem:$0x1FFD0];
	_ =	sdelay $0x1  }
0x169: {  	v28 =	vcombine.low v7, v4;
	_ =	sdelay $0x1  }
0x16a: {  	v2 =	vor.u32 v28, v0  }
0x16b: {  	v18 =	vmov v36;
	v36 =	vmov v3;
	v3 =	vor.u32 s28, v3;
	_ =	sdelay $0x2  }
0x16c: {  	v4 =	vld [tilespmem:$0x1FCE0]  }
0x16d: {  	[tilespmem:v2+s18+$0x0] =	vst.idx.msk $0xffff, v1  }
0x16e: {  	v1 =	vld.idx.msk [tilespmem:v3+s5+$0x0], $0xffff  }
0x16f: {  	v3 =	vld [tilespmem:$0x1FFB0];
	_ =	sdelay $0x1  }
0x170: {  	v57 =	vcombine.low v57, v4;
	_ =	sdelay $0x1  }
0x171: {  	v2 =	vor.u32 v57, v0  }
0x172: {  	v42 =	vmovc v5;
	v5 =	vmovc v39;
	v39 =	vmov v55;
	v55 =	vmov v3;
	v3 =	vor.u32 s28, v3;
	_ =	sdelay $0x1  }
0x173: {  	v7 =	vld [tilespmem:$0x1FD00]  }
0x174: {  	v4 =	vld [tilespmem:$0x1FCF0]  }
0x175: {  	[tilespmem:v2+s18+$0x0] =	vst.idx.msk $0xffff, v1  }
0x176: {  	v1 =	vld.idx.msk [tilespmem:v3+s5+$0x0], $0xffff  }
0x177: {  	v3 =	vld [tilespmem:$0x1FFA0];
	_ =	sdelay $0x1  }
0x178: {  	v10 =	vmov v46;
	v46 =	vmov v48;
	v48 =	vcombine.low v4, v7;
	_ =	sdelay $0x1  }
0x179: {  	v2 =	vor.u32 v48, v0  }
0x17a: {  	v30 =	vmov v3;
	v3 =	vor.u32 s28, v3;
	_ =	sdelay $0x3  }
0x17b: {  	[tilespmem:v2+s18+$0x0] =	vst.idx.msk $0xffff, v1  }
0x17c: {  	v1 =	vld.idx.msk [tilespmem:v3+s5+$0x0], $0xffff  }
0x17d: {  	v3 =	vld [tilespmem:$0x1FF90];
	_ =	sdelay $0x1  }
0x17e: {  	v49 =	vcombine.low v11, v32;
	_ =	sdelay $0x1  }
0x17f: {  	v2 =	vor.u32 v49, v0  }
0x180: {  	v11 =	vmov v3;
	v3 =	vor.u32 s28, v3;
	_ =	sdelay $0x3  }
0x181: {  	[tilespmem:v2+s18+$0x0] =	vst.idx.msk $0xffff, v1  }
0x182: {  	v1 =	vld.idx.msk [tilespmem:v3+s5+$0x0], $0xffff  }
0x183: {  	v3 =	vld [tilespmem:$0x1FF60]  }
0x184: {  	v50 =	vcombine.low v20, v50;
	_ =	sdelay $0x1  }
0x185: {  	v2 =	vor.u32 v50, v0;
	_ =	sdelay $0x1  }
0x186: {  	v45 =	vmov v3;
	v3 =	vor.u32 s28, v3;
	_ =	sdelay $0x2  }
0x187: {  	v51 =	vcombine.low v14, v51;
	[tilespmem:v2+s18+$0x0] =	vst.idx.msk $0xffff, v1;
	v1 =	vld [tilespmem:$0x1FF40];
	_ =	sdelay $0x1  }
0x188: {  	v2 =	vld.idx.msk [tilespmem:v3+s5+$0x0], $0xffff;
	v3 =	vor.u32 v51, v0;
	_ =	sdelay $0x2  }
0x189: {  	v7 =	vmov v1;
	v4 =	vor.u32 s28, v1;
	v1 =	vcombine.low v21, v27  }
0x18a: {  	v14 =	vld [tilespmem:$0x1FF20]  }
0x18b: {  	[tilespmem:v3+s18+$0x0] =	vst.idx.msk $0xffff, v2;
	v3 =	vor.u32 v1, v0;
	v0 =	vld [tilespmem:$0x1FF80]  }
0x18c: {  	v32 =	vld [tilespmem:$0x1FF50]  }
0x18d: {  	v24 =	vmov v60;
	v60 =	vmov v53;
	v53 =	vld [tilespmem:$0x1FF30]  }
0x18e: {  	v27 =	vld [tilespmem:$0x1FD60]  }
0x18f: {  	s28 =	simm.s32 $0x10;
	v21 =	vld [tilespmem:$0x1FF70]  }
0x190: {  	s29 =	simm.s32 $0x20;
	v2 =	vld.idx.msk [tilespmem:v4+s5+$0x0], $0xffff;
	v20 =	vmov v0;
	v0 =	vor.u32 s28, v0  }
.LBB2_4:
0x191: {  	_ =	sdelay $0x1  }
0x192: {  	v4 =	vmov s28  }
0x193: {  	v4 =	vshll.u32 v4, $0x5  }
0x194: {  	v4 =	vor.u32 v6, v4;
	[tilespmem:v3+s18+$0x0] =	vst.idx.msk $0xffff, v2  }
0x195: {  	v2 =	vld.idx.msk [tilespmem:v0+s5+$0x0], $0xffff;
	v0 =	vand.u32 $0xF80, v4  }
0x196: {  	v3 =	vor.u32 v5, v0  }
0x197: {  	v4 =	vor.u32 s28, v8;
	_ =	sdelay $0x3  }
0x198: {  	[tilespmem:v3+s18+$0x0] =	vst.idx.msk $0xffff, v2  }
0x199: {  	v3 =	vor.u32 v53, v0;
	v2 =	vld.idx.msk [tilespmem:v4+s5+$0x0], $0xffff  }
0x19a: {  	v4 =	vor.u32 s28, v10;
	_ =	sdelay $0x3  }
0x19b: {  	[tilespmem:v3+s18+$0x0] =	vst.idx.msk $0xffff, v2  }
0x19c: {  	v3 =	vor.u32 v59, v0;
	v2 =	vld.idx.msk [tilespmem:v4+s5+$0x0], $0xffff  }
0x19d: {  	v4 =	vor.u32 s28, v12;
	_ =	sdelay $0x3  }
0x19e: {  	[tilespmem:v3+s18+$0x0] =	vst.idx.msk $0xffff, v2  }
0x19f: {  	v3 =	vor.u32 v35, v0;
	v2 =	vld.idx.msk [tilespmem:v4+s5+$0x0], $0xffff  }
0x1a0: {  	v4 =	vor.u32 s28, v14;
	_ =	sdelay $0x3  }
0x1a1: {  	[tilespmem:v3+s18+$0x0] =	vst.idx.msk $0xffff, v2  }
0x1a2: {  	v3 =	vor.u32 v15, v0;
	v2 =	vld.idx.msk [tilespmem:v4+s5+$0x0], $0xffff  }
0x1a3: {  	v4 =	vor.u32 s28, v58;
	_ =	sdelay $0x3  }
0x1a4: {  	[tilespmem:v3+s18+$0x0] =	vst.idx.msk $0xffff, v2  }
0x1a5: {  	v3 =	vor.u32 v63, v0;
	v2 =	vld.idx.msk [tilespmem:v4+s5+$0x0], $0xffff  }
0x1a6: {  	v4 =	vor.u32 s28, v13;
	_ =	sdelay $0x3  }
0x1a7: {  	[tilespmem:v3+s18+$0x0] =	vst.idx.msk $0xffff, v2  }
0x1a8: {  	v3 =	vor.u32 v21, v0;
	v2 =	vld.idx.msk [tilespmem:v4+s5+$0x0], $0xffff  }
0x1a9: {  	v4 =	vor.u32 s28, v16;
	_ =	sdelay $0x3  }
0x1aa: {  	[tilespmem:v3+s18+$0x0] =	vst.idx.msk $0xffff, v2  }
0x1ab: {  	v3 =	vor.u32 v9, v0;
	v2 =	vld.idx.msk [tilespmem:v4+s5+$0x0], $0xffff  }
0x1ac: {  	v4 =	vor.u32 s28, v37;
	_ =	sdelay $0x3  }
0x1ad: {  	[tilespmem:v3+s18+$0x0] =	vst.idx.msk $0xffff, v2  }
0x1ae: {  	v3 =	vor.u32 v62, v0;
	v2 =	vld.idx.msk [tilespmem:v4+s5+$0x0], $0xffff  }
0x1af: {  	v4 =	vor.u32 s28, v25;
	_ =	sdelay $0x3  }
0x1b0: {  	[tilespmem:v3+s18+$0x0] =	vst.idx.msk $0xffff, v2  }
0x1b1: {  	v3 =	vor.u32 v54, v0;
	v2 =	vld.idx.msk [tilespmem:v4+s5+$0x0], $0xffff  }
0x1b2: {  	v4 =	vor.u32 s28, v27;
	_ =	sdelay $0x3  }
0x1b3: {  	[tilespmem:v3+s18+$0x0] =	vst.idx.msk $0xffff, v2  }
0x1b4: {  	v3 =	vor.u32 v34, v0;
	v2 =	vld.idx.msk [tilespmem:v4+s5+$0x0], $0xffff  }
0x1b5: {  	v4 =	vor.u32 s28, v33;
	_ =	sdelay $0x3  }
0x1b6: {  	[tilespmem:v3+s18+$0x0] =	vst.idx.msk $0xffff, v2  }
0x1b7: {  	v3 =	vor.u32 v24, v0;
	v2 =	vld.idx.msk [tilespmem:v4+s5+$0x0], $0xffff  }
0x1b8: {  	v4 =	vor.u32 s28, v26;
	_ =	sdelay $0x3  }
0x1b9: {  	[tilespmem:v3+s18+$0x0] =	vst.idx.msk $0xffff, v2  }
0x1ba: {  	v3 =	vor.u32 v32, v0;
	v2 =	vld.idx.msk [tilespmem:v4+s5+$0x0], $0xffff  }
0x1bb: {  	v4 =	vor.u32 s28, v52;
	_ =	sdelay $0x3  }
0x1bc: {  	[tilespmem:v3+s18+$0x0] =	vst.idx.msk $0xffff, v2  }
0x1bd: {  	v2 =	vld.idx.msk [tilespmem:v4+s5+$0x0], $0xffff  }
0x1be: {  	v4 =	vld [tilespmem:$0x1FEB0];
	_ =	sdelay $0x3  }
0x1bf: {  	v3 =	vor.u32 v29, v0  }
0x1c0: {  	v4 =	vor.u32 s28, v4;
	_ =	sdelay $0x3  }
0x1c1: {  	[tilespmem:v3+s18+$0x0] =	vst.idx.msk $0xffff, v2;
	v3 =	vld [tilespmem:$0x1FEA0]  }
0x1c2: {  	v2 =	vld.idx.msk [tilespmem:v4+s5+$0x0], $0xffff  }
0x1c3: {  	v4 =	vld [tilespmem:$0x1FE90];
	_ =	sdelay $0x3  }
0x1c4: {  	v3 =	vor.u32 v3, v0  }
0x1c5: {  	v4 =	vor.u32 s28, v4;
	_ =	sdelay $0x3  }
0x1c6: {  	[tilespmem:v3+s18+$0x0] =	vst.idx.msk $0xffff, v2;
	v3 =	vld [tilespmem:$0x1FCA0]  }
0x1c7: {  	v2 =	vld.idx.msk [tilespmem:v4+s5+$0x0], $0xffff  }
0x1c8: {  	v4 =	vld [tilespmem:$0x1FCB0];
	_ =	sdelay $0x3  }
0x1c9: {  	v3 =	vor.u32 v3, v0  }
0x1ca: {  	v4 =	vor.u32 s28, v4;
	_ =	sdelay $0x3  }
0x1cb: {  	[tilespmem:v3+s18+$0x0] =	vst.idx.msk $0xffff, v2  }
0x1cc: {  	v3 =	vor.u32 v23, v0;
	v2 =	vld.idx.msk [tilespmem:v4+s5+$0x0], $0xffff  }
0x1cd: {  	v4 =	vor.u32 s28, v47;
	_ =	sdelay $0x3  }
0x1ce: {  	[tilespmem:v3+s18+$0x0] =	vst.idx.msk $0xffff, v2  }
0x1cf: {  	v3 =	vor.u32 v22, v0;
	v2 =	vld.idx.msk [tilespmem:v4+s5+$0x0], $0xffff  }
0x1d0: {  	v4 =	vor.u32 s28, v31;
	_ =	sdelay $0x3  }
0x1d1: {  	[tilespmem:v3+s18+$0x0] =	vst.idx.msk $0xffff, v2  }
0x1d2: {  	v3 =	vor.u32 v38, v0;
	v2 =	vld.idx.msk [tilespmem:v4+s5+$0x0], $0xffff  }
0x1d3: {  	v4 =	vor.u32 s28, v18;
	_ =	sdelay $0x3  }
0x1d4: {  	[tilespmem:v3+s18+$0x0] =	vst.idx.msk $0xffff, v2  }
0x1d5: {  	v3 =	vor.u32 v42, v0;
	v2 =	vld.idx.msk [tilespmem:v4+s5+$0x0], $0xffff  }
0x1d6: {  	v4 =	vor.u32 s28, v39;
	_ =	sdelay $0x3  }
0x1d7: {  	[tilespmem:v3+s18+$0x0] =	vst.idx.msk $0xffff, v2  }
0x1d8: {  	v3 =	vor.u32 v17, v0;
	v2 =	vld.idx.msk [tilespmem:v4+s5+$0x0], $0xffff  }
0x1d9: {  	v4 =	vor.u32 s28, v56;
	_ =	sdelay $0x3  }
0x1da: {  	[tilespmem:v3+s18+$0x0] =	vst.idx.msk $0xffff, v2  }
0x1db: {  	v3 =	vor.u32 v40, v0;
	v2 =	vld.idx.msk [tilespmem:v4+s5+$0x0], $0xffff  }
0x1dc: {  	v4 =	vor.u32 s28, v46;
	_ =	sdelay $0x3  }
0x1dd: {  	[tilespmem:v3+s18+$0x0] =	vst.idx.msk $0xffff, v2  }
0x1de: {  	v3 =	vor.u32 v41, v0;
	v2 =	vld.idx.msk [tilespmem:v4+s5+$0x0], $0xffff  }
0x1df: {  	v4 =	vor.u32 s28, v60;
	_ =	sdelay $0x3  }
0x1e0: {  	[tilespmem:v3+s18+$0x0] =	vst.idx.msk $0xffff, v2  }
0x1e1: {  	v3 =	vor.u32 v43, v0;
	v2 =	vld.idx.msk [tilespmem:v4+s5+$0x0], $0xffff  }
0x1e2: {  	v4 =	vor.u32 s28, v61;
	_ =	sdelay $0x3  }
0x1e3: {  	[tilespmem:v3+s18+$0x0] =	vst.idx.msk $0xffff, v2  }
0x1e4: {  	v3 =	vor.u32 v44, v0;
	v2 =	vld.idx.msk [tilespmem:v4+s5+$0x0], $0xffff  }
0x1e5: {  	v4 =	vor.u32 s28, v19;
	_ =	sdelay $0x3  }
0x1e6: {  	[tilespmem:v3+s18+$0x0] =	vst.idx.msk $0xffff, v2  }
0x1e7: {  	v3 =	vor.u32 v28, v0;
	v2 =	vld.idx.msk [tilespmem:v4+s5+$0x0], $0xffff  }
0x1e8: {  	v4 =	vor.u32 s28, v36;
	_ =	sdelay $0x3  }
0x1e9: {  	[tilespmem:v3+s18+$0x0] =	vst.idx.msk $0xffff, v2  }
0x1ea: {  	v3 =	vor.u32 v57, v0;
	v2 =	vld.idx.msk [tilespmem:v4+s5+$0x0], $0xffff  }
0x1eb: {  	v4 =	vor.u32 s28, v55;
	_ =	sdelay $0x3  }
0x1ec: {  	[tilespmem:v3+s18+$0x0] =	vst.idx.msk $0xffff, v2  }
0x1ed: {  	v3 =	vor.u32 v48, v0;
	v2 =	vld.idx.msk [tilespmem:v4+s5+$0x0], $0xffff  }
0x1ee: {  	v4 =	vor.u32 s28, v30;
	_ =	sdelay $0x3  }
0x1ef: {  	[tilespmem:v3+s18+$0x0] =	vst.idx.msk $0xffff, v2  }
0x1f0: {  	v3 =	vor.u32 v49, v0;
	v2 =	vld.idx.msk [tilespmem:v4+s5+$0x0], $0xffff  }
0x1f1: {  	v4 =	vor.u32 s28, v11;
	_ =	sdelay $0x3  }
0x1f2: {  	[tilespmem:v3+s18+$0x0] =	vst.idx.msk $0xffff, v2  }
0x1f3: {  	v3 =	vor.u32 v50, v0;
	v2 =	vld.idx.msk [tilespmem:v4+s5+$0x0], $0xffff  }
0x1f4: {  	v4 =	vor.u32 s28, v45;
	_ =	sdelay $0x3  }
0x1f5: {  	[tilespmem:v3+s18+$0x0] =	vst.idx.msk $0xffff, v2  }
0x1f6: {  	v3 =	vor.u32 v51, v0;
	v2 =	vld.idx.msk [tilespmem:v4+s5+$0x0], $0xffff  }
0x1f7: {  	p2 =	sne.s32 s29, $0x70;
	v4 =	vor.u32 s28, v7  }
.Ltmp5:
0x1f8: {  	_ = 	snop;
	(pc) =	sbr.rel @p2 .LBB2_4-.Ltmp5, $3  }
0x1f9: {  	_ =	sdelay $0x1  }
0x1fa: {  	s28 =	smov.u32 s29;
	[tilespmem:v3+s18+$0x0] =	vst.idx.msk $0xffff, v2  }
0x1fb: {  	s29 =	sadd.s32 $0x10, s29;
	v3 =	vor.u32 v1, v0;
	v0 =	vor.u32 s28, v20;
	v2 =	vld.idx.msk [tilespmem:v4+s5+$0x0], $0xffff  }
0x1fc: {  	_ = 	snop  }
0x1fd: {  	v4 =	vmov s28  }
0x1fe: {  	v4 =	vshll.u32 v4, $0x5  }
0x1ff: {  	v4 =	vor.u32 v6, v4  }
0x200: {  	[tilespmem:v3+s18+$0x0] =	vst.idx.msk $0xffff, v2;
	v2 =	vand.u32 $0xF80, v4  }
0x201: {  	v0 =	vld.idx.msk [tilespmem:v0+s5+$0x0], $0xffff;
	v3 =	vor.u32 v5, v2  }
0x202: {  	v4 =	vor.u32 s28, v8;
	_ =	sdelay $0x3  }
0x203: {  	[tilespmem:v3+s18+$0x0] =	vst.idx.msk $0xffff, v0  }
0x204: {  	v3 =	vor.u32 v53, v2;
	v0 =	vld.idx.msk [tilespmem:v4+s5+$0x0], $0xffff  }
0x205: {  	v4 =	vor.u32 s28, v10;
	_ =	sdelay $0x3  }
0x206: {  	[tilespmem:v3+s18+$0x0] =	vst.idx.msk $0xffff, v0  }
0x207: {  	v3 =	vor.u32 v59, v2;
	v0 =	vld.idx.msk [tilespmem:v4+s5+$0x0], $0xffff  }
0x208: {  	v4 =	vor.u32 s28, v12;
	_ =	sdelay $0x3  }
0x209: {  	[tilespmem:v3+s18+$0x0] =	vst.idx.msk $0xffff, v0  }
0x20a: {  	v3 =	vor.u32 v35, v2;
	v0 =	vld.idx.msk [tilespmem:v4+s5+$0x0], $0xffff  }
0x20b: {  	v4 =	vor.u32 s28, v14;
	_ =	sdelay $0x3  }
0x20c: {  	[tilespmem:v3+s18+$0x0] =	vst.idx.msk $0xffff, v0  }
0x20d: {  	v3 =	vor.u32 v15, v2;
	v0 =	vld.idx.msk [tilespmem:v4+s5+$0x0], $0xffff  }
0x20e: {  	v4 =	vor.u32 s28, v58;
	_ =	sdelay $0x3  }
0x20f: {  	[tilespmem:v3+s18+$0x0] =	vst.idx.msk $0xffff, v0  }
0x210: {  	v3 =	vor.u32 v63, v2;
	v0 =	vld.idx.msk [tilespmem:v4+s5+$0x0], $0xffff  }
0x211: {  	v4 =	vor.u32 s28, v13;
	_ =	sdelay $0x3  }
0x212: {  	[tilespmem:v3+s18+$0x0] =	vst.idx.msk $0xffff, v0  }
0x213: {  	v3 =	vor.u32 v21, v2;
	v0 =	vld.idx.msk [tilespmem:v4+s5+$0x0], $0xffff  }
0x214: {  	v4 =	vor.u32 s28, v16;
	_ =	sdelay $0x3  }
0x215: {  	[tilespmem:v3+s18+$0x0] =	vst.idx.msk $0xffff, v0  }
0x216: {  	v3 =	vor.u32 v9, v2;
	v0 =	vld.idx.msk [tilespmem:v4+s5+$0x0], $0xffff  }
0x217: {  	v4 =	vor.u32 s28, v37;
	_ =	sdelay $0x3  }
0x218: {  	[tilespmem:v3+s18+$0x0] =	vst.idx.msk $0xffff, v0  }
0x219: {  	v3 =	vor.u32 v62, v2;
	v0 =	vld.idx.msk [tilespmem:v4+s5+$0x0], $0xffff  }
0x21a: {  	v4 =	vor.u32 s28, v25;
	_ =	sdelay $0x3  }
0x21b: {  	[tilespmem:v3+s18+$0x0] =	vst.idx.msk $0xffff, v0  }
0x21c: {  	v3 =	vor.u32 v54, v2;
	v0 =	vld.idx.msk [tilespmem:v4+s5+$0x0], $0xffff  }
0x21d: {  	v4 =	vor.u32 s28, v27;
	_ =	sdelay $0x3  }
0x21e: {  	[tilespmem:v3+s18+$0x0] =	vst.idx.msk $0xffff, v0  }
0x21f: {  	v3 =	vor.u32 v34, v2;
	v0 =	vld.idx.msk [tilespmem:v4+s5+$0x0], $0xffff  }
0x220: {  	v4 =	vor.u32 s28, v33;
	_ =	sdelay $0x3  }
0x221: {  	[tilespmem:v3+s18+$0x0] =	vst.idx.msk $0xffff, v0  }
0x222: {  	v3 =	vor.u32 v24, v2;
	v0 =	vld.idx.msk [tilespmem:v4+s5+$0x0], $0xffff  }
0x223: {  	v4 =	vor.u32 s28, v26;
	_ =	sdelay $0x3  }
0x224: {  	[tilespmem:v3+s18+$0x0] =	vst.idx.msk $0xffff, v0  }
0x225: {  	v3 =	vor.u32 v32, v2;
	v0 =	vld.idx.msk [tilespmem:v4+s5+$0x0], $0xffff  }
0x226: {  	v4 =	vor.u32 s28, v52  }
0x227: {  	v6 =	vld [tilespmem:$0x1FEB0];
	_ =	sdelay $0x2  }
0x228: {  	[tilespmem:v3+s18+$0x0] =	vst.idx.msk $0xffff, v0  }
0x229: {  	v3 =	vor.u32 v29, v2;
	v0 =	vld.idx.msk [tilespmem:v4+s5+$0x0], $0xffff  }
0x22a: {  	v5 =	vld [tilespmem:$0x1FEA0];
	v4 =	vor.u32 s28, v6  }
0x22b: {  	v10 =	vmov v24;
	v24 =	vld [tilespmem:$0x1FE90];
	_ =	sdelay $0x2  }
0x22c: {  	[tilespmem:v3+s18+$0x0] =	vst.idx.msk $0xffff, v0  }
0x22d: {  	v3 =	vor.u32 v5, v2;
	v0 =	vld.idx.msk [tilespmem:v4+s5+$0x0], $0xffff  }
0x22e: {  	v4 =	vor.u32 s28, v24;
	_ =	sdelay $0x3  }
0x22f: {  	[tilespmem:v3+s18+$0x0] =	vst.idx.msk $0xffff, v0;
	v3 =	vld [tilespmem:$0x1FCA0]  }
0x230: {  	v0 =	vld.idx.msk [tilespmem:v4+s5+$0x0], $0xffff  }
0x231: {  	v4 =	vld [tilespmem:$0x1FCB0];
	_ =	sdelay $0x3  }
0x232: {  	v3 =	vor.u32 v3, v2  }
0x233: {  	v4 =	vor.u32 s28, v4;
	_ =	sdelay $0x3  }
0x234: {  	[tilespmem:v3+s18+$0x0] =	vst.idx.msk $0xffff, v0  }
0x235: {  	v3 =	vor.u32 v23, v2;
	v0 =	vld.idx.msk [tilespmem:v4+s5+$0x0], $0xffff  }
0x236: {  	v4 =	vor.u32 s28, v47;
	_ =	sdelay $0x3  }
0x237: {  	[tilespmem:v3+s18+$0x0] =	vst.idx.msk $0xffff, v0  }
0x238: {  	v3 =	vor.u32 v22, v2;
	v0 =	vld.idx.msk [tilespmem:v4+s5+$0x0], $0xffff  }
0x239: {  	v4 =	vor.u32 s28, v31;
	_ =	sdelay $0x3  }
0x23a: {  	[tilespmem:v3+s18+$0x0] =	vst.idx.msk $0xffff, v0  }
0x23b: {  	v3 =	vor.u32 v38, v2;
	v0 =	vld.idx.msk [tilespmem:v4+s5+$0x0], $0xffff  }
0x23c: {  	v4 =	vor.u32 s28, v18;
	_ =	sdelay $0x3  }
0x23d: {  	[tilespmem:v3+s18+$0x0] =	vst.idx.msk $0xffff, v0  }
0x23e: {  	v3 =	vor.u32 v42, v2;
	v0 =	vld.idx.msk [tilespmem:v4+s5+$0x0], $0xffff  }
0x23f: {  	v4 =	vor.u32 s28, v39;
	_ =	sdelay $0x3  }
0x240: {  	[tilespmem:v3+s18+$0x0] =	vst.idx.msk $0xffff, v0  }
0x241: {  	v3 =	vor.u32 v17, v2;
	v0 =	vld.idx.msk [tilespmem:v4+s5+$0x0], $0xffff  }
0x242: {  	v4 =	vor.u32 s28, v56;
	_ =	sdelay $0x3  }
0x243: {  	[tilespmem:v3+s18+$0x0] =	vst.idx.msk $0xffff, v0  }
0x244: {  	v3 =	vor.u32 v40, v2;
	v0 =	vld.idx.msk [tilespmem:v4+s5+$0x0], $0xffff  }
0x245: {  	v4 =	vor.u32 s28, v46;
	_ =	sdelay $0x3  }
0x246: {  	[tilespmem:v3+s18+$0x0] =	vst.idx.msk $0xffff, v0  }
0x247: {  	v3 =	vor.u32 v41, v2;
	v0 =	vld.idx.msk [tilespmem:v4+s5+$0x0], $0xffff  }
0x248: {  	v4 =	vor.u32 s28, v60;
	_ =	sdelay $0x3  }
0x249: {  	[tilespmem:v3+s18+$0x0] =	vst.idx.msk $0xffff, v0  }
0x24a: {  	v3 =	vor.u32 v43, v2;
	v0 =	vld.idx.msk [tilespmem:v4+s5+$0x0], $0xffff  }
0x24b: {  	v4 =	vor.u32 s28, v61;
	_ =	sdelay $0x3  }
0x24c: {  	[tilespmem:v3+s18+$0x0] =	vst.idx.msk $0xffff, v0  }
0x24d: {  	v3 =	vor.u32 v44, v2;
	v0 =	vld.idx.msk [tilespmem:v4+s5+$0x0], $0xffff  }
0x24e: {  	v4 =	vor.u32 s28, v19;
	_ =	sdelay $0x3  }
0x24f: {  	[tilespmem:v3+s18+$0x0] =	vst.idx.msk $0xffff, v0  }
0x250: {  	v3 =	vor.u32 v28, v2;
	v0 =	vld.idx.msk [tilespmem:v4+s5+$0x0], $0xffff  }
0x251: {  	v4 =	vor.u32 s28, v36;
	_ =	sdelay $0x3  }
0x252: {  	[tilespmem:v3+s18+$0x0] =	vst.idx.msk $0xffff, v0  }
0x253: {  	v3 =	vor.u32 v57, v2;
	v0 =	vld.idx.msk [tilespmem:v4+s5+$0x0], $0xffff  }
0x254: {  	v4 =	vor.u32 s28, v55;
	_ =	sdelay $0x3  }
0x255: {  	[tilespmem:v3+s18+$0x0] =	vst.idx.msk $0xffff, v0  }
0x256: {  	v3 =	vor.u32 v48, v2;
	v0 =	vld.idx.msk [tilespmem:v4+s5+$0x0], $0xffff  }
0x257: {  	v4 =	vor.u32 s28, v30;
	_ =	sdelay $0x3  }
0x258: {  	[tilespmem:v3+s18+$0x0] =	vst.idx.msk $0xffff, v0  }
0x259: {  	v3 =	vor.u32 v49, v2;
	v0 =	vld.idx.msk [tilespmem:v4+s5+$0x0], $0xffff  }
0x25a: {  	v4 =	vor.u32 s28, v11;
	_ =	sdelay $0x3  }
0x25b: {  	[tilespmem:v3+s18+$0x0] =	vst.idx.msk $0xffff, v0  }
0x25c: {  	v3 =	vor.u32 v50, v2;
	v0 =	vld.idx.msk [tilespmem:v4+s5+$0x0], $0xffff  }
0x25d: {  	v4 =	vor.u32 s28, v45;
	_ =	sdelay $0x3  }
0x25e: {  	[tilespmem:v3+s18+$0x0] =	vst.idx.msk $0xffff, v0  }
0x25f: {  	v3 =	vor.u32 v51, v2;
	v0 =	vld.idx.msk [tilespmem:v4+s5+$0x0], $0xffff  }
0x260: {  	v4 =	vor.u32 s28, v7;
	_ =	sdelay $0x3  }
0x261: {  	[tilespmem:v3+s18+$0x0] =	vst.idx.msk $0xffff, v0  }
0x262: {  	v0 =	vor.u32 v1, v2;
	v1 =	vld.idx.msk [tilespmem:v4+s5+$0x0], $0xffff;
	_ =	sdelay $0x1  }
0x263: {  	s31 =	sshll.u32 s25, $0x12  }
0x264: {  	s28 =	sor.u32 s10, s31  }
0x265: {  	s28 =	sshrl.u32 s28, $0x3  }
0x266: {  	s28 =	sadd.s32 s3, s28;
	[tilespmem:v0+s18+$0x0] =	vst.idx.msk $0xffff, v1  }
0x267: {  	[hbm4b:s28+s5] =	stream.linear.scatter [tilespmem:s18], [sflag:$0x3], $0x1000, $0x38;
	[tilespmem:$0x5000] =	vst v63  }
0x268: {  	s28 =	sadd.s32 $0x2, s26  }
0x269: {  	v12 =	vld [tilespmem:$0x1FF10];
	p2 =	sge.u32 s28, s6  }
0x26a: {  	v13 =	vmov v39;
	v16 =	vmov v18;
	v9 =	vld [tilespmem:$0x1FF00];
	v62 =	vmov v46;
	s28 =	sshll.u32 @!p2 s28, $0xF  }
0x26b: {  	v22 =	vmovc v16;
	v18 =	vmovc v6;
	v42 =	vmov v60;
	v39 =	vmov v20;
	v20 =	vmov v37;
	v46 =	vld [tilespmem:$0x1FED0];
	s28 =	sor.u32 @!p2 s8, s28  }
0x26c: {  	v37 =	vmovc v10;
	v10 =	vmovc v47;
	v40 =	vmov v36;
	v41 =	vmov v14;
	v14 =	vmov v24;
	v50 =	vld [tilespmem:$0x1FEF0];
	s29 =	simm.s32 @!p2 $0x400;
	s28 =	sshrl.u32 @!p2 s28, $0x3  }
0x26d: {  	v43 =	vmovc v21;
	v44 =	vmovc v53;
	v57 =	vmov v25;
	v25 =	vmov v31;
	v31 =	vmov v13;
	v7 =	vld [tilespmem:$0x1FEE0];
	s30 =	simm.s32 @!p2 $0x7A1400;
	s31 =	simm.s32 @!p2 $0x0;
	s28 =	sadd.s32 @!p2 s0, s28  }
0x26e: {  	v48 =	vmovc v62;
	v62 =	vmovc v19;
	v49 =	vmov v5;
	v11 =	vmov v58;
	v51 =	vmov v63;
	v2 =	vld [tilespmem:$0x1FEC0];
	[tilespmem:s31], [sflag:$0x1] =	stream.strided.gather @!p2 [hbm4b:s28+s29], $0x1000, s30, s29, $0x38  }
.LBB2_6:
0x26f: {  	s28 =	sor.u32 $0x1, s26  }
0x270: {  	p2 =	sge.u32 s28, s6  }
.Ltmp6:
0x271: {  	_ = 	snop;
	(pc) =	sbr.rel @p2 .LBB2_10-.Ltmp6, $1  }
0x272: {  	_ =	sdelay $0x3  }
0x273: {  	_ =	swait.ge [sflag:s19], $0x1000  }
0x274: {  	[sflag:s19] =	ssyncset.done $0x0  }
0x275: {  	s30 =	simm.s32 @!p1 $0x4;
	[sflag:s19] =	ssyncadd.s32 $0xFFFFF000  }
0x276: {  	s29 =	simm.s32 $0x0;
	_ =	swait.ge @!p1 [sflag:s30], $0x1000  }
0x277: {  	v1 =	vor.u32 s29, v39;
	v55 =	vld [tilespmem:$0x1FD10]  }
0x278: {  	v0 =	vmov s29;
	v8 =	vld [tilespmem:$0x1FD20]  }
0x279: {  	v0 =	vshll.u32 v0, $0x5  }
0x27a: {  	v0 =	vor.u32 v2, v0;
	[sflag:s30] =	ssyncset.done @!p1 $0x0  }
0x27b: {  	v0 =	vand.u32 $0xF80, v0;
	[sflag:s30] =	ssyncadd.s32 @!p1 $0xFFFFF000  }
0x27c: {  	v6 =	vmov v2;
	v1 =	vld.idx.msk [tilespmem:v1+s16+$0x0], $0xffff;
	v2 =	vor.u32 v55, v0  }
0x27d: {  	v3 =	vor.u32 s29, v8;
	_ =	sdelay $0x3  }
0x27e: {  	[tilespmem:v2+s20+$0x0] =	vst.idx.msk $0xffff, v1  }
0x27f: {  	v2 =	vor.u32 v44, v0;
	v1 =	vld.idx.msk [tilespmem:v3+s16+$0x0], $0xffff  }
0x280: {  	v3 =	vor.u32 s29, v46;
	_ =	sdelay $0x3  }
0x281: {  	[tilespmem:v2+s20+$0x0] =	vst.idx.msk $0xffff, v1  }
0x282: {  	v2 =	vor.u32 v7, v0;
	v1 =	vld.idx.msk [tilespmem:v3+s16+$0x0], $0xffff  }
0x283: {  	v13 =	vld [tilespmem:$0x1FD30];
	v3 =	vor.u32 s29, v50;
	_ =	sdelay $0x3  }
0x284: {  	[tilespmem:v2+s20+$0x0] =	vst.idx.msk $0xffff, v1  }
0x285: {  	v2 =	vor.u32 v13, v0;
	v1 =	vld.idx.msk [tilespmem:v3+s16+$0x0], $0xffff  }
0x286: {  	v3 =	vor.u32 s29, v41;
	_ =	sdelay $0x3  }
0x287: {  	[tilespmem:v2+s20+$0x0] =	vst.idx.msk $0xffff, v1  }
0x288: {  	v2 =	vor.u32 v15, v0;
	v1 =	vld.idx.msk [tilespmem:v3+s16+$0x0], $0xffff  }
0x289: {  	v3 =	vor.u32 s29, v11  }
0x28a: {  	v5 =	vmov v39;
	v39 =	vld [tilespmem:$0x1FD40];
	_ =	sdelay $0x2  }
0x28b: {  	[tilespmem:v2+s20+$0x0] =	vst.idx.msk $0xffff, v1  }
0x28c: {  	v2 =	vor.u32 v51, v0;
	v1 =	vld.idx.msk [tilespmem:v3+s16+$0x0], $0xffff  }
0x28d: {  	v3 =	vor.u32 s29, v39;
	_ =	sdelay $0x3  }
0x28e: {  	[tilespmem:v2+s20+$0x0] =	vst.idx.msk $0xffff, v1  }
0x28f: {  	v2 =	vor.u32 v43, v0;
	v1 =	vld.idx.msk [tilespmem:v3+s16+$0x0], $0xffff  }
0x290: {  	v3 =	vor.u32 s29, v12;
	_ =	sdelay $0x3  }
0x291: {  	[tilespmem:v2+s20+$0x0] =	vst.idx.msk $0xffff, v1  }
0x292: {  	v2 =	vor.u32 v9, v0;
	v1 =	vld.idx.msk [tilespmem:v3+s16+$0x0], $0xffff  }
0x293: {  	v24 =	vld [tilespmem:$0x1FD50];
	v3 =	vor.u32 s29, v20;
	_ =	sdelay $0x3  }
0x294: {  	[tilespmem:v2+s20+$0x0] =	vst.idx.msk $0xffff, v1  }
0x295: {  	v2 =	vor.u32 v24, v0;
	v1 =	vld.idx.msk [tilespmem:v3+s16+$0x0], $0xffff  }
0x296: {  	v3 =	vor.u32 s29, v57;
	_ =	sdelay $0x3  }
0x297: {  	[tilespmem:v2+s20+$0x0] =	vst.idx.msk $0xffff, v1  }
0x298: {  	v1 =	vld.idx.msk [tilespmem:v3+s16+$0x0], $0xffff  }
0x299: {  	v3 =	vld [tilespmem:$0x1FD60];
	_ =	sdelay $0x3  }
0x29a: {  	v2 =	vor.u32 v54, v0  }
0x29b: {  	v3 =	vor.u32 s29, v3;
	_ =	sdelay $0x3  }
0x29c: {  	[tilespmem:v2+s20+$0x0] =	vst.idx.msk $0xffff, v1  }
0x29d: {  	v2 =	vor.u32 v34, v0;
	v1 =	vld.idx.msk [tilespmem:v3+s16+$0x0], $0xffff  }
0x29e: {  	v3 =	vor.u32 s29, v33;
	_ =	sdelay $0x3  }
0x29f: {  	[tilespmem:v2+s20+$0x0] =	vst.idx.msk $0xffff, v1  }
0x2a0: {  	v2 =	vor.u32 v37, v0;
	v1 =	vld.idx.msk [tilespmem:v3+s16+$0x0], $0xffff  }
0x2a1: {  	v3 =	vor.u32 s29, v26;
	_ =	sdelay $0x3  }
0x2a2: {  	[tilespmem:v2+s20+$0x0] =	vst.idx.msk $0xffff, v1  }
0x2a3: {  	v2 =	vor.u32 v32, v0;
	v1 =	vld.idx.msk [tilespmem:v3+s16+$0x0], $0xffff  }
0x2a4: {  	v3 =	vor.u32 s29, v52;
	_ =	sdelay $0x3  }
0x2a5: {  	[tilespmem:v2+s20+$0x0] =	vst.idx.msk $0xffff, v1  }
0x2a6: {  	v2 =	vor.u32 v29, v0;
	v1 =	vld.idx.msk [tilespmem:v3+s16+$0x0], $0xffff  }
0x2a7: {  	v3 =	vor.u32 s29, v18;
	_ =	sdelay $0x2  }
0x2a8: {  	v17 =	vld [tilespmem:$0x1FE70]  }
0x2a9: {  	v18 =	vld [tilespmem:$0x1FE80];
	[tilespmem:v2+s20+$0x0] =	vst.idx.msk $0xffff, v1  }
0x2aa: {  	v2 =	vor.u32 v49, v0;
	v1 =	vld.idx.msk [tilespmem:v3+s16+$0x0], $0xffff  }
0x2ab: {  	v3 =	vor.u32 s29, v14;
	_ =	sdelay $0x1  }
0x2ac: {  	v53 =	vld [tilespmem:$0x1FD80]  }
0x2ad: {  	v41 =	vld [tilespmem:$0x1FDA0];
	v4 =	vcombine.low v17, v18  }
0x2ae: {  	v58 =	vmov v37;
	v37 =	vmov v20;
	v20 =	vld [tilespmem:$0x1FD70];
	[tilespmem:v2+s20+$0x0] =	vst.idx.msk $0xffff, v1  }
0x2af: {  	v2 =	vor.u32 v4, v0;
	v1 =	vld.idx.msk [tilespmem:v3+s16+$0x0], $0xffff;
	v3 =	vor.u32 $0x800, v5  }
0x2b0: {  	v17 =	vld [tilespmem:$0x1FD90];
	[tilespmem:$0x1FC20] =	vst v3;
	v3 =	vor.u32 s29, v3;
	_ =	sdelay $0x1  }
0x2b1: {  	v63 =	vmov v46;
	v46 =	vmov v50;
	v50 =	vld [tilespmem:$0x1FDC0]  }
0x2b2: {  	v19 =	vmov v51;
	v51 =	vld [tilespmem:$0x1FDD0]  }
0x2b3: {  	v16 =	vmov v25;
	v25 =	vmov v57;
	v57 =	vmov v40;
	v40 =	vld [tilespmem:$0x1FDB0];
	[tilespmem:v2+s20+$0x0] =	vst.idx.msk $0xffff, v1  }
0x2b4: {  	[tilespmem:$0x1FC10] =	vst v4;
	v14 =	vsel vm0, v41, v17;
	v4 =	vmov v10;
	v5 =	vsel vm0, v53, v20;
	v1 =	vld.idx.msk [tilespmem:v3+s16+$0x0], $0xffff  }
0x2b5: {  	v30 =	vmov v4;
	v10 =	vcombine.low v14, v5;
	v3 =	vor.u32 s29, v4;
	v4 =	vld [tilespmem:$0x1FDE0];
	_ =	sdelay $0x1  }
0x2b6: {  	v2 =	vor.u32 v10, v0  }
0x2b7: {  	v45 =	vld [tilespmem:$0x1FDF0]  }
0x2b8: {  	v21 =	vld [tilespmem:$0x1FE10];
	[tilespmem:$0x1FC40] =	vst v14  }
0x2b9: {  	v47 =	vmovc v22;
	v22 =	vld [tilespmem:$0x1FE20];
	[tilespmem:$0x1FC30] =	vst v5;
	v5 =	vsel vm0, v50, v40;
	v23 =	vmov v10;
	v10 =	vsel vm0, v4, v51  }
0x2ba: {  	v14 =	vld [tilespmem:$0x1FE00];
	[tilespmem:$0x1FC60] =	vst v10;
	v10 =	vcombine.low v10, v5  }
0x2bb: {  	[tilespmem:v2+s20+$0x0] =	vst.idx.msk $0xffff, v1  }
0x2bc: {  	v1 =	vld.idx.msk [tilespmem:v3+s16+$0x0], $0xffff;
	v2 =	vor.u32 v10, v0  }
0x2bd: {  	v28 =	vld [tilespmem:$0x1FE50];
	v3 =	vor.u32 s29, v16  }
0x2be: {  	v44 =	vld [tilespmem:$0x1FE30]  }
0x2bf: {  	v27 =	vsel vm0, v22, v21;
	v43 =	vld [tilespmem:$0x1FE60];
	[tilespmem:$0x1FC50] =	vst v5;
	v5 =	vsel vm0, v14, v45  }
0x2c0: {  	v49 =	vld [tilespmem:$0x1FE40];
	[tilespmem:$0x1FC70] =	vst v5;
	v5 =	vcombine.low v27, v5  }
0x2c1: {  	[tilespmem:v2+s20+$0x0] =	vst.idx.msk $0xffff, v1  }
0x2c2: {  	v2 =	vor.u32 v5, v0;
	v1 =	vld.idx.msk [tilespmem:v3+s16+$0x0], $0xffff  }
0x2c3: {  	v3 =	vor.u32 s29, v47;
	_ =	sdelay $0x1  }
0x2c4: {  	v59 =	vmov v47;
	v61 =	vsel vm0, v43, v28;
	v47 =	vsel vm0, v49, v44  }
0x2c5: {  	[tilespmem:$0x1FC80] =	vst v27;
	v27 =	vmov v5;
	v5 =	vcombine.low v61, v47  }
0x2c6: {  	[tilespmem:v2+s20+$0x0] =	vst.idx.msk $0xffff, v1  }
0x2c7: {  	v18 =	vmovc v11;
	v11 =	vmov v7;
	v7 =	vmov v31;
	v2 =	vor.u32 v5, v0;
	v1 =	vld.idx.msk [tilespmem:v3+s16+$0x0], $0xffff  }
0x2c8: {  	v3 =	vor.u32 s29, v7;
	_ =	sdelay $0x1  }
0x2c9: {  	v35 =	vsel vm0, v17, v53;
	v32 =	vmovc v10;
	v10 =	vmov v12;
	v12 =	vsel vm0, v20, v41  }
0x2ca: {  	v36 =	vmov v42;
	v42 =	vmov v5;
	v5 =	vcombine.low v12, v35  }
0x2cb: {  	[tilespmem:v2+s20+$0x0] =	vst.idx.msk $0xffff, v1  }
0x2cc: {  	v2 =	vor.u32 v5, v0;
	v1 =	vld.idx.msk [tilespmem:v3+s16+$0x0], $0xffff  }
0x2cd: {  	v3 =	vor.u32 s29, v56;
	_ =	sdelay $0x1  }
0x2ce: {  	v38 =	vsel vm0, v51, v50;
	v50 =	vsel vm0, v40, v4  }
0x2cf: {  	v60 =	vmovc v48;
	v48 =	vmov v39;
	v39 =	vmov v7;
	v7 =	vcombine.low v50, v38  }
0x2d0: {  	[tilespmem:v2+s20+$0x0] =	vst.idx.msk $0xffff, v1  }
0x2d1: {  	v2 =	vor.u32 v7, v0;
	v1 =	vld.idx.msk [tilespmem:v3+s16+$0x0], $0xffff  }
0x2d2: {  	v3 =	vor.u32 s29, v60;
	_ =	sdelay $0x1  }
0x2d3: {  	v21 =	vsel vm0, v21, v14;
	v51 =	vsel vm0, v45, v22  }
0x2d4: {  	v41 =	vcombine.low v51, v21  }
0x2d5: {  	[tilespmem:v2+s20+$0x0] =	vst.idx.msk $0xffff, v1  }
0x2d6: {  	v2 =	vor.u32 v41, v0;
	v1 =	vld.idx.msk [tilespmem:v3+s16+$0x0], $0xffff  }
0x2d7: {  	v3 =	vor.u32 s29, v36;
	_ =	sdelay $0x3  }
0x2d8: {  	[tilespmem:v2+s20+$0x0] =	vst.idx.msk $0xffff, v1  }
0x2d9: {  	v1 =	vld.idx.msk [tilespmem:v3+s16+$0x0], $0xffff  }
0x2da: {  	v3 =	vld [tilespmem:$0x1FFE0]  }
0x2db: {  	v14 =	vsel vm0, v44, v43;
	v20 =	vsel vm0, v28, v49  }
0x2dc: {  	v4 =	vld [tilespmem:$0x1FC30];
	v43 =	vcombine.low v14, v20  }
0x2dd: {  	[tilespmem:$0x1FC90] =	vst v14;
	v14 =	vld [tilespmem:$0x1FC40]  }
0x2de: {  	v2 =	vor.u32 v43, v0  }
0x2df: {  	v31 =	vmovc v16;
	v16 =	vmov v36;
	v36 =	vmov v3;
	v3 =	vor.u32 s29, v3;
	_ =	sdelay $0x2  }
0x2e0: {  	v44 =	vcombine.low v4, v14;
	v4 =	vld [tilespmem:$0x1FC50]  }
0x2e1: {  	v14 =	vld [tilespmem:$0x1FC60];
	[tilespmem:v2+s20+$0x0] =	vst.idx.msk $0xffff, v1  }
0x2e2: {  	v2 =	vor.u32 v44, v0;
	v1 =	vld.idx.msk [tilespmem:v3+s16+$0x0], $0xffff  }
0x2e3: {  	v3 =	vor.u32 s29, v62;
	_ =	sdelay $0x2  }
0x2e4: {  	v28 =	vcombine.low v4, v14  }
0x2e5: {  	[tilespmem:v2+s20+$0x0] =	vst.idx.msk $0xffff, v1  }
0x2e6: {  	v2 =	vor.u32 v28, v0;
	v1 =	vld.idx.msk [tilespmem:v3+s16+$0x0], $0xffff  }
0x2e7: {  	v3 =	vor.u32 s29, v57;
	_ =	sdelay $0x1  }
0x2e8: {  	v4 =	vld [tilespmem:$0x1FC70]  }
0x2e9: {  	v14 =	vld [tilespmem:$0x1FC80]  }
0x2ea: {  	[tilespmem:v2+s20+$0x0] =	vst.idx.msk $0xffff, v1  }
0x2eb: {  	v1 =	vld.idx.msk [tilespmem:v3+s16+$0x0], $0xffff  }
0x2ec: {  	v3 =	vld [tilespmem:$0x1FFB0];
	_ =	sdelay $0x1  }
0x2ed: {  	v17 =	vmovc v46;
	v46 =	vmovc v60;
	v60 =	vmov v62;
	v62 =	vmov v57;
	v57 =	vcombine.low v4, v14;
	_ =	sdelay $0x1  }
0x2ee: {  	v2 =	vor.u32 v57, v0  }
0x2ef: {  	v53 =	vmov v3;
	v3 =	vor.u32 s29, v3;
	_ =	sdelay $0x3  }
0x2f0: {  	[tilespmem:v2+s20+$0x0] =	vst.idx.msk $0xffff, v1  }
0x2f1: {  	v1 =	vld.idx.msk [tilespmem:v3+s16+$0x0], $0xffff  }
0x2f2: {  	v3 =	vld [tilespmem:$0x1FFA0];
	_ =	sdelay $0x1  }
0x2f3: {  	v61 =	vcombine.low v47, v61;
	_ =	sdelay $0x1  }
0x2f4: {  	v2 =	vor.u32 v61, v0  }
0x2f5: {  	v40 =	vmov v3;
	v3 =	vor.u32 s29, v3;
	_ =	sdelay $0x3  }
0x2f6: {  	[tilespmem:v2+s20+$0x0] =	vst.idx.msk $0xffff, v1  }
0x2f7: {  	v1 =	vld.idx.msk [tilespmem:v3+s16+$0x0], $0xffff  }
0x2f8: {  	v3 =	vld [tilespmem:$0x1FF90];
	_ =	sdelay $0x1  }
0x2f9: {  	v49 =	vcombine.low v35, v12;
	_ =	sdelay $0x1  }
0x2fa: {  	v2 =	vor.u32 v49, v0  }
0x2fb: {  	v35 =	vmov v3;
	v3 =	vor.u32 s29, v3;
	_ =	sdelay $0x2  }
0x2fc: {  	v50 =	vcombine.low v38, v50  }
0x2fd: {  	[tilespmem:v2+s20+$0x0] =	vst.idx.msk $0xffff, v1  }
0x2fe: {  	v2 =	vor.u32 v50, v0;
	v1 =	vld.idx.msk [tilespmem:v3+s16+$0x0], $0xffff;
	_ =	sdelay $0x1  }
0x2ff: {  	v3 =	vld [tilespmem:$0x1FF60];
	_ =	sdelay $0x2  }
0x300: {  	[tilespmem:v2+s20+$0x0] =	vst.idx.msk $0xffff, v1;
	v1 =	vld [tilespmem:$0x1FF40];
	_ =	sdelay $0x1  }
0x301: {  	v45 =	vmov v3;
	v3 =	vor.u32 s29, v3;
	_ =	sdelay $0x2  }
0x302: {  	v51 =	vcombine.low v21, v51;
	v47 =	vmov v1;
	v4 =	vor.u32 s29, v1;
	v1 =	vld [tilespmem:$0x1FC90];
	_ =	sdelay $0x1  }
0x303: {  	v2 =	vld.idx.msk [tilespmem:v3+s16+$0x0], $0xffff;
	v3 =	vor.u32 v51, v0;
	_ =	sdelay $0x2  }
0x304: {  	v1 =	vcombine.low v20, v1  }
0x305: {  	v22 =	vld [tilespmem:$0x1FF50]  }
0x306: {  	[tilespmem:v3+s20+$0x0] =	vst.idx.msk $0xffff, v2;
	v3 =	vor.u32 v1, v0;
	v0 =	vld [tilespmem:$0x1FF80]  }
0x307: {  	v21 =	vld [tilespmem:$0x1FF70]  }
0x308: {  	v12 =	vld [tilespmem:$0x1FF30]  }
0x309: {  	v38 =	vld [tilespmem:$0x1FD60]  }
0x30a: {  	v14 =	vld [tilespmem:$0x1FF20];
	s29 =	simm.s32 $0x10  }
0x30b: {  	s30 =	simm.s32 $0x20;
	v2 =	vld.idx.msk [tilespmem:v4+s16+$0x0], $0xffff;
	v20 =	vmov v0;
	v0 =	vor.u32 s29, v0  }
.LBB2_8:
0x30c: {  	_ =	sdelay $0x1  }
0x30d: {  	v4 =	vmov s29  }
0x30e: {  	v4 =	vshll.u32 v4, $0x5  }
0x30f: {  	v4 =	vor.u32 v6, v4;
	[tilespmem:v3+s20+$0x0] =	vst.idx.msk $0xffff, v2  }
0x310: {  	v2 =	vld.idx.msk [tilespmem:v0+s16+$0x0], $0xffff;
	v0 =	vand.u32 $0xF80, v4  }
0x311: {  	v3 =	vor.u32 v55, v0  }
0x312: {  	v4 =	vor.u32 s29, v8;
	_ =	sdelay $0x3  }
0x313: {  	[tilespmem:v3+s20+$0x0] =	vst.idx.msk $0xffff, v2  }
0x314: {  	v3 =	vor.u32 v12, v0;
	v2 =	vld.idx.msk [tilespmem:v4+s16+$0x0], $0xffff  }
0x315: {  	v4 =	vor.u32 s29, v63;
	_ =	sdelay $0x3  }
0x316: {  	[tilespmem:v3+s20+$0x0] =	vst.idx.msk $0xffff, v2  }
0x317: {  	v3 =	vor.u32 v11, v0;
	v2 =	vld.idx.msk [tilespmem:v4+s16+$0x0], $0xffff  }
0x318: {  	v4 =	vor.u32 s29, v17;
	_ =	sdelay $0x3  }
0x319: {  	[tilespmem:v3+s20+$0x0] =	vst.idx.msk $0xffff, v2  }
0x31a: {  	v3 =	vor.u32 v13, v0;
	v2 =	vld.idx.msk [tilespmem:v4+s16+$0x0], $0xffff  }
0x31b: {  	v4 =	vor.u32 s29, v14;
	_ =	sdelay $0x3  }
0x31c: {  	[tilespmem:v3+s20+$0x0] =	vst.idx.msk $0xffff, v2  }
0x31d: {  	v3 =	vor.u32 v15, v0;
	v2 =	vld.idx.msk [tilespmem:v4+s16+$0x0], $0xffff  }
0x31e: {  	v4 =	vor.u32 s29, v18;
	_ =	sdelay $0x3  }
0x31f: {  	[tilespmem:v3+s20+$0x0] =	vst.idx.msk $0xffff, v2  }
0x320: {  	v3 =	vor.u32 v19, v0;
	v2 =	vld.idx.msk [tilespmem:v4+s16+$0x0], $0xffff  }
0x321: {  	v4 =	vor.u32 s29, v48;
	_ =	sdelay $0x3  }
0x322: {  	[tilespmem:v3+s20+$0x0] =	vst.idx.msk $0xffff, v2  }
0x323: {  	v3 =	vor.u32 v21, v0;
	v2 =	vld.idx.msk [tilespmem:v4+s16+$0x0], $0xffff  }
0x324: {  	v4 =	vor.u32 s29, v10;
	_ =	sdelay $0x3  }
0x325: {  	[tilespmem:v3+s20+$0x0] =	vst.idx.msk $0xffff, v2  }
0x326: {  	v3 =	vor.u32 v9, v0;
	v2 =	vld.idx.msk [tilespmem:v4+s16+$0x0], $0xffff  }
0x327: {  	v4 =	vor.u32 s29, v37;
	_ =	sdelay $0x3  }
0x328: {  	[tilespmem:v3+s20+$0x0] =	vst.idx.msk $0xffff, v2  }
0x329: {  	v3 =	vor.u32 v24, v0;
	v2 =	vld.idx.msk [tilespmem:v4+s16+$0x0], $0xffff  }
0x32a: {  	v4 =	vor.u32 s29, v25;
	_ =	sdelay $0x3  }
0x32b: {  	[tilespmem:v3+s20+$0x0] =	vst.idx.msk $0xffff, v2  }
0x32c: {  	v3 =	vor.u32 v54, v0;
	v2 =	vld.idx.msk [tilespmem:v4+s16+$0x0], $0xffff  }
0x32d: {  	v4 =	vor.u32 s29, v38;
	_ =	sdelay $0x3  }
0x32e: {  	[tilespmem:v3+s20+$0x0] =	vst.idx.msk $0xffff, v2  }
0x32f: {  	v3 =	vor.u32 v34, v0;
	v2 =	vld.idx.msk [tilespmem:v4+s16+$0x0], $0xffff  }
0x330: {  	v4 =	vor.u32 s29, v33;
	_ =	sdelay $0x3  }
0x331: {  	[tilespmem:v3+s20+$0x0] =	vst.idx.msk $0xffff, v2  }
0x332: {  	v3 =	vor.u32 v58, v0;
	v2 =	vld.idx.msk [tilespmem:v4+s16+$0x0], $0xffff  }
0x333: {  	v4 =	vor.u32 s29, v26;
	_ =	sdelay $0x3  }
0x334: {  	[tilespmem:v3+s20+$0x0] =	vst.idx.msk $0xffff, v2  }
0x335: {  	v3 =	vor.u32 v22, v0;
	v2 =	vld.idx.msk [tilespmem:v4+s16+$0x0], $0xffff  }
0x336: {  	v4 =	vor.u32 s29, v52;
	_ =	sdelay $0x3  }
0x337: {  	[tilespmem:v3+s20+$0x0] =	vst.idx.msk $0xffff, v2  }
0x338: {  	v2 =	vld.idx.msk [tilespmem:v4+s16+$0x0], $0xffff  }
0x339: {  	v4 =	vld [tilespmem:$0x1FEB0];
	_ =	sdelay $0x3  }
0x33a: {  	v3 =	vor.u32 v29, v0  }
0x33b: {  	v4 =	vor.u32 s29, v4;
	_ =	sdelay $0x3  }
0x33c: {  	[tilespmem:v3+s20+$0x0] =	vst.idx.msk $0xffff, v2;
	v3 =	vld [tilespmem:$0x1FEA0]  }
0x33d: {  	v2 =	vld.idx.msk [tilespmem:v4+s16+$0x0], $0xffff  }
0x33e: {  	v4 =	vld [tilespmem:$0x1FE90];
	_ =	sdelay $0x3  }
0x33f: {  	v3 =	vor.u32 v3, v0  }
0x340: {  	v4 =	vor.u32 s29, v4;
	_ =	sdelay $0x3  }
0x341: {  	[tilespmem:v3+s20+$0x0] =	vst.idx.msk $0xffff, v2;
	v3 =	vld [tilespmem:$0x1FC10]  }
0x342: {  	v2 =	vld.idx.msk [tilespmem:v4+s16+$0x0], $0xffff  }
0x343: {  	v4 =	vld [tilespmem:$0x1FC20];
	_ =	sdelay $0x3  }
0x344: {  	v3 =	vor.u32 v3, v0  }
0x345: {  	v4 =	vor.u32 s29, v4;
	_ =	sdelay $0x3  }
0x346: {  	[tilespmem:v3+s20+$0x0] =	vst.idx.msk $0xffff, v2  }
0x347: {  	v3 =	vor.u32 v23, v0;
	v2 =	vld.idx.msk [tilespmem:v4+s16+$0x0], $0xffff  }
0x348: {  	v4 =	vor.u32 s29, v30;
	_ =	sdelay $0x3  }
0x349: {  	[tilespmem:v3+s20+$0x0] =	vst.idx.msk $0xffff, v2  }
0x34a: {  	v3 =	vor.u32 v32, v0;
	v2 =	vld.idx.msk [tilespmem:v4+s16+$0x0], $0xffff  }
0x34b: {  	v4 =	vor.u32 s29, v31;
	_ =	sdelay $0x3  }
0x34c: {  	[tilespmem:v3+s20+$0x0] =	vst.idx.msk $0xffff, v2  }
0x34d: {  	v3 =	vor.u32 v27, v0;
	v2 =	vld.idx.msk [tilespmem:v4+s16+$0x0], $0xffff  }
0x34e: {  	v4 =	vor.u32 s29, v59;
	_ =	sdelay $0x3  }
0x34f: {  	[tilespmem:v3+s20+$0x0] =	vst.idx.msk $0xffff, v2  }
0x350: {  	v3 =	vor.u32 v42, v0;
	v2 =	vld.idx.msk [tilespmem:v4+s16+$0x0], $0xffff  }
0x351: {  	v4 =	vor.u32 s29, v39;
	_ =	sdelay $0x3  }
0x352: {  	[tilespmem:v3+s20+$0x0] =	vst.idx.msk $0xffff, v2  }
0x353: {  	v3 =	vor.u32 v5, v0;
	v2 =	vld.idx.msk [tilespmem:v4+s16+$0x0], $0xffff  }
0x354: {  	v4 =	vor.u32 s29, v56;
	_ =	sdelay $0x3  }
0x355: {  	[tilespmem:v3+s20+$0x0] =	vst.idx.msk $0xffff, v2  }
0x356: {  	v3 =	vor.u32 v7, v0;
	v2 =	vld.idx.msk [tilespmem:v4+s16+$0x0], $0xffff  }
0x357: {  	v4 =	vor.u32 s29, v46;
	_ =	sdelay $0x3  }
0x358: {  	[tilespmem:v3+s20+$0x0] =	vst.idx.msk $0xffff, v2  }
0x359: {  	v3 =	vor.u32 v41, v0;
	v2 =	vld.idx.msk [tilespmem:v4+s16+$0x0], $0xffff  }
0x35a: {  	v4 =	vor.u32 s29, v16;
	_ =	sdelay $0x3  }
0x35b: {  	[tilespmem:v3+s20+$0x0] =	vst.idx.msk $0xffff, v2  }
0x35c: {  	v3 =	vor.u32 v43, v0;
	v2 =	vld.idx.msk [tilespmem:v4+s16+$0x0], $0xffff  }
0x35d: {  	v4 =	vor.u32 s29, v36;
	_ =	sdelay $0x3  }
0x35e: {  	[tilespmem:v3+s20+$0x0] =	vst.idx.msk $0xffff, v2  }
0x35f: {  	v3 =	vor.u32 v44, v0;
	v2 =	vld.idx.msk [tilespmem:v4+s16+$0x0], $0xffff  }
0x360: {  	v4 =	vor.u32 s29, v60;
	_ =	sdelay $0x3  }
0x361: {  	[tilespmem:v3+s20+$0x0] =	vst.idx.msk $0xffff, v2  }
0x362: {  	v3 =	vor.u32 v28, v0;
	v2 =	vld.idx.msk [tilespmem:v4+s16+$0x0], $0xffff  }
0x363: {  	v4 =	vor.u32 s29, v62;
	_ =	sdelay $0x3  }
0x364: {  	[tilespmem:v3+s20+$0x0] =	vst.idx.msk $0xffff, v2  }
0x365: {  	v3 =	vor.u32 v57, v0;
	v2 =	vld.idx.msk [tilespmem:v4+s16+$0x0], $0xffff  }
0x366: {  	v4 =	vor.u32 s29, v53;
	_ =	sdelay $0x3  }
0x367: {  	[tilespmem:v3+s20+$0x0] =	vst.idx.msk $0xffff, v2  }
0x368: {  	v3 =	vor.u32 v61, v0;
	v2 =	vld.idx.msk [tilespmem:v4+s16+$0x0], $0xffff  }
0x369: {  	v4 =	vor.u32 s29, v40;
	_ =	sdelay $0x3  }
0x36a: {  	[tilespmem:v3+s20+$0x0] =	vst.idx.msk $0xffff, v2  }
0x36b: {  	v3 =	vor.u32 v49, v0;
	v2 =	vld.idx.msk [tilespmem:v4+s16+$0x0], $0xffff  }
0x36c: {  	v4 =	vor.u32 s29, v35;
	_ =	sdelay $0x3  }
0x36d: {  	[tilespmem:v3+s20+$0x0] =	vst.idx.msk $0xffff, v2  }
0x36e: {  	v3 =	vor.u32 v50, v0;
	v2 =	vld.idx.msk [tilespmem:v4+s16+$0x0], $0xffff  }
0x36f: {  	v4 =	vor.u32 s29, v45;
	_ =	sdelay $0x3  }
0x370: {  	[tilespmem:v3+s20+$0x0] =	vst.idx.msk $0xffff, v2  }
0x371: {  	v3 =	vor.u32 v51, v0;
	v2 =	vld.idx.msk [tilespmem:v4+s16+$0x0], $0xffff  }
0x372: {  	p1 =	sne.s32 s30, $0x70;
	v4 =	vor.u32 s29, v47  }
.Ltmp7:
0x373: {  	_ = 	snop;
	(pc) =	sbr.rel @p1 .LBB2_8-.Ltmp7, $3  }
0x374: {  	_ =	sdelay $0x1  }
0x375: {  	s29 =	smov.u32 s30;
	[tilespmem:v3+s20+$0x0] =	vst.idx.msk $0xffff, v2  }
0x376: {  	s30 =	sadd.s32 $0x10, s30;
	v3 =	vor.u32 v1, v0;
	v0 =	vor.u32 s29, v20;
	v2 =	vld.idx.msk [tilespmem:v4+s16+$0x0], $0xffff  }
0x377: {  	_ = 	snop  }
0x378: {  	v4 =	vmov s29  }
0x379: {  	v4 =	vshll.u32 v4, $0x5  }
0x37a: {  	v4 =	vor.u32 v6, v4  }
0x37b: {  	[tilespmem:v3+s20+$0x0] =	vst.idx.msk $0xffff, v2;
	v2 =	vand.u32 $0xF80, v4  }
0x37c: {  	v0 =	vld.idx.msk [tilespmem:v0+s16+$0x0], $0xffff;
	v3 =	vor.u32 v55, v2  }
0x37d: {  	v4 =	vor.u32 s29, v8;
	_ =	sdelay $0x3  }
0x37e: {  	[tilespmem:v3+s20+$0x0] =	vst.idx.msk $0xffff, v0  }
0x37f: {  	v3 =	vor.u32 v12, v2;
	v0 =	vld.idx.msk [tilespmem:v4+s16+$0x0], $0xffff  }
0x380: {  	v4 =	vor.u32 s29, v63;
	_ =	sdelay $0x3  }
0x381: {  	[tilespmem:v3+s20+$0x0] =	vst.idx.msk $0xffff, v0  }
0x382: {  	v3 =	vor.u32 v11, v2;
	v0 =	vld.idx.msk [tilespmem:v4+s16+$0x0], $0xffff  }
0x383: {  	v4 =	vor.u32 s29, v17;
	_ =	sdelay $0x3  }
0x384: {  	[tilespmem:v3+s20+$0x0] =	vst.idx.msk $0xffff, v0  }
0x385: {  	v3 =	vor.u32 v13, v2;
	v0 =	vld.idx.msk [tilespmem:v4+s16+$0x0], $0xffff  }
0x386: {  	v4 =	vor.u32 s29, v14;
	_ =	sdelay $0x3  }
0x387: {  	[tilespmem:v3+s20+$0x0] =	vst.idx.msk $0xffff, v0  }
0x388: {  	v3 =	vor.u32 v15, v2;
	v0 =	vld.idx.msk [tilespmem:v4+s16+$0x0], $0xffff  }
0x389: {  	v4 =	vor.u32 s29, v18;
	_ =	sdelay $0x3  }
0x38a: {  	[tilespmem:v3+s20+$0x0] =	vst.idx.msk $0xffff, v0  }
0x38b: {  	v3 =	vor.u32 v19, v2;
	v0 =	vld.idx.msk [tilespmem:v4+s16+$0x0], $0xffff  }
0x38c: {  	v4 =	vor.u32 s29, v48;
	_ =	sdelay $0x3  }
0x38d: {  	[tilespmem:v3+s20+$0x0] =	vst.idx.msk $0xffff, v0  }
0x38e: {  	v3 =	vor.u32 v21, v2;
	v0 =	vld.idx.msk [tilespmem:v4+s16+$0x0], $0xffff  }
0x38f: {  	v4 =	vor.u32 s29, v10;
	_ =	sdelay $0x3  }
0x390: {  	[tilespmem:v3+s20+$0x0] =	vst.idx.msk $0xffff, v0  }
0x391: {  	v3 =	vor.u32 v9, v2;
	v0 =	vld.idx.msk [tilespmem:v4+s16+$0x0], $0xffff  }
0x392: {  	v4 =	vor.u32 s29, v37;
	_ =	sdelay $0x3  }
0x393: {  	[tilespmem:v3+s20+$0x0] =	vst.idx.msk $0xffff, v0  }
0x394: {  	v3 =	vor.u32 v24, v2;
	v0 =	vld.idx.msk [tilespmem:v4+s16+$0x0], $0xffff  }
0x395: {  	v4 =	vor.u32 s29, v25;
	_ =	sdelay $0x3  }
0x396: {  	[tilespmem:v3+s20+$0x0] =	vst.idx.msk $0xffff, v0  }
0x397: {  	v3 =	vor.u32 v54, v2;
	v0 =	vld.idx.msk [tilespmem:v4+s16+$0x0], $0xffff  }
0x398: {  	v4 =	vor.u32 s29, v38;
	_ =	sdelay $0x3  }
0x399: {  	[tilespmem:v3+s20+$0x0] =	vst.idx.msk $0xffff, v0  }
0x39a: {  	v3 =	vor.u32 v34, v2;
	v0 =	vld.idx.msk [tilespmem:v4+s16+$0x0], $0xffff  }
0x39b: {  	v4 =	vor.u32 s29, v33;
	_ =	sdelay $0x3  }
0x39c: {  	[tilespmem:v3+s20+$0x0] =	vst.idx.msk $0xffff, v0  }
0x39d: {  	v3 =	vor.u32 v58, v2;
	v0 =	vld.idx.msk [tilespmem:v4+s16+$0x0], $0xffff  }
0x39e: {  	v4 =	vor.u32 s29, v26;
	_ =	sdelay $0x3  }
0x39f: {  	[tilespmem:v3+s20+$0x0] =	vst.idx.msk $0xffff, v0  }
0x3a0: {  	v3 =	vor.u32 v22, v2;
	v0 =	vld.idx.msk [tilespmem:v4+s16+$0x0], $0xffff  }
0x3a1: {  	v4 =	vor.u32 s29, v52  }
0x3a2: {  	v24 =	vld [tilespmem:$0x1FEB0];
	_ =	sdelay $0x2  }
0x3a3: {  	[tilespmem:v3+s20+$0x0] =	vst.idx.msk $0xffff, v0  }
0x3a4: {  	v3 =	vor.u32 v29, v2;
	v0 =	vld.idx.msk [tilespmem:v4+s16+$0x0], $0xffff  }
0x3a5: {  	v8 =	vmov v22;
	v22 =	vld [tilespmem:$0x1FEA0];
	v4 =	vor.u32 s29, v24  }
0x3a6: {  	v6 =	vld [tilespmem:$0x1FE90];
	_ =	sdelay $0x2  }
0x3a7: {  	[tilespmem:v3+s20+$0x0] =	vst.idx.msk $0xffff, v0  }
0x3a8: {  	v3 =	vor.u32 v22, v2;
	v0 =	vld.idx.msk [tilespmem:v4+s16+$0x0], $0xffff  }
0x3a9: {  	v4 =	vor.u32 s29, v6;
	_ =	sdelay $0x3  }
0x3aa: {  	[tilespmem:v3+s20+$0x0] =	vst.idx.msk $0xffff, v0;
	v3 =	vld [tilespmem:$0x1FC10]  }
0x3ab: {  	v0 =	vld.idx.msk [tilespmem:v4+s16+$0x0], $0xffff  }
0x3ac: {  	v4 =	vld [tilespmem:$0x1FC20];
	_ =	sdelay $0x3  }
0x3ad: {  	v3 =	vor.u32 v3, v2  }
0x3ae: {  	v4 =	vor.u32 s29, v4;
	_ =	sdelay $0x3  }
0x3af: {  	[tilespmem:v3+s20+$0x0] =	vst.idx.msk $0xffff, v0  }
0x3b0: {  	v3 =	vor.u32 v23, v2;
	v0 =	vld.idx.msk [tilespmem:v4+s16+$0x0], $0xffff  }
0x3b1: {  	v4 =	vor.u32 s29, v30;
	_ =	sdelay $0x3  }
0x3b2: {  	[tilespmem:v3+s20+$0x0] =	vst.idx.msk $0xffff, v0  }
0x3b3: {  	v3 =	vor.u32 v32, v2;
	v0 =	vld.idx.msk [tilespmem:v4+s16+$0x0], $0xffff  }
0x3b4: {  	v4 =	vor.u32 s29, v31;
	_ =	sdelay $0x3  }
0x3b5: {  	[tilespmem:v3+s20+$0x0] =	vst.idx.msk $0xffff, v0  }
0x3b6: {  	v3 =	vor.u32 v27, v2;
	v0 =	vld.idx.msk [tilespmem:v4+s16+$0x0], $0xffff  }
0x3b7: {  	v4 =	vor.u32 s29, v59;
	_ =	sdelay $0x3  }
0x3b8: {  	[tilespmem:v3+s20+$0x0] =	vst.idx.msk $0xffff, v0  }
0x3b9: {  	v3 =	vor.u32 v42, v2;
	v0 =	vld.idx.msk [tilespmem:v4+s16+$0x0], $0xffff  }
0x3ba: {  	v4 =	vor.u32 s29, v39;
	_ =	sdelay $0x3  }
0x3bb: {  	[tilespmem:v3+s20+$0x0] =	vst.idx.msk $0xffff, v0  }
0x3bc: {  	v3 =	vor.u32 v5, v2;
	v0 =	vld.idx.msk [tilespmem:v4+s16+$0x0], $0xffff  }
0x3bd: {  	v4 =	vor.u32 s29, v56;
	_ =	sdelay $0x3  }
0x3be: {  	[tilespmem:v3+s20+$0x0] =	vst.idx.msk $0xffff, v0  }
0x3bf: {  	v3 =	vor.u32 v7, v2;
	v0 =	vld.idx.msk [tilespmem:v4+s16+$0x0], $0xffff  }
0x3c0: {  	v4 =	vor.u32 s29, v46;
	_ =	sdelay $0x3  }
0x3c1: {  	[tilespmem:v3+s20+$0x0] =	vst.idx.msk $0xffff, v0  }
0x3c2: {  	v3 =	vor.u32 v41, v2;
	v0 =	vld.idx.msk [tilespmem:v4+s16+$0x0], $0xffff  }
0x3c3: {  	v4 =	vor.u32 s29, v16;
	_ =	sdelay $0x3  }
0x3c4: {  	[tilespmem:v3+s20+$0x0] =	vst.idx.msk $0xffff, v0  }
0x3c5: {  	v3 =	vor.u32 v43, v2;
	v0 =	vld.idx.msk [tilespmem:v4+s16+$0x0], $0xffff  }
0x3c6: {  	v4 =	vor.u32 s29, v36;
	_ =	sdelay $0x3  }
0x3c7: {  	[tilespmem:v3+s20+$0x0] =	vst.idx.msk $0xffff, v0  }
0x3c8: {  	v3 =	vor.u32 v44, v2;
	v0 =	vld.idx.msk [tilespmem:v4+s16+$0x0], $0xffff  }
0x3c9: {  	v4 =	vor.u32 s29, v60;
	_ =	sdelay $0x3  }
0x3ca: {  	[tilespmem:v3+s20+$0x0] =	vst.idx.msk $0xffff, v0  }
0x3cb: {  	v3 =	vor.u32 v28, v2;
	v0 =	vld.idx.msk [tilespmem:v4+s16+$0x0], $0xffff  }
0x3cc: {  	v4 =	vor.u32 s29, v62;
	_ =	sdelay $0x3  }
0x3cd: {  	[tilespmem:v3+s20+$0x0] =	vst.idx.msk $0xffff, v0  }
0x3ce: {  	v3 =	vor.u32 v57, v2;
	v0 =	vld.idx.msk [tilespmem:v4+s16+$0x0], $0xffff  }
0x3cf: {  	v4 =	vor.u32 s29, v53;
	_ =	sdelay $0x3  }
0x3d0: {  	[tilespmem:v3+s20+$0x0] =	vst.idx.msk $0xffff, v0  }
0x3d1: {  	v3 =	vor.u32 v61, v2;
	v0 =	vld.idx.msk [tilespmem:v4+s16+$0x0], $0xffff  }
0x3d2: {  	v4 =	vor.u32 s29, v40;
	_ =	sdelay $0x3  }
0x3d3: {  	[tilespmem:v3+s20+$0x0] =	vst.idx.msk $0xffff, v0  }
0x3d4: {  	v3 =	vor.u32 v49, v2;
	v0 =	vld.idx.msk [tilespmem:v4+s16+$0x0], $0xffff  }
0x3d5: {  	v4 =	vor.u32 s29, v35;
	_ =	sdelay $0x3  }
0x3d6: {  	[tilespmem:v3+s20+$0x0] =	vst.idx.msk $0xffff, v0  }
0x3d7: {  	v3 =	vor.u32 v50, v2;
	v0 =	vld.idx.msk [tilespmem:v4+s16+$0x0], $0xffff  }
0x3d8: {  	v4 =	vor.u32 s29, v45;
	_ =	sdelay $0x3  }
0x3d9: {  	[tilespmem:v3+s20+$0x0] =	vst.idx.msk $0xffff, v0  }
0x3da: {  	v3 =	vor.u32 v51, v2;
	v0 =	vld.idx.msk [tilespmem:v4+s16+$0x0], $0xffff  }
0x3db: {  	v4 =	vor.u32 s29, v47;
	_ =	sdelay $0x3  }
0x3dc: {  	[tilespmem:v3+s20+$0x0] =	vst.idx.msk $0xffff, v0  }
0x3dd: {  	v0 =	vor.u32 v1, v2;
	v1 =	vld.idx.msk [tilespmem:v4+s16+$0x0], $0xffff  }
0x3de: {  	s26 =	sadd.s32 $0x3, s26  }
0x3df: {  	s28 =	sshll.u32 s28, $0x11;
	p1 =	sge.u32 s26, s6  }
0x3e0: {  	s28 =	sor.u32 s10, s28;
	s26 =	sshll.u32 @!p1 s26, $0xF;
	v63 =	vmov v39  }
.Ltmp8:
0x3e1: {  	s28 =	sshrl.u32 s28, $0x3;
	s26 =	sor.u32 @!p1 s8, s26;
	v11 =	vmovc v18;
	v18 =	vmovc v24;
	v32 =	vmov v8;
	v42 =	vmov v16;
	v5 =	vmov v46;
	(pc) =	sbr.rel .LBB2_10-.Ltmp8, $4  }
0x3e2: {  	s30 =	simm.s32 @!p1 $0x1000;
	s28 =	sadd.s32 s3, s28;
	s26 =	sshrl.u32 @!p1 s26, $0x3;
	v9 =	vld [tilespmem:$0x1FF00];
	v39 =	vmovc v20;
	v20 =	vmovc v37;
	v37 =	vmov v58;
	v48 =	vmov v5;
	v41 =	vmov v14;
	[tilespmem:v0+s20+$0x0] =	vst.idx.msk $0xffff, v1  }
0x3e3: {  	v7 =	vld [tilespmem:$0x1FEE0];
	v14 =	vmovc v6;
	v43 =	vmovc v21;
	v44 =	vmov v12;
	v12 =	vmov v10;
	v10 =	vmov v30;
	[hbm4b:s28+s5] =	stream.linear.scatter [tilespmem:s20], [sflag:$0x4], $0x1000, $0x38  }
0x3e4: {  	s26 =	sadd.s32 @!p1 s0, s26;
	v46 =	vld [tilespmem:$0x1FED0];
	v28 =	vmovc v62;
	v62 =	vmovc v60;
	v57 =	vmov v25;
	v25 =	vmov v31;
	v31 =	vmov v63;
	s29 =	simm.s32 @!p1 $0x7A1400;
	s28 =	simm.s32 @!p1 $0x400  }
0x3e5: {  	v40 =	vmovc v28;
	v49 =	vmovc v22;
	v22 =	vmov v59;
	v50 =	vmov v17;
	v51 =	vmov v19;
	v2 =	vld [tilespmem:$0x1FEC0];
	[tilespmem:s30], [sflag:$0x2] =	stream.strided.gather @!p1 [hbm4b:s26+s28], $0x1000, s29, s28, $0x38  }
.LBB2_11:
0x3e6: {  	_ =	swait.ge [sflag:s21], $0x1000  }
.Ltmp9:
0x3e7: {  	[sflag:s21] =	ssyncset.done $0x0;
	(pc) =	sbr.rel @p0 .LBB2_15-.Ltmp9, $4  }
0x3e8: {  	[sflag:s21] =	ssyncadd.s32 $0xFFFFF000  }
0x3e9: {  	_ =	swait.ge [sflag:s22], $0x1000  }
0x3ea: {  	[sflag:s22] =	ssyncset.done $0x0  }
0x3eb: {  	[sflag:s22] =	ssyncadd.s32 $0xFFFFF000  }
0x3ec: {  	s25 =	simm.s32 $0x0  }
0x3ed: {  	[tilespmem:s23], [sflag:$0x1] =	stream.linear.gather [hbm4b:s1+s25], $0x1000, $0x38;
	[tilespmem:$0x5000] =	vst v63  }
0x3ee: {  	_ =	swait.ge [sflag:s17], $0x1000  }
0x3ef: {  	v1 =	vor.u32 s25, v39;
	v59 =	vld [tilespmem:$0x1FD10]  }
0x3f0: {  	v0 =	vmov s25;
	v8 =	vld [tilespmem:$0x1FD20]  }
0x3f1: {  	v0 =	vshll.u32 v0, $0x5  }
0x3f2: {  	[sflag:s17] =	ssyncset.done $0x0;
	v0 =	vor.u32 v2, v0  }
0x3f3: {  	[sflag:s17] =	ssyncadd.s32 $0xFFFFF000;
	v0 =	vand.u32 $0x780, v0  }
0x3f4: {  	v6 =	vmov v2;
	v1 =	vld.idx.msk [tilespmem:v1+s23+$0x0], $0xffff;
	v2 =	vor.u32 v59, v0  }
0x3f5: {  	v3 =	vor.u32 s25, v8;
	_ =	sdelay $0x3  }
0x3f6: {  	[tilespmem:v2+s18+$0x0] =	vst.idx.msk $0xffff, v1  }
0x3f7: {  	v2 =	vor.u32 v44, v0;
	v1 =	vld.idx.msk [tilespmem:v3+s23+$0x0], $0xffff  }
0x3f8: {  	v3 =	vor.u32 s25, v46;
	_ =	sdelay $0x3  }
0x3f9: {  	[tilespmem:v2+s18+$0x0] =	vst.idx.msk $0xffff, v1  }
0x3fa: {  	v2 =	vor.u32 v7, v0;
	v1 =	vld.idx.msk [tilespmem:v3+s23+$0x0], $0xffff  }
0x3fb: {  	v13 =	vld [tilespmem:$0x1FD30];
	v3 =	vor.u32 s25, v50;
	_ =	sdelay $0x3  }
0x3fc: {  	[tilespmem:v2+s18+$0x0] =	vst.idx.msk $0xffff, v1  }
0x3fd: {  	v2 =	vor.u32 v13, v0;
	v1 =	vld.idx.msk [tilespmem:v3+s23+$0x0], $0xffff  }
0x3fe: {  	v3 =	vor.u32 s25, v41;
	_ =	sdelay $0x3  }
0x3ff: {  	[tilespmem:v2+s18+$0x0] =	vst.idx.msk $0xffff, v1  }
0x400: {  	v2 =	vor.u32 v15, v0;
	v1 =	vld.idx.msk [tilespmem:v3+s23+$0x0], $0xffff  }
0x401: {  	v3 =	vor.u32 s25, v11  }
0x402: {  	v16 =	vmov v46;
	v46 =	vld [tilespmem:$0x1FD40];
	_ =	sdelay $0x2  }
0x403: {  	[tilespmem:v2+s18+$0x0] =	vst.idx.msk $0xffff, v1  }
0x404: {  	v2 =	vor.u32 v51, v0;
	v1 =	vld.idx.msk [tilespmem:v3+s23+$0x0], $0xffff  }
0x405: {  	v3 =	vor.u32 s25, v46;
	_ =	sdelay $0x3  }
0x406: {  	[tilespmem:v2+s18+$0x0] =	vst.idx.msk $0xffff, v1  }
0x407: {  	v2 =	vor.u32 v43, v0;
	v1 =	vld.idx.msk [tilespmem:v3+s23+$0x0], $0xffff  }
0x408: {  	v3 =	vor.u32 s25, v12;
	_ =	sdelay $0x3  }
0x409: {  	[tilespmem:v2+s18+$0x0] =	vst.idx.msk $0xffff, v1  }
0x40a: {  	v2 =	vor.u32 v9, v0;
	v1 =	vld.idx.msk [tilespmem:v3+s23+$0x0], $0xffff  }
0x40b: {  	v24 =	vld [tilespmem:$0x1FD50];
	v3 =	vor.u32 s25, v20;
	_ =	sdelay $0x3  }
0x40c: {  	[tilespmem:v2+s18+$0x0] =	vst.idx.msk $0xffff, v1  }
0x40d: {  	v2 =	vor.u32 v24, v0;
	v1 =	vld.idx.msk [tilespmem:v3+s23+$0x0], $0xffff  }
0x40e: {  	v3 =	vor.u32 s25, v57;
	_ =	sdelay $0x3  }
0x40f: {  	[tilespmem:v2+s18+$0x0] =	vst.idx.msk $0xffff, v1  }
0x410: {  	v1 =	vld.idx.msk [tilespmem:v3+s23+$0x0], $0xffff  }
0x411: {  	v3 =	vld [tilespmem:$0x1FD60];
	_ =	sdelay $0x3  }
0x412: {  	v2 =	vor.u32 v54, v0  }
0x413: {  	v3 =	vor.u32 s25, v3;
	_ =	sdelay $0x3  }
0x414: {  	[tilespmem:v2+s18+$0x0] =	vst.idx.msk $0xffff, v1  }
0x415: {  	v2 =	vor.u32 v34, v0;
	v1 =	vld.idx.msk [tilespmem:v3+s23+$0x0], $0xffff  }
0x416: {  	v3 =	vor.u32 s25, v33;
	_ =	sdelay $0x3  }
0x417: {  	[tilespmem:v2+s18+$0x0] =	vst.idx.msk $0xffff, v1  }
0x418: {  	v2 =	vor.u32 v37, v0;
	v1 =	vld.idx.msk [tilespmem:v3+s23+$0x0], $0xffff  }
0x419: {  	v3 =	vor.u32 s25, v26;
	_ =	sdelay $0x3  }
0x41a: {  	[tilespmem:v2+s18+$0x0] =	vst.idx.msk $0xffff, v1  }
0x41b: {  	v2 =	vor.u32 v32, v0;
	v1 =	vld.idx.msk [tilespmem:v3+s23+$0x0], $0xffff  }
0x41c: {  	v3 =	vor.u32 s25, v52;
	_ =	sdelay $0x3  }
0x41d: {  	[tilespmem:v2+s18+$0x0] =	vst.idx.msk $0xffff, v1  }
0x41e: {  	v2 =	vor.u32 v29, v0;
	v1 =	vld.idx.msk [tilespmem:v3+s23+$0x0], $0xffff  }
0x41f: {  	v3 =	vor.u32 s25, v18;
	_ =	sdelay $0x2  }
0x420: {  	v17 =	vld [tilespmem:$0x1FE70]  }
0x421: {  	v18 =	vld [tilespmem:$0x1FE80];
	[tilespmem:v2+s18+$0x0] =	vst.idx.msk $0xffff, v1  }
0x422: {  	v2 =	vor.u32 v49, v0;
	v1 =	vld.idx.msk [tilespmem:v3+s23+$0x0], $0xffff  }
0x423: {  	v3 =	vor.u32 s25, v14;
	_ =	sdelay $0x1  }
0x424: {  	v58 =	vld [tilespmem:$0x1FD70]  }
0x425: {  	v30 =	vld [tilespmem:$0x1FD80];
	v4 =	vcombine.low v17, v18  }
0x426: {  	v5 =	vmov v39;
	v41 =	vld [tilespmem:$0x1FDA0];
	[tilespmem:v2+s18+$0x0] =	vst.idx.msk $0xffff, v1  }
0x427: {  	v2 =	vor.u32 v4, v0;
	v1 =	vld.idx.msk [tilespmem:v3+s23+$0x0], $0xffff;
	v3 =	vor.u32 $0x800, v5  }
0x428: {  	v32 =	vld [tilespmem:$0x1FD90];
	[tilespmem:$0x1FB90] =	vst v3;
	v3 =	vor.u32 s25, v3;
	_ =	sdelay $0x1  }
0x429: {  	v61 =	vmov v50;
	v50 =	vld [tilespmem:$0x1FDC0]  }
0x42a: {  	v19 =	vmov v51;
	v47 =	vmov v22;
	v22 =	vmov v25;
	v51 =	vld [tilespmem:$0x1FDD0]  }
0x42b: {  	v25 =	vmov v57;
	v57 =	vmov v22;
	v18 =	vmov v40;
	v40 =	vld [tilespmem:$0x1FDB0];
	[tilespmem:v2+s18+$0x0] =	vst.idx.msk $0xffff, v1  }
0x42c: {  	v14 =	vsel vm0, v41, v32;
	[tilespmem:$0x1FB80] =	vst v4;
	v4 =	vmov v10;
	v5 =	vsel vm0, v30, v58;
	v1 =	vld.idx.msk [tilespmem:v3+s23+$0x0], $0xffff  }
0x42d: {  	v22 =	vmovc v12;
	v10 =	vmovc v16;
	v16 =	vmov v4;
	v12 =	vcombine.low v14, v5;
	v3 =	vor.u32 s25, v4;
	v4 =	vld [tilespmem:$0x1FDE0];
	_ =	sdelay $0x1  }
0x42e: {  	v45 =	vld [tilespmem:$0x1FDF0];
	v2 =	vor.u32 v12, v0  }
0x42f: {  	v21 =	vld [tilespmem:$0x1FE10]  }
0x430: {  	v27 =	vld [tilespmem:$0x1FE20];
	[tilespmem:$0x1FBA0] =	vst v14  }
0x431: {  	[tilespmem:$0x1FBB0] =	vst v5;
	v5 =	vsel vm0, v50, v40;
	v14 =	vld [tilespmem:$0x1FE00];
	v23 =	vmov v12;
	v12 =	vsel vm0, v4, v51  }
0x432: {  	[tilespmem:$0x1FBC0] =	vst v12;
	v12 =	vcombine.low v12, v5  }
0x433: {  	[tilespmem:v2+s18+$0x0] =	vst.idx.msk $0xffff, v1  }
0x434: {  	v1 =	vld.idx.msk [tilespmem:v3+s23+$0x0], $0xffff;
	v2 =	vor.u32 v12, v0;
	_ =	sdelay $0x1  }
0x435: {  	v44 =	vld [tilespmem:$0x1FE30];
	[tilespmem:$0x1FBD0] =	vst v5;
	v28 =	vsel vm0, v14, v45;
	v3 =	vor.u32 s25, v57;
	v5 =	vsel vm0, v27, v21  }
0x436: {  	v43 =	vld [tilespmem:$0x1FE60];
	[tilespmem:$0x1FBE0] =	vst v5;
	v5 =	vcombine.low v5, v28  }
0x437: {  	v49 =	vld [tilespmem:$0x1FE40]  }
0x438: {  	v38 =	vmov v5;
	[tilespmem:v2+s18+$0x0] =	vst.idx.msk $0xffff, v1;
	v2 =	vor.u32 v5, v0;
	v5 =	vld [tilespmem:$0x1FE50];
	_ =	sdelay $0x1  }
0x439: {  	v1 =	vld.idx.msk [tilespmem:v3+s23+$0x0], $0xffff  }
0x43a: {  	v3 =	vor.u32 s25, v47;
	_ =	sdelay $0x1  }
0x43b: {  	v53 =	vmovc v56;
	v60 =	vmovc v48;
	v56 =	vmov v47;
	v47 =	vsel vm0, v49, v44;
	v48 =	vsel vm0, v43, v5  }
0x43c: {  	v39 =	vmovc v37;
	v37 =	vmov v54;
	v54 =	vmov v12;
	v12 =	vcombine.low v48, v47  }
0x43d: {  	[tilespmem:v2+s18+$0x0] =	vst.idx.msk $0xffff, v1  }
0x43e: {  	v1 =	vld.idx.msk [tilespmem:v3+s23+$0x0], $0xffff;
	v2 =	vor.u32 v12, v0  }
0x43f: {  	v3 =	vor.u32 s25, v31;
	_ =	sdelay $0x1  }
0x440: {  	v42 =	vmovc v52;
	v52 =	vmov v12;
	v12 =	vsel vm0, v32, v30;
	v32 =	vsel vm0, v58, v41  }
0x441: {  	v17 =	vmov v61;
	v61 =	vmov v59;
	v59 =	vcombine.low v32, v12  }
0x442: {  	[tilespmem:v2+s18+$0x0] =	vst.idx.msk $0xffff, v1  }
0x443: {  	v2 =	vor.u32 v59, v0;
	v1 =	vld.idx.msk [tilespmem:v3+s23+$0x0], $0xffff  }
0x444: {  	v3 =	vor.u32 s25, v53;
	_ =	sdelay $0x1  }
0x445: {  	v63 =	vsel vm0, v51, v50;
	v50 =	vsel vm0, v40, v4  }
0x446: {  	v36 =	vcombine.low v50, v63  }
0x447: {  	[tilespmem:v2+s18+$0x0] =	vst.idx.msk $0xffff, v1  }
0x448: {  	v2 =	vor.u32 v36, v0;
	v1 =	vld.idx.msk [tilespmem:v3+s23+$0x0], $0xffff  }
0x449: {  	v3 =	vor.u32 s25, v60;
	_ =	sdelay $0x3  }
0x44a: {  	[tilespmem:v2+s18+$0x0] =	vst.idx.msk $0xffff, v1  }
0x44b: {  	v1 =	vld.idx.msk [tilespmem:v3+s23+$0x0], $0xffff  }
0x44c: {  	v3 =	vld [tilespmem:$0x1FFF0]  }
0x44d: {  	v14 =	vsel vm0, v21, v14;
	v51 =	vsel vm0, v45, v27  }
0x44e: {  	v41 =	vcombine.low v51, v14;
	_ =	sdelay $0x1  }
0x44f: {  	v2 =	vor.u32 v41, v0  }
0x450: {  	v62 =	vmov v3;
	v3 =	vor.u32 s25, v3;
	_ =	sdelay $0x3  }
0x451: {  	[tilespmem:v2+s18+$0x0] =	vst.idx.msk $0xffff, v1  }
0x452: {  	v1 =	vld.idx.msk [tilespmem:v3+s23+$0x0], $0xffff  }
0x453: {  	v3 =	vld [tilespmem:$0x1FFE0]  }
0x454: {  	v4 =	vsel vm0, v5, v49;
	v5 =	vsel vm0, v44, v43  }
0x455: {  	v43 =	vcombine.low v5, v4;
	_ =	sdelay $0x1  }
0x456: {  	v2 =	vor.u32 v43, v0  }
0x457: {  	v55 =	vmov v31;
	v31 =	vmov v3;
	v3 =	vor.u32 s25, v3;
	_ =	sdelay $0x1  }
0x458: {  	[tilespmem:$0x1FC00] =	vst v4;
	v4 =	vld [tilespmem:$0x1FBA0]  }
0x459: {  	[tilespmem:$0x1FBF0] =	vst v5;
	v5 =	vld [tilespmem:$0x1FBB0]  }
0x45a: {  	[tilespmem:v2+s18+$0x0] =	vst.idx.msk $0xffff, v1  }
0x45b: {  	v1 =	vld.idx.msk [tilespmem:v3+s23+$0x0], $0xffff  }
0x45c: {  	v3 =	vld [tilespmem:$0x1FFC0];
	_ =	sdelay $0x1  }
0x45d: {  	v44 =	vcombine.low v5, v4;
	v4 =	vld [tilespmem:$0x1FBC0]  }
0x45e: {  	v5 =	vld [tilespmem:$0x1FBD0]  }
0x45f: {  	v2 =	vor.u32 v44, v0  }
0x460: {  	v35 =	vmovc v57;
	v57 =	vmov v53;
	v53 =	vmov v3;
	v3 =	vor.u32 s25, v3;
	_ =	sdelay $0x2  }
0x461: {  	v30 =	vcombine.low v5, v4  }
0x462: {  	[tilespmem:v2+s18+$0x0] =	vst.idx.msk $0xffff, v1  }
0x463: {  	v2 =	vor.u32 v30, v0;
	v1 =	vld.idx.msk [tilespmem:v3+s23+$0x0], $0xffff  }
0x464: {  	v3 =	vor.u32 s25, v18;
	_ =	sdelay $0x2  }
0x465: {  	v4 =	vld [tilespmem:$0x1FBE0]  }
0x466: {  	[tilespmem:v2+s18+$0x0] =	vst.idx.msk $0xffff, v1  }
0x467: {  	v1 =	vld.idx.msk [tilespmem:v3+s23+$0x0], $0xffff  }
0x468: {  	v3 =	vld [tilespmem:$0x1FFB0];
	_ =	sdelay $0x1  }
0x469: {  	v40 =	vmov v18;
	v18 =	vcombine.low v28, v4;
	_ =	sdelay $0x1  }
0x46a: {  	v2 =	vor.u32 v18, v0  }
0x46b: {  	v45 =	vmov v3;
	v3 =	vor.u32 s25, v3;
	_ =	sdelay $0x3  }
0x46c: {  	[tilespmem:v2+s18+$0x0] =	vst.idx.msk $0xffff, v1  }
0x46d: {  	v1 =	vld.idx.msk [tilespmem:v3+s23+$0x0], $0xffff  }
0x46e: {  	v3 =	vld [tilespmem:$0x1FFA0];
	_ =	sdelay $0x1  }
0x46f: {  	v48 =	vcombine.low v47, v48;
	_ =	sdelay $0x1  }
0x470: {  	v2 =	vor.u32 v48, v0  }
0x471: {  	v28 =	vmov v3;
	v3 =	vor.u32 s25, v3;
	_ =	sdelay $0x3  }
0x472: {  	[tilespmem:v2+s18+$0x0] =	vst.idx.msk $0xffff, v1  }
0x473: {  	v1 =	vld.idx.msk [tilespmem:v3+s23+$0x0], $0xffff  }
0x474: {  	v3 =	vld [tilespmem:$0x1FF90];
	_ =	sdelay $0x1  }
0x475: {  	v49 =	vcombine.low v12, v32;
	_ =	sdelay $0x1  }
0x476: {  	v2 =	vor.u32 v49, v0  }
0x477: {  	v47 =	vmov v3;
	v3 =	vor.u32 s25, v3;
	_ =	sdelay $0x2  }
0x478: {  	v50 =	vcombine.low v63, v50  }
0x479: {  	[tilespmem:v2+s18+$0x0] =	vst.idx.msk $0xffff, v1  }
0x47a: {  	v2 =	vor.u32 v50, v0;
	v1 =	vld.idx.msk [tilespmem:v3+s23+$0x0], $0xffff;
	_ =	sdelay $0x1  }
0x47b: {  	v3 =	vld [tilespmem:$0x1FF60];
	_ =	sdelay $0x2  }
0x47c: {  	[tilespmem:v2+s18+$0x0] =	vst.idx.msk $0xffff, v1;
	v1 =	vld [tilespmem:$0x1FF40];
	_ =	sdelay $0x1  }
0x47d: {  	v5 =	vmov v3;
	v3 =	vor.u32 s25, v3;
	_ =	sdelay $0x1  }
0x47e: {  	v12 =	vld [tilespmem:$0x1FC00]  }
0x47f: {  	v58 =	vmovc v60;
	v51 =	vcombine.low v14, v51;
	v60 =	vmov v1;
	v4 =	vor.u32 s25, v1;
	v1 =	vld [tilespmem:$0x1FBF0];
	_ =	sdelay $0x1  }
0x480: {  	v2 =	vld.idx.msk [tilespmem:v3+s23+$0x0], $0xffff;
	v3 =	vor.u32 v51, v0;
	_ =	sdelay $0x2  }
0x481: {  	v1 =	vcombine.low v12, v1  }
0x482: {  	v27 =	vld [tilespmem:$0x1FD60]  }
0x483: {  	[tilespmem:v3+s18+$0x0] =	vst.idx.msk $0xffff, v2;
	v3 =	vor.u32 v1, v0;
	v0 =	vld [tilespmem:$0x1FF80]  }
0x484: {  	v21 =	vld [tilespmem:$0x1FF70]  }
0x485: {  	v63 =	vld [tilespmem:$0x1FF30]  }
0x486: {  	v14 =	vld [tilespmem:$0x1FF20]  }
0x487: {  	v32 =	vld [tilespmem:$0x1FF50];
	s25 =	simm.s32 $0x10  }
0x488: {  	s26 =	simm.s32 $0x20;
	v2 =	vld.idx.msk [tilespmem:v4+s23+$0x0], $0xffff;
	v12 =	vmov v0;
	v0 =	vor.u32 s25, v0  }
.LBB2_13:
0x489: {  	_ =	sdelay $0x1  }
0x48a: {  	v4 =	vmov s25  }
0x48b: {  	v4 =	vshll.u32 v4, $0x5  }
0x48c: {  	v4 =	vor.u32 v6, v4;
	[tilespmem:v3+s18+$0x0] =	vst.idx.msk $0xffff, v2  }
0x48d: {  	v2 =	vld.idx.msk [tilespmem:v0+s23+$0x0], $0xffff;
	v0 =	vand.u32 $0x780, v4  }
0x48e: {  	v3 =	vor.u32 v61, v0  }
0x48f: {  	v4 =	vor.u32 s25, v8;
	_ =	sdelay $0x3  }
0x490: {  	[tilespmem:v3+s18+$0x0] =	vst.idx.msk $0xffff, v2  }
0x491: {  	v3 =	vor.u32 v63, v0;
	v2 =	vld.idx.msk [tilespmem:v4+s23+$0x0], $0xffff  }
0x492: {  	v4 =	vor.u32 s25, v10;
	_ =	sdelay $0x3  }
0x493: {  	[tilespmem:v3+s18+$0x0] =	vst.idx.msk $0xffff, v2  }
0x494: {  	v3 =	vor.u32 v7, v0;
	v2 =	vld.idx.msk [tilespmem:v4+s23+$0x0], $0xffff  }
0x495: {  	v4 =	vor.u32 s25, v17;
	_ =	sdelay $0x3  }
0x496: {  	[tilespmem:v3+s18+$0x0] =	vst.idx.msk $0xffff, v2  }
0x497: {  	v3 =	vor.u32 v13, v0;
	v2 =	vld.idx.msk [tilespmem:v4+s23+$0x0], $0xffff  }
0x498: {  	v4 =	vor.u32 s25, v14;
	_ =	sdelay $0x3  }
0x499: {  	[tilespmem:v3+s18+$0x0] =	vst.idx.msk $0xffff, v2  }
0x49a: {  	v3 =	vor.u32 v15, v0;
	v2 =	vld.idx.msk [tilespmem:v4+s23+$0x0], $0xffff  }
0x49b: {  	v4 =	vor.u32 s25, v11;
	_ =	sdelay $0x3  }
0x49c: {  	[tilespmem:v3+s18+$0x0] =	vst.idx.msk $0xffff, v2  }
0x49d: {  	v3 =	vor.u32 v19, v0;
	v2 =	vld.idx.msk [tilespmem:v4+s23+$0x0], $0xffff  }
0x49e: {  	v4 =	vor.u32 s25, v46;
	_ =	sdelay $0x3  }
0x49f: {  	[tilespmem:v3+s18+$0x0] =	vst.idx.msk $0xffff, v2  }
0x4a0: {  	v3 =	vor.u32 v21, v0;
	v2 =	vld.idx.msk [tilespmem:v4+s23+$0x0], $0xffff  }
0x4a1: {  	v4 =	vor.u32 s25, v22;
	_ =	sdelay $0x3  }
0x4a2: {  	[tilespmem:v3+s18+$0x0] =	vst.idx.msk $0xffff, v2  }
0x4a3: {  	v3 =	vor.u32 v9, v0;
	v2 =	vld.idx.msk [tilespmem:v4+s23+$0x0], $0xffff  }
0x4a4: {  	v4 =	vor.u32 s25, v20;
	_ =	sdelay $0x3  }
0x4a5: {  	[tilespmem:v3+s18+$0x0] =	vst.idx.msk $0xffff, v2  }
0x4a6: {  	v3 =	vor.u32 v24, v0;
	v2 =	vld.idx.msk [tilespmem:v4+s23+$0x0], $0xffff  }
0x4a7: {  	v4 =	vor.u32 s25, v25;
	_ =	sdelay $0x3  }
0x4a8: {  	[tilespmem:v3+s18+$0x0] =	vst.idx.msk $0xffff, v2  }
0x4a9: {  	v3 =	vor.u32 v37, v0;
	v2 =	vld.idx.msk [tilespmem:v4+s23+$0x0], $0xffff  }
0x4aa: {  	v4 =	vor.u32 s25, v27;
	_ =	sdelay $0x3  }
0x4ab: {  	[tilespmem:v3+s18+$0x0] =	vst.idx.msk $0xffff, v2  }
0x4ac: {  	v3 =	vor.u32 v34, v0;
	v2 =	vld.idx.msk [tilespmem:v4+s23+$0x0], $0xffff  }
0x4ad: {  	v4 =	vor.u32 s25, v33;
	_ =	sdelay $0x3  }
0x4ae: {  	[tilespmem:v3+s18+$0x0] =	vst.idx.msk $0xffff, v2  }
0x4af: {  	v3 =	vor.u32 v39, v0;
	v2 =	vld.idx.msk [tilespmem:v4+s23+$0x0], $0xffff  }
0x4b0: {  	v4 =	vor.u32 s25, v26;
	_ =	sdelay $0x3  }
0x4b1: {  	[tilespmem:v3+s18+$0x0] =	vst.idx.msk $0xffff, v2  }
0x4b2: {  	v3 =	vor.u32 v32, v0;
	v2 =	vld.idx.msk [tilespmem:v4+s23+$0x0], $0xffff  }
0x4b3: {  	v4 =	vor.u32 s25, v42;
	_ =	sdelay $0x3  }
0x4b4: {  	[tilespmem:v3+s18+$0x0] =	vst.idx.msk $0xffff, v2  }
0x4b5: {  	v2 =	vld.idx.msk [tilespmem:v4+s23+$0x0], $0xffff  }
0x4b6: {  	v4 =	vld [tilespmem:$0x1FEB0];
	_ =	sdelay $0x3  }
0x4b7: {  	v3 =	vor.u32 v29, v0  }
0x4b8: {  	v4 =	vor.u32 s25, v4;
	_ =	sdelay $0x3  }
0x4b9: {  	[tilespmem:v3+s18+$0x0] =	vst.idx.msk $0xffff, v2;
	v3 =	vld [tilespmem:$0x1FEA0]  }
0x4ba: {  	v2 =	vld.idx.msk [tilespmem:v4+s23+$0x0], $0xffff  }
0x4bb: {  	v4 =	vld [tilespmem:$0x1FE90];
	_ =	sdelay $0x3  }
0x4bc: {  	v3 =	vor.u32 v3, v0  }
0x4bd: {  	v4 =	vor.u32 s25, v4;
	_ =	sdelay $0x3  }
0x4be: {  	[tilespmem:v3+s18+$0x0] =	vst.idx.msk $0xffff, v2;
	v3 =	vld [tilespmem:$0x1FB80]  }
0x4bf: {  	v2 =	vld.idx.msk [tilespmem:v4+s23+$0x0], $0xffff  }
0x4c0: {  	v4 =	vld [tilespmem:$0x1FB90];
	_ =	sdelay $0x3  }
0x4c1: {  	v3 =	vor.u32 v3, v0  }
0x4c2: {  	v4 =	vor.u32 s25, v4;
	_ =	sdelay $0x3  }
0x4c3: {  	[tilespmem:v3+s18+$0x0] =	vst.idx.msk $0xffff, v2  }
0x4c4: {  	v3 =	vor.u32 v23, v0;
	v2 =	vld.idx.msk [tilespmem:v4+s23+$0x0], $0xffff  }
0x4c5: {  	v4 =	vor.u32 s25, v16;
	_ =	sdelay $0x3  }
0x4c6: {  	[tilespmem:v3+s18+$0x0] =	vst.idx.msk $0xffff, v2  }
0x4c7: {  	v3 =	vor.u32 v54, v0;
	v2 =	vld.idx.msk [tilespmem:v4+s23+$0x0], $0xffff  }
0x4c8: {  	v4 =	vor.u32 s25, v35;
	_ =	sdelay $0x3  }
0x4c9: {  	[tilespmem:v3+s18+$0x0] =	vst.idx.msk $0xffff, v2  }
0x4ca: {  	v3 =	vor.u32 v38, v0;
	v2 =	vld.idx.msk [tilespmem:v4+s23+$0x0], $0xffff  }
0x4cb: {  	v4 =	vor.u32 s25, v56;
	_ =	sdelay $0x3  }
0x4cc: {  	[tilespmem:v3+s18+$0x0] =	vst.idx.msk $0xffff, v2  }
0x4cd: {  	v3 =	vor.u32 v52, v0;
	v2 =	vld.idx.msk [tilespmem:v4+s23+$0x0], $0xffff  }
0x4ce: {  	v4 =	vor.u32 s25, v55;
	_ =	sdelay $0x3  }
0x4cf: {  	[tilespmem:v3+s18+$0x0] =	vst.idx.msk $0xffff, v2  }
0x4d0: {  	v3 =	vor.u32 v59, v0;
	v2 =	vld.idx.msk [tilespmem:v4+s23+$0x0], $0xffff  }
0x4d1: {  	v4 =	vor.u32 s25, v57;
	_ =	sdelay $0x3  }
0x4d2: {  	[tilespmem:v3+s18+$0x0] =	vst.idx.msk $0xffff, v2  }
0x4d3: {  	v3 =	vor.u32 v36, v0;
	v2 =	vld.idx.msk [tilespmem:v4+s23+$0x0], $0xffff  }
0x4d4: {  	v4 =	vor.u32 s25, v58;
	_ =	sdelay $0x3  }
0x4d5: {  	[tilespmem:v3+s18+$0x0] =	vst.idx.msk $0xffff, v2  }
0x4d6: {  	v3 =	vor.u32 v41, v0;
	v2 =	vld.idx.msk [tilespmem:v4+s23+$0x0], $0xffff  }
0x4d7: {  	v4 =	vor.u32 s25, v62;
	_ =	sdelay $0x3  }
0x4d8: {  	[tilespmem:v3+s18+$0x0] =	vst.idx.msk $0xffff, v2  }
0x4d9: {  	v3 =	vor.u32 v43, v0;
	v2 =	vld.idx.msk [tilespmem:v4+s23+$0x0], $0xffff  }
0x4da: {  	v4 =	vor.u32 s25, v31;
	_ =	sdelay $0x3  }
0x4db: {  	[tilespmem:v3+s18+$0x0] =	vst.idx.msk $0xffff, v2  }
0x4dc: {  	v3 =	vor.u32 v44, v0;
	v2 =	vld.idx.msk [tilespmem:v4+s23+$0x0], $0xffff  }
0x4dd: {  	v4 =	vor.u32 s25, v53;
	_ =	sdelay $0x3  }
0x4de: {  	[tilespmem:v3+s18+$0x0] =	vst.idx.msk $0xffff, v2  }
0x4df: {  	v3 =	vor.u32 v30, v0;
	v2 =	vld.idx.msk [tilespmem:v4+s23+$0x0], $0xffff  }
0x4e0: {  	v4 =	vor.u32 s25, v40;
	_ =	sdelay $0x3  }
0x4e1: {  	[tilespmem:v3+s18+$0x0] =	vst.idx.msk $0xffff, v2  }
0x4e2: {  	v3 =	vor.u32 v18, v0;
	v2 =	vld.idx.msk [tilespmem:v4+s23+$0x0], $0xffff  }
0x4e3: {  	v4 =	vor.u32 s25, v45;
	_ =	sdelay $0x3  }
0x4e4: {  	[tilespmem:v3+s18+$0x0] =	vst.idx.msk $0xffff, v2  }
0x4e5: {  	v3 =	vor.u32 v48, v0;
	v2 =	vld.idx.msk [tilespmem:v4+s23+$0x0], $0xffff  }
0x4e6: {  	v4 =	vor.u32 s25, v28;
	_ =	sdelay $0x3  }
0x4e7: {  	[tilespmem:v3+s18+$0x0] =	vst.idx.msk $0xffff, v2  }
0x4e8: {  	v3 =	vor.u32 v49, v0;
	v2 =	vld.idx.msk [tilespmem:v4+s23+$0x0], $0xffff  }
0x4e9: {  	v4 =	vor.u32 s25, v47;
	_ =	sdelay $0x3  }
0x4ea: {  	[tilespmem:v3+s18+$0x0] =	vst.idx.msk $0xffff, v2  }
0x4eb: {  	v3 =	vor.u32 v50, v0;
	v2 =	vld.idx.msk [tilespmem:v4+s23+$0x0], $0xffff  }
0x4ec: {  	v4 =	vor.u32 s25, v5;
	_ =	sdelay $0x3  }
0x4ed: {  	[tilespmem:v3+s18+$0x0] =	vst.idx.msk $0xffff, v2  }
0x4ee: {  	v3 =	vor.u32 v51, v0;
	v2 =	vld.idx.msk [tilespmem:v4+s23+$0x0], $0xffff  }
0x4ef: {  	p1 =	sne.s32 s26, $0x30;
	v4 =	vor.u32 s25, v60  }
.Ltmp10:
0x4f0: {  	_ = 	snop;
	(pc) =	sbr.rel @p1 .LBB2_13-.Ltmp10, $3  }
0x4f1: {  	_ =	sdelay $0x1  }
0x4f2: {  	s25 =	smov.u32 s26;
	[tilespmem:v3+s18+$0x0] =	vst.idx.msk $0xffff, v2  }
0x4f3: {  	s26 =	sadd.s32 $0x10, s26;
	v3 =	vor.u32 v1, v0;
	v0 =	vor.u32 s25, v12;
	v2 =	vld.idx.msk [tilespmem:v4+s23+$0x0], $0xffff  }
0x4f4: {  	_ = 	snop  }
0x4f5: {  	v4 =	vmov s25  }
0x4f6: {  	v4 =	vshll.u32 v4, $0x5  }
0x4f7: {  	v4 =	vor.u32 v6, v4  }
0x4f8: {  	[tilespmem:v3+s18+$0x0] =	vst.idx.msk $0xffff, v2;
	v2 =	vand.u32 $0x780, v4  }
0x4f9: {  	v0 =	vld.idx.msk [tilespmem:v0+s23+$0x0], $0xffff;
	v3 =	vor.u32 v61, v2  }
0x4fa: {  	v4 =	vor.u32 s25, v8;
	_ =	sdelay $0x3  }
0x4fb: {  	[tilespmem:v3+s18+$0x0] =	vst.idx.msk $0xffff, v0  }
0x4fc: {  	v3 =	vor.u32 v63, v2;
	v0 =	vld.idx.msk [tilespmem:v4+s23+$0x0], $0xffff  }
0x4fd: {  	v4 =	vor.u32 s25, v10;
	_ =	sdelay $0x3  }
0x4fe: {  	[tilespmem:v3+s18+$0x0] =	vst.idx.msk $0xffff, v0  }
0x4ff: {  	v3 =	vor.u32 v7, v2;
	v0 =	vld.idx.msk [tilespmem:v4+s23+$0x0], $0xffff  }
0x500: {  	v4 =	vor.u32 s25, v17;
	_ =	sdelay $0x3  }
0x501: {  	[tilespmem:v3+s18+$0x0] =	vst.idx.msk $0xffff, v0  }
0x502: {  	v3 =	vor.u32 v13, v2;
	v0 =	vld.idx.msk [tilespmem:v4+s23+$0x0], $0xffff  }
0x503: {  	v4 =	vor.u32 s25, v14;
	_ =	sdelay $0x3  }
0x504: {  	[tilespmem:v3+s18+$0x0] =	vst.idx.msk $0xffff, v0  }
0x505: {  	v3 =	vor.u32 v15, v2;
	v0 =	vld.idx.msk [tilespmem:v4+s23+$0x0], $0xffff  }
0x506: {  	v4 =	vor.u32 s25, v11;
	_ =	sdelay $0x3  }
0x507: {  	[tilespmem:v3+s18+$0x0] =	vst.idx.msk $0xffff, v0  }
0x508: {  	v3 =	vor.u32 v19, v2;
	v0 =	vld.idx.msk [tilespmem:v4+s23+$0x0], $0xffff  }
0x509: {  	v4 =	vor.u32 s25, v46;
	_ =	sdelay $0x3  }
0x50a: {  	[tilespmem:v3+s18+$0x0] =	vst.idx.msk $0xffff, v0  }
0x50b: {  	v3 =	vor.u32 v21, v2;
	v0 =	vld.idx.msk [tilespmem:v4+s23+$0x0], $0xffff  }
0x50c: {  	v4 =	vor.u32 s25, v22;
	_ =	sdelay $0x3  }
0x50d: {  	[tilespmem:v3+s18+$0x0] =	vst.idx.msk $0xffff, v0  }
0x50e: {  	v3 =	vor.u32 v9, v2;
	v0 =	vld.idx.msk [tilespmem:v4+s23+$0x0], $0xffff  }
0x50f: {  	v4 =	vor.u32 s25, v20;
	_ =	sdelay $0x3  }
0x510: {  	[tilespmem:v3+s18+$0x0] =	vst.idx.msk $0xffff, v0  }
0x511: {  	v3 =	vor.u32 v24, v2;
	v0 =	vld.idx.msk [tilespmem:v4+s23+$0x0], $0xffff  }
0x512: {  	v4 =	vor.u32 s25, v25;
	_ =	sdelay $0x3  }
0x513: {  	[tilespmem:v3+s18+$0x0] =	vst.idx.msk $0xffff, v0  }
0x514: {  	v3 =	vor.u32 v37, v2;
	v0 =	vld.idx.msk [tilespmem:v4+s23+$0x0], $0xffff  }
0x515: {  	v4 =	vor.u32 s25, v27;
	_ =	sdelay $0x3  }
0x516: {  	[tilespmem:v3+s18+$0x0] =	vst.idx.msk $0xffff, v0  }
0x517: {  	v3 =	vor.u32 v34, v2;
	v0 =	vld.idx.msk [tilespmem:v4+s23+$0x0], $0xffff  }
0x518: {  	v4 =	vor.u32 s25, v33;
	_ =	sdelay $0x3  }
0x519: {  	[tilespmem:v3+s18+$0x0] =	vst.idx.msk $0xffff, v0  }
0x51a: {  	v3 =	vor.u32 v39, v2;
	v0 =	vld.idx.msk [tilespmem:v4+s23+$0x0], $0xffff  }
0x51b: {  	v4 =	vor.u32 s25, v26;
	_ =	sdelay $0x3  }
0x51c: {  	[tilespmem:v3+s18+$0x0] =	vst.idx.msk $0xffff, v0  }
0x51d: {  	v3 =	vor.u32 v32, v2;
	v0 =	vld.idx.msk [tilespmem:v4+s23+$0x0], $0xffff  }
0x51e: {  	v4 =	vor.u32 s25, v42  }
0x51f: {  	v24 =	vld [tilespmem:$0x1FEB0];
	_ =	sdelay $0x2  }
0x520: {  	[tilespmem:v3+s18+$0x0] =	vst.idx.msk $0xffff, v0  }
0x521: {  	v3 =	vor.u32 v29, v2;
	v0 =	vld.idx.msk [tilespmem:v4+s23+$0x0], $0xffff  }
0x522: {  	v8 =	vld [tilespmem:$0x1FEA0];
	v4 =	vor.u32 s25, v24  }
0x523: {  	v6 =	vld [tilespmem:$0x1FE90];
	_ =	sdelay $0x2  }
0x524: {  	[tilespmem:v3+s18+$0x0] =	vst.idx.msk $0xffff, v0  }
0x525: {  	v3 =	vor.u32 v8, v2;
	v0 =	vld.idx.msk [tilespmem:v4+s23+$0x0], $0xffff  }
0x526: {  	v4 =	vor.u32 s25, v6;
	_ =	sdelay $0x3  }
0x527: {  	[tilespmem:v3+s18+$0x0] =	vst.idx.msk $0xffff, v0;
	v3 =	vld [tilespmem:$0x1FB80]  }
0x528: {  	v0 =	vld.idx.msk [tilespmem:v4+s23+$0x0], $0xffff  }
0x529: {  	v4 =	vld [tilespmem:$0x1FB90];
	_ =	sdelay $0x3  }
0x52a: {  	v3 =	vor.u32 v3, v2  }
0x52b: {  	v4 =	vor.u32 s25, v4;
	_ =	sdelay $0x3  }
0x52c: {  	[tilespmem:v3+s18+$0x0] =	vst.idx.msk $0xffff, v0  }
0x52d: {  	v3 =	vor.u32 v23, v2;
	v0 =	vld.idx.msk [tilespmem:v4+s23+$0x0], $0xffff  }
0x52e: {  	v4 =	vor.u32 s25, v16;
	_ =	sdelay $0x3  }
0x52f: {  	[tilespmem:v3+s18+$0x0] =	vst.idx.msk $0xffff, v0  }
0x530: {  	v3 =	vor.u32 v54, v2;
	v0 =	vld.idx.msk [tilespmem:v4+s23+$0x0], $0xffff  }
0x531: {  	v4 =	vor.u32 s25, v35;
	_ =	sdelay $0x3  }
0x532: {  	[tilespmem:v3+s18+$0x0] =	vst.idx.msk $0xffff, v0  }
0x533: {  	v3 =	vor.u32 v38, v2;
	v0 =	vld.idx.msk [tilespmem:v4+s23+$0x0], $0xffff  }
0x534: {  	v4 =	vor.u32 s25, v56;
	_ =	sdelay $0x3  }
0x535: {  	[tilespmem:v3+s18+$0x0] =	vst.idx.msk $0xffff, v0  }
0x536: {  	v3 =	vor.u32 v52, v2;
	v0 =	vld.idx.msk [tilespmem:v4+s23+$0x0], $0xffff  }
0x537: {  	v4 =	vor.u32 s25, v55;
	_ =	sdelay $0x3  }
0x538: {  	[tilespmem:v3+s18+$0x0] =	vst.idx.msk $0xffff, v0  }
0x539: {  	v3 =	vor.u32 v59, v2;
	v0 =	vld.idx.msk [tilespmem:v4+s23+$0x0], $0xffff  }
0x53a: {  	v4 =	vor.u32 s25, v57;
	_ =	sdelay $0x3  }
0x53b: {  	[tilespmem:v3+s18+$0x0] =	vst.idx.msk $0xffff, v0  }
0x53c: {  	v3 =	vor.u32 v36, v2;
	v0 =	vld.idx.msk [tilespmem:v4+s23+$0x0], $0xffff  }
0x53d: {  	v4 =	vor.u32 s25, v58;
	_ =	sdelay $0x3  }
0x53e: {  	[tilespmem:v3+s18+$0x0] =	vst.idx.msk $0xffff, v0  }
0x53f: {  	v3 =	vor.u32 v41, v2;
	v0 =	vld.idx.msk [tilespmem:v4+s23+$0x0], $0xffff  }
0x540: {  	v4 =	vor.u32 s25, v62;
	_ =	sdelay $0x3  }
0x541: {  	[tilespmem:v3+s18+$0x0] =	vst.idx.msk $0xffff, v0  }
0x542: {  	v3 =	vor.u32 v43, v2;
	v0 =	vld.idx.msk [tilespmem:v4+s23+$0x0], $0xffff  }
0x543: {  	v4 =	vor.u32 s25, v31;
	_ =	sdelay $0x3  }
0x544: {  	[tilespmem:v3+s18+$0x0] =	vst.idx.msk $0xffff, v0  }
0x545: {  	v3 =	vor.u32 v44, v2;
	v0 =	vld.idx.msk [tilespmem:v4+s23+$0x0], $0xffff  }
0x546: {  	v4 =	vor.u32 s25, v53;
	_ =	sdelay $0x3  }
0x547: {  	[tilespmem:v3+s18+$0x0] =	vst.idx.msk $0xffff, v0  }
0x548: {  	v3 =	vor.u32 v30, v2;
	v0 =	vld.idx.msk [tilespmem:v4+s23+$0x0], $0xffff  }
0x549: {  	v4 =	vor.u32 s25, v40;
	_ =	sdelay $0x3  }
0x54a: {  	[tilespmem:v3+s18+$0x0] =	vst.idx.msk $0xffff, v0  }
0x54b: {  	v3 =	vor.u32 v18, v2;
	v0 =	vld.idx.msk [tilespmem:v4+s23+$0x0], $0xffff  }
0x54c: {  	v4 =	vor.u32 s25, v45;
	_ =	sdelay $0x3  }
0x54d: {  	[tilespmem:v3+s18+$0x0] =	vst.idx.msk $0xffff, v0  }
0x54e: {  	v3 =	vor.u32 v48, v2;
	v0 =	vld.idx.msk [tilespmem:v4+s23+$0x0], $0xffff  }
0x54f: {  	v4 =	vor.u32 s25, v28;
	_ =	sdelay $0x3  }
0x550: {  	[tilespmem:v3+s18+$0x0] =	vst.idx.msk $0xffff, v0  }
0x551: {  	v3 =	vor.u32 v49, v2;
	v0 =	vld.idx.msk [tilespmem:v4+s23+$0x0], $0xffff  }
0x552: {  	v4 =	vor.u32 s25, v47;
	_ =	sdelay $0x3  }
0x553: {  	[tilespmem:v3+s18+$0x0] =	vst.idx.msk $0xffff, v0  }
0x554: {  	v3 =	vor.u32 v50, v2;
	v0 =	vld.idx.msk [tilespmem:v4+s23+$0x0], $0xffff  }
0x555: {  	v4 =	vor.u32 s25, v5;
	_ =	sdelay $0x3  }
0x556: {  	[tilespmem:v3+s18+$0x0] =	vst.idx.msk $0xffff, v0  }
0x557: {  	v3 =	vor.u32 v51, v2;
	v0 =	vld.idx.msk [tilespmem:v4+s23+$0x0], $0xffff  }
0x558: {  	v4 =	vor.u32 s25, v60;
	_ =	sdelay $0x3  }
0x559: {  	[tilespmem:v3+s18+$0x0] =	vst.idx.msk $0xffff, v0  }
0x55a: {  	v0 =	vor.u32 v1, v2;
	v1 =	vld.idx.msk [tilespmem:v4+s23+$0x0], $0xffff;
	_ =	sdelay $0x3  }
0x55b: {  	v46 =	vmov v10  }
.Ltmp11:
0x55c: {  	v10 =	vmovc v16;
	v9 =	vmovc v37;
	v37 =	vmov v39;
	v39 =	vmov v12;
	v12 =	vmov v22;
	[tilespmem:v0+s18+$0x0] =	vst.idx.msk $0xffff, v1;
	(pc) =	sbr.rel .LBB2_15-.Ltmp11, $4  }
0x55d: {  	v23 =	vmovc v57;
	v54 =	vmovc v9;
	v52 =	vmov v42;
	v42 =	vmov v62;
	v57 =	vmov v25;
	[hbm4b:s12+s5] =	stream.linear.scatter [tilespmem:s18], [sflag:$0x3], $0x800, $0x38;
	[tilespmem:$0x5000] =	vst v63  }
0x55e: {  	v25 =	vmovc v35;
	v41 =	vmovc v14;
	v14 =	vmov v6;
	v62 =	vmov v53;
	v43 =	vmov v21;
	_ =	swait.ge [sflag:s21], $0x800  }
0x55f: {  	v31 =	vmovc v55;
	v44 =	vmovc v63;
	v18 =	vmov v24;
	v48 =	vmov v58;
	v0 =	vmov v56;
	[sflag:s21] =	ssyncset.done $0x0;
	v2 =	vld [tilespmem:$0x1FEC0]  }
0x560: {  	v49 =	vmovc v8;
	v50 =	vmovc v17;
	v51 =	vmov v19;
	v56 =	vmov v23;
	v22 =	vmov v0;
	v9 =	vld [tilespmem:$0x1FF00];
	[sflag:s21] =	ssyncadd.s32 $0xFFFFF800  }
.LBB2_16:
0x561: {  	_ =	sfence.sel $0x180000  }
0x562: {  	[bflag:$0x0] =	sbarrier.arrive $0xFFFF  }
0x563: {  	p0 =	sne.s32 s4, $0x0;
	_ =	strace $0x90000047  }
0x564: {  	s0 =	sadd.s32 @!p0 $0x100000, s2;
	[bflag:$0x2] =	sbarrier.arrive $0xFFFF  }
0x565: {  	[sflag:s0] =	ssyncadd.tile.s32 @!p0 $0x1;
	_ =	shalt  }
.Lfunc_end2:
_tile_overlayer_lowered:
.L_overlay_start_2:
0x566: {  	(tag) =	ssettag $0x2  }
0x567: {  	s0 =	rddreg [dreg:$0x0];
	s2 =	stileid.u32  }
0x568: {  	s1 =	rddreg [dreg:$0x1];
	p0 =	sne.s32 s2, $0x0  }
0x569: {  	s3 =	rddreg [dreg:$0x2];
	[bflag:$0x3] =	sbarrier.arrive $0xFFFF;
	s2 =	simm.s32 @!p0 $0x1C05  }
0x56a: {  	[timem:s3], [sflag:s2] =	dma.local @!p0 [hbm:s0], s1  }
0x56b: {  	s0 =	simm.s32 @!p0 $0x5  }
0x56c: {  	_ =	swait.ge @!p0 [sflag:s0], s1  }
0x56d: {  	s1 =	ssub.s32 @!p0 $0x0, s1;
	[sflag:s0] =	ssyncset.done @!p0 $0x0  }
0x56e: {  	[sflag:s0] =	ssyncadd.s32 @!p0 s1  }
0x56f: {  	[bflag:$0x3] =	sbarrier.arrive $0xFFFF  }
0x570: {  	_ =	shalt  }

</sc_bundles>
